<compile_context>
chip_gen: v7x
topology: tpu7x:2x2x1
jax: 0.10.2.dev20260603
libtpu: 0.0.44.dev20260713+nightly
codegen_flags: <defaults>
</compile_context>

<pallas_src>
import functools

import jax
import jax.numpy as jnp
from jax import lax
from jax.experimental import pallas as pl
from jax.experimental.pallas import tpu as pltpu
from jax.experimental.pallas import tpu_sc as plsc

_LANES = 16
_RSQRT_MAGIC = 0x5F3759DF


def _rsqrt(x):
    iv = lax.bitcast_convert_type(x, jnp.int32)
    iv = jnp.int32(_RSQRT_MAGIC) - jnp.right_shift(iv, 1)
    y = lax.bitcast_convert_type(iv, jnp.float32)
    xh = x * jnp.float32(-0.5)
    for _ in range(2):
        y = y * (jnp.float32(1.5) + xh * y * y)
    return y


def _tree_sum(vals):
    vals = list(vals)
    while len(vals) > 1:
        nxt = [vals[i] + vals[i + 1] for i in range(0, len(vals) - 1, 2)]
        if len(vals) % 2:
            nxt.append(vals[-1])
        vals = nxt
    return vals[0]


@functools.lru_cache(maxsize=None)
def _build(b, s, vocab, dim, eps):
    info = plsc.get_sparse_core_info()
    nc, ns = info.num_cores, info.num_subcores
    nw = nc * ns
    c_rows = s // 2
    total = b * s
    assert total % nw == 0
    rpw = total // nw
    assert rpw % s == 0
    npair = rpw // s
    nchunks = rpw // c_rows
    nj = dim // _LANES
    inv_dim = 1.0 / dim

    mesh = plsc.VectorSubcoreMesh(core_axis_name="c", subcore_axis_name="s")

    assert nchunks % 4 == 0
    ngroups = nchunks // 4

    @functools.partial(
        pl.kernel,
        out_type=jax.ShapeDtypeStruct((nw, nchunks, c_rows, dim), jnp.float32),
        mesh=mesh,
        compiler_params=pltpu.CompilerParams(
            needs_layout_passes=False, use_tc_tiling_on_sc=False),
        scratch_types=[
            pltpu.VMEM((nchunks, c_rows), jnp.int32),
            pltpu.VMEM((4, c_rows, dim), jnp.float32),
            pltpu.VMEM((s, dim), jnp.float32),
            pltpu.VMEM((dim,), jnp.float32),
            pltpu.VMEM((dim,), jnp.float32),
            pltpu.VMEM((dim,), jnp.float32),
            pltpu.SemaphoreType.DMA,
            pltpu.SemaphoreType.DMA,
            pltpu.SemaphoreType.DMA,
            pltpu.SemaphoreType.DMA,
            pltpu.SemaphoreType.DMA,
            pltpu.SemaphoreType.DMA,
            pltpu.SemaphoreType.DMA,
            pltpu.SemaphoreType.DMA,
        ],
    )
    def emb_ln(ids_hbm, table_hbm, tt_hbm, pos_hbm, gam_hbm, bet_hbm,
               out_hbm, idx_v, rows_v, padd_v, gam_v, bet_v, tt_v,
               g0, g1, g2, g3, o0, o1, o2, o3):
        gsems = [g0, g1, g2, g3]
        osems = [o0, o1, o2, o3]
        wid = lax.axis_index("s") * nc + lax.axis_index("c")
        pltpu.sync_copy(ids_hbm.at[wid], idx_v)
        pltpu.sync_copy(pos_hbm, padd_v)
        pltpu.sync_copy(tt_hbm.at[0], tt_v)
        pltpu.sync_copy(gam_hbm, gam_v)
        pltpu.sync_copy(bet_hbm, bet_v)

        tt_regs = [tt_v[pl.ds(j * _LANES, _LANES)] for j in range(nj)]

        @plsc.parallel_loop(0, s, unroll=2)
        def add_tt(r):
            for j in range(nj):
                sl = pl.ds(j * _LANES, _LANES)
                padd_v[r, sl] = padd_v[r, sl] + tt_regs[j]

        gam_regs = [gam_v[pl.ds(j * _LANES, _LANES)] for j in range(nj)]
        bet_regs = [bet_v[pl.ds(j * _LANES, _LANES)] for j in range(nj)]

        def gather(c, slot):
            return pltpu.make_async_copy(
                table_hbm.at[idx_v.at[c]], rows_v.at[slot], gsems[slot])

        def outcp(c, slot):
            return pltpu.make_async_copy(
                rows_v.at[slot], out_hbm.at[wid, c], osems[slot])

        def compute(slot, s0):
            @plsc.parallel_loop(0, c_rows, unroll=2)
            def row(r):
                xs = []
                for j in range(nj):
                    sl = pl.ds(j * _LANES, _LANES)
                    xs.append(rows_v[slot, r, sl] + padd_v[s0 + r, sl])
                ssum = plsc.cumsum(_tree_sum(xs))[_LANES - 1]
                qsum = plsc.cumsum(_tree_sum([x * x for x in xs]))[_LANES - 1]
                mean = ssum * jnp.float32(inv_dim)
                var = qsum * jnp.float32(inv_dim) - mean * mean
                rstd_s = _rsqrt(var + jnp.float32(eps))
                rstd = jnp.full((_LANES,), rstd_s, jnp.float32)
                mam = jnp.full((_LANES,), mean * rstd_s, jnp.float32)
                for j in range(nj):
                    sl = pl.ds(j * _LANES, _LANES)
                    y = (xs[j] * rstd - mam) * gam_regs[j] + bet_regs[j]
                    rows_v[slot, r, sl] = y

        gather(0, 0).start()
        gather(1, 1).start()

        def group(p, carry):
            for j in range(4):
                c = p * 4 + j
                slot_pf = (j + 2) % 4
                if j < 2:
                    @pl.when(p > 0)
                    def _wait_out():
                        outcp(c - 2, slot_pf).wait()

                    gather(c + 2, slot_pf).start()
                else:
                    outcp(c - 2, slot_pf).wait()

                    @pl.when(p < ngroups - 1)
                    def _prefetch():
                        gather(c + 2, slot_pf).start()

                gather(c, j).wait()
                compute(j, (j % 2) * c_rows)
                outcp(c, j).start()
            return carry

        lax.fori_loop(0, ngroups, group, 0)
        outcp(nchunks - 2, 2).wait()
        outcp(nchunks - 1, 3).wait()

    return emb_ln


def kernel(input_ids, weight, token_type_embeddings, position_embeddings,
           ln_gamma, ln_beta):
    b, s = input_ids.shape
    vocab, dim = weight.shape
    fn = _build(b, s, vocab, dim, 1e-12)
    info = plsc.get_sparse_core_info()
    nw = info.num_cores * info.num_subcores
    c_rows = s // 2
    nchunks = (b * s) // (nw * c_rows)
    ids3 = input_ids.astype(jnp.int32).reshape(nw, nchunks, c_rows)
    out = fn(ids3, weight, token_type_embeddings, position_embeddings[:s],
             ln_gamma, ln_beta)
    return out.reshape(b, s, dim)

# --- scband reference (transcript-rebuilt; emitter-appended) ---
"""Pipeline reference for scband-tfembeddings-85005992722975 (READ-ONLY COPY).

The authoritative reference and input builder live on the scoring server;
editing this copy changes nothing except your own understanding.
"""

import jax, jax.numpy as jnp
import numpy as np

VOCAB = 100000
TYPE_VOCAB = 2
DIM = 128
MAX_POS = 512
B = 4096
S = 200
EPS = 1e-12


def setup_inputs(seed: int = 0) -> dict:
    key = jax.random.key(seed)
    k1, k2, k3, k4 = jax.random.split(key, 4)
    input_ids = jax.random.randint(k1, (B, S), 0, VOCAB, dtype=jnp.int64 if jax.config.jax_enable_x64 else jnp.int32)
    weight = jax.random.normal(k2, (VOCAB, DIM), dtype=jnp.float32) * 0.02
    token_type_embeddings = jax.random.normal(k3, (TYPE_VOCAB, DIM), dtype=jnp.float32) * 0.02
    position_embeddings = jax.random.normal(k4, (MAX_POS, DIM), dtype=jnp.float32) * 0.02
    ln_gamma = jnp.ones((DIM,), dtype=jnp.float32)
    ln_beta = jnp.zeros((DIM,), dtype=jnp.float32)
    return {
        "input_ids": input_ids,
        "weight": weight,
        "token_type_embeddings": token_type_embeddings,
        "position_embeddings": position_embeddings,
        "ln_gamma": ln_gamma,
        "ln_beta": ln_beta,
    }


def reference(input_ids, weight, token_type_embeddings, position_embeddings, ln_gamma, ln_beta):
    # word embedding gather
    inputs_embeds = jnp.take(weight, input_ids, axis=0)  # [B, S, DIM]
    b, s = input_ids.shape
    # default token_type_ids = zeros
    token_type_ids = jnp.zeros((b, s), dtype=jnp.int32)
    # default position_ids = arange(S) broadcast over batch
    position_ids = jnp.arange(s, dtype=jnp.int32)[None, :]  # [1, S]
    position_embeds = jnp.take(position_embeddings, position_ids, axis=0)  # [1, S, DIM]
    token_type_embeds = jnp.take(token_type_embeddings, token_type_ids, axis=0)  # [B, S, DIM]
    final = inputs_embeds + position_embeds + token_type_embeds
    # LayerNorm over last axis, eps=1e-12
    mean = jnp.mean(final, axis=-1, keepdims=True)
    var = jnp.mean(jnp.square(final - mean), axis=-1, keepdims=True)
    normed = (final - mean) / jnp.sqrt(var + EPS)
    out = normed * ln_gamma + ln_beta
    # dropout is identity at inference (training=False)
    return out

if __name__ == "__main__":
    import jax
    _d = setup_inputs()
    print(jax.jit(kernel)(*tuple(_d.values())))

</pallas_src>

<mosaic_0001>
#map = affine_map<(d0, d1) -> (0, 0, 0)>
#map1 = affine_map<(d0, d1) -> (0, 0)>
#map2 = affine_map<(d0, d1) -> (0)>
#map3 = affine_map<(d0, d1) -> (0, 0, 0, 0)>
module attributes {stable_mosaic.version = 14 : i64} {
  func.func @emb_ln(%arg0: i32, %arg1: i32, %arg2: memref<32x256x100xi32, #tpu.memory_space<hbm>>, %arg3: memref<100000x128xf32, #tpu.memory_space<hbm>>, %arg4: memref<2x128xf32, #tpu.memory_space<hbm>>, %arg5: memref<200x128xf32, #tpu.memory_space<hbm>>, %arg6: memref<128xf32, #tpu.memory_space<hbm>>, %arg7: memref<128xf32, #tpu.memory_space<hbm>>, %arg8: memref<32x256x100x128xf32, #tpu.memory_space<hbm>>, %arg9: memref<256x100xi32, #tpu.memory_space<vmem>>, %arg10: memref<4x100x128xf32, #tpu.memory_space<vmem>>, %arg11: memref<200x128xf32, #tpu.memory_space<vmem>>, %arg12: memref<128xf32, #tpu.memory_space<vmem>>, %arg13: memref<128xf32, #tpu.memory_space<vmem>>, %arg14: memref<128xf32, #tpu.memory_space<vmem>>, %arg15: memref<!tpu.dma_semaphore, #tpu.memory_space<semaphore_mem>>, %arg16: memref<!tpu.dma_semaphore, #tpu.memory_space<semaphore_mem>>, %arg17: memref<!tpu.dma_semaphore, #tpu.memory_space<semaphore_mem>>, %arg18: memref<!tpu.dma_semaphore, #tpu.memory_space<semaphore_mem>>, %arg19: memref<!tpu.dma_semaphore, #tpu.memory_space<semaphore_mem>>, %arg20: memref<!tpu.dma_semaphore, #tpu.memory_space<semaphore_mem>>, %arg21: memref<!tpu.dma_semaphore, #tpu.memory_space<semaphore_mem>>, %arg22: memref<!tpu.dma_semaphore, #tpu.memory_space<semaphore_mem>>) attributes {dimension_semantics = [#tpu.dimension_semantics<core_parallel>, #tpu.dimension_semantics<subcore_parallel>], iteration_bounds = array<i64: 2, 16>, scalar_prefetch = 0 : i64, scratch_operands = 14 : i64, tpu.core_type = #tpu.core_type<sc_vector_subcore>, window_params = [{transform_indices = #map}, {transform_indices = #map1}, {transform_indices = #map1}, {transform_indices = #map1}, {transform_indices = #map2}, {transform_indices = #map2}, {transform_indices = #map3}]} {
    %mul3A = arith.constant 2 : i32
    %mul3A_0 = arith.muli %arg1, %mul3A : i32
    %add3A = arith.addi %mul3A_0, %arg0 : i32
    "tpu.region"() ({
      %run_scoped3A_113 = tpu.sem_alloc : memref<!tpu.dma_semaphore, #tpu.memory_space<semaphore_mem>>
      %dma_start3A_114 = arith.constant 0 : i32
      %dma_start3A_115 = arith.constant 0 : i32
      %dma_start3A_116 = tpu.memref_slice %arg2[%add3A, %dma_start3A_114, %dma_start3A_115] : memref<32x256x100xi32, #tpu.memory_space<hbm>> -> memref<1x256x100xi32, #tpu.memory_space<hbm>>
      %dma_start3A_117 = tpu.memref_squeeze %dma_start3A_116 : memref<1x256x100xi32, #tpu.memory_space<hbm>> -> memref<256x100xi32, #tpu.memory_space<hbm>>
      %dma_start3A_118 = arith.constant 0 : i32
      %dma_start3A_119 = arith.constant 0 : i32
      %dma_start3A_120 = tpu.memref_slice %arg2[%add3A, %dma_start3A_118, %dma_start3A_119] : memref<32x256x100xi32, #tpu.memory_space<hbm>> -> memref<1x256x100xi32, #tpu.memory_space<hbm>>
      %dma_start3A_121 = tpu.memref_squeeze %dma_start3A_120 : memref<1x256x100xi32, #tpu.memory_space<hbm>> -> memref<256x100xi32, #tpu.memory_space<hbm>>
      tpu.enqueue_dma source(%dma_start3A_121 : memref<256x100xi32, #tpu.memory_space<hbm>>) target(%arg9 : memref<256x100xi32, #tpu.memory_space<vmem>>) target_semaphore(%run_scoped3A_113 : memref<!tpu.dma_semaphore, #tpu.memory_space<semaphore_mem>>)
      %dma_wait3A_122 = arith.constant 0 : i32
      %dma_wait3A_123 = arith.constant 0 : i32
      %dma_wait3A_124 = tpu.memref_slice %arg2[%add3A, %dma_wait3A_122, %dma_wait3A_123] : memref<32x256x100xi32, #tpu.memory_space<hbm>> -> memref<1x256x100xi32, #tpu.memory_space<hbm>>
      %dma_wait3A_125 = tpu.memref_squeeze %dma_wait3A_124 : memref<1x256x100xi32, #tpu.memory_space<hbm>> -> memref<256x100xi32, #tpu.memory_space<hbm>>
      %dma_wait3A_126 = arith.constant 0 : i32
      %dma_wait3A_127 = arith.constant 0 : i32
      %dma_wait3A_128 = tpu.memref_slice %arg2[%add3A, %dma_wait3A_126, %dma_wait3A_127] : memref<32x256x100xi32, #tpu.memory_space<hbm>> -> memref<1x256x100xi32, #tpu.memory_space<hbm>>
      %dma_wait3A_129 = tpu.memref_squeeze %dma_wait3A_128 : memref<1x256x100xi32, #tpu.memory_space<hbm>> -> memref<256x100xi32, #tpu.memory_space<hbm>>
      tpu.wait_dma2 semaphore(%run_scoped3A_113 : memref<!tpu.dma_semaphore, #tpu.memory_space<semaphore_mem>>) src(%dma_wait3A_129 : memref<256x100xi32, #tpu.memory_space<hbm>>) dst(%arg9 : memref<256x100xi32, #tpu.memory_space<vmem>>)
      tpu.yield
    }) : () -> ()
    "tpu.region"() ({
      %run_scoped3A_113 = tpu.sem_alloc : memref<!tpu.dma_semaphore, #tpu.memory_space<semaphore_mem>>
      tpu.enqueue_dma source(%arg5 : memref<200x128xf32, #tpu.memory_space<hbm>>) target(%arg11 : memref<200x128xf32, #tpu.memory_space<vmem>>) target_semaphore(%run_scoped3A_113 : memref<!tpu.dma_semaphore, #tpu.memory_space<semaphore_mem>>)
      tpu.wait_dma2 semaphore(%run_scoped3A_113 : memref<!tpu.dma_semaphore, #tpu.memory_space<semaphore_mem>>) src(%arg5 : memref<200x128xf32, #tpu.memory_space<hbm>>) dst(%arg11 : memref<200x128xf32, #tpu.memory_space<vmem>>)
      tpu.yield
    }) : () -> ()
    %run_scoped3A = arith.constant 0 : i32
    "tpu.region"() ({
      %run_scoped3A_113 = tpu.sem_alloc : memref<!tpu.dma_semaphore, #tpu.memory_space<semaphore_mem>>
      %dma_start3A_114 = arith.constant 0 : i32
      %dma_start3A_115 = tpu.memref_slice %arg4[%run_scoped3A, %dma_start3A_114] : memref<2x128xf32, #tpu.memory_space<hbm>> -> memref<1x128xf32, #tpu.memory_space<hbm>>
      %dma_start3A_116 = tpu.memref_squeeze %dma_start3A_115 : memref<1x128xf32, #tpu.memory_space<hbm>> -> memref<128xf32, #tpu.memory_space<hbm>>
      %dma_start3A_117 = arith.constant 0 : i32
      %dma_start3A_118 = tpu.memref_slice %arg4[%run_scoped3A, %dma_start3A_117] : memref<2x128xf32, #tpu.memory_space<hbm>> -> memref<1x128xf32, #tpu.memory_space<hbm>>
      %dma_start3A_119 = tpu.memref_squeeze %dma_start3A_118 : memref<1x128xf32, #tpu.memory_space<hbm>> -> memref<128xf32, #tpu.memory_space<hbm>>
      tpu.enqueue_dma source(%dma_start3A_119 : memref<128xf32, #tpu.memory_space<hbm>>) target(%arg14 : memref<128xf32, #tpu.memory_space<vmem>>) target_semaphore(%run_scoped3A_113 : memref<!tpu.dma_semaphore, #tpu.memory_space<semaphore_mem>>)
      %dma_wait3A_120 = arith.constant 0 : i32
      %dma_wait3A_121 = tpu.memref_slice %arg4[%run_scoped3A, %dma_wait3A_120] : memref<2x128xf32, #tpu.memory_space<hbm>> -> memref<1x128xf32, #tpu.memory_space<hbm>>
      %dma_wait3A_122 = tpu.memref_squeeze %dma_wait3A_121 : memref<1x128xf32, #tpu.memory_space<hbm>> -> memref<128xf32, #tpu.memory_space<hbm>>
      %dma_wait3A_123 = arith.constant 0 : i32
      %dma_wait3A_124 = tpu.memref_slice %arg4[%run_scoped3A, %dma_wait3A_123] : memref<2x128xf32, #tpu.memory_space<hbm>> -> memref<1x128xf32, #tpu.memory_space<hbm>>
      %dma_wait3A_125 = tpu.memref_squeeze %dma_wait3A_124 : memref<1x128xf32, #tpu.memory_space<hbm>> -> memref<128xf32, #tpu.memory_space<hbm>>
      tpu.wait_dma2 semaphore(%run_scoped3A_113 : memref<!tpu.dma_semaphore, #tpu.memory_space<semaphore_mem>>) src(%dma_wait3A_125 : memref<128xf32, #tpu.memory_space<hbm>>) dst(%arg14 : memref<128xf32, #tpu.memory_space<vmem>>)
      tpu.yield
    }) : () -> ()
    "tpu.region"() ({
      %run_scoped3A_113 = tpu.sem_alloc : memref<!tpu.dma_semaphore, #tpu.memory_space<semaphore_mem>>
      tpu.enqueue_dma source(%arg6 : memref<128xf32, #tpu.memory_space<hbm>>) target(%arg12 : memref<128xf32, #tpu.memory_space<vmem>>) target_semaphore(%run_scoped3A_113 : memref<!tpu.dma_semaphore, #tpu.memory_space<semaphore_mem>>)
      tpu.wait_dma2 semaphore(%run_scoped3A_113 : memref<!tpu.dma_semaphore, #tpu.memory_space<semaphore_mem>>) src(%arg6 : memref<128xf32, #tpu.memory_space<hbm>>) dst(%arg12 : memref<128xf32, #tpu.memory_space<vmem>>)
      tpu.yield
    }) : () -> ()
    "tpu.region"() ({
      %run_scoped3A_113 = tpu.sem_alloc : memref<!tpu.dma_semaphore, #tpu.memory_space<semaphore_mem>>
      tpu.enqueue_dma source(%arg7 : memref<128xf32, #tpu.memory_space<hbm>>) target(%arg13 : memref<128xf32, #tpu.memory_space<vmem>>) target_semaphore(%run_scoped3A_113 : memref<!tpu.dma_semaphore, #tpu.memory_space<semaphore_mem>>)
      tpu.wait_dma2 semaphore(%run_scoped3A_113 : memref<!tpu.dma_semaphore, #tpu.memory_space<semaphore_mem>>) src(%arg7 : memref<128xf32, #tpu.memory_space<hbm>>) dst(%arg13 : memref<128xf32, #tpu.memory_space<vmem>>)
      tpu.yield
    }) : () -> ()
    %get3A = arith.constant 0 : index
    %get3A_1 = tpu.vector_load %arg14[%get3A] {strides = array<i32>} : memref<128xf32, #tpu.memory_space<vmem>>, vector<16xf32>,
    %get3A_2 = arith.constant 16 : index
    %get3A_3 = tpu.vector_load %arg14[%get3A_2] {strides = array<i32>} : memref<128xf32, #tpu.memory_space<vmem>>, vector<16xf32>,
    %get3A_4 = arith.constant 32 : index
    %get3A_5 = tpu.vector_load %arg14[%get3A_4] {strides = array<i32>} : memref<128xf32, #tpu.memory_space<vmem>>, vector<16xf32>,
    %get3A_6 = arith.constant 48 : index
    %get3A_7 = tpu.vector_load %arg14[%get3A_6] {strides = array<i32>} : memref<128xf32, #tpu.memory_space<vmem>>, vector<16xf32>,
    %get3A_8 = arith.constant 64 : index
    %get3A_9 = tpu.vector_load %arg14[%get3A_8] {strides = array<i32>} : memref<128xf32, #tpu.memory_space<vmem>>, vector<16xf32>,
    %get3A_10 = arith.constant 80 : index
    %get3A_11 = tpu.vector_load %arg14[%get3A_10] {strides = array<i32>} : memref<128xf32, #tpu.memory_space<vmem>>, vector<16xf32>,
    %get3A_12 = arith.constant 96 : index
    %get3A_13 = tpu.vector_load %arg14[%get3A_12] {strides = array<i32>} : memref<128xf32, #tpu.memory_space<vmem>>, vector<16xf32>,
    %get3A_14 = arith.constant 112 : index
    %get3A_15 = tpu.vector_load %arg14[%get3A_14] {strides = array<i32>} : memref<128xf32, #tpu.memory_space<vmem>>, vector<16xf32>,
    %parallel_loop3A = arith.constant 0 : i32
    %parallel_loop3A_16 = arith.constant 200 : i32
    %parallel_loop3A_17 = arith.constant 1 : i32
    scf.for %parallel_loop3A_113 = %parallel_loop3A to %parallel_loop3A_16 step %parallel_loop3A_17  : i32 {
      %parallel_loop3A_114 = arith.index_cast %parallel_loop3A_113 : i32 to index
      %parallel_loop3A_115 = arith.constant 0 : index
      %parallel_loop3A_116 = tpu.vector_load %arg11[%parallel_loop3A_114, %parallel_loop3A_115] {strides = array<i32>} : memref<200x128xf32, #tpu.memory_space<vmem>>, vector<16xf32>,
      %parallel_loop3A_117 = arith.addf %parallel_loop3A_116, %get3A_1 : vector<16xf32>
      %parallel_loop3A_118 = arith.index_cast %parallel_loop3A_113 : i32 to index
      %parallel_loop3A_119 = arith.constant 0 : index
      %parallel_loop3A_120 = tpu.vector_load %arg11[%parallel_loop3A_118, %parallel_loop3A_119] {strides = array<i32>} : memref<200x128xf32, #tpu.memory_space<vmem>>, vector<16xf32>,
      tpu.vector_store %arg11[%parallel_loop3A_118, %parallel_loop3A_119], %parallel_loop3A_117 {strides = array<i32>} : memref<200x128xf32, #tpu.memory_space<vmem>>, vector<16xf32>,
      %parallel_loop3A_121 = arith.index_cast %parallel_loop3A_113 : i32 to index
      %parallel_loop3A_122 = arith.constant 16 : index
      %parallel_loop3A_123 = tpu.vector_load %arg11[%parallel_loop3A_121, %parallel_loop3A_122] {strides = array<i32>} : memref<200x128xf32, #tpu.memory_space<vmem>>, vector<16xf32>,
      %parallel_loop3A_124 = arith.addf %parallel_loop3A_123, %get3A_3 : vector<16xf32>
      %parallel_loop3A_125 = arith.index_cast %parallel_loop3A_113 : i32 to index
      %parallel_loop3A_126 = arith.constant 16 : index
      %parallel_loop3A_127 = tpu.vector_load %arg11[%parallel_loop3A_125, %parallel_loop3A_126] {strides = array<i32>} : memref<200x128xf32, #tpu.memory_space<vmem>>, vector<16xf32>,
      tpu.vector_store %arg11[%parallel_loop3A_125, %parallel_loop3A_126], %parallel_loop3A_124 {strides = array<i32>} : memref<200x128xf32, #tpu.memory_space<vmem>>, vector<16xf32>,
      %parallel_loop3A_128 = arith.index_cast %parallel_loop3A_113 : i32 to index
      %parallel_loop3A_129 = arith.constant 32 : index
      %parallel_loop3A_130 = tpu.vector_load %arg11[%parallel_loop3A_128, %parallel_loop3A_129] {strides = array<i32>} : memref<200x128xf32, #tpu.memory_space<vmem>>, vector<16xf32>,
      %parallel_loop3A_131 = arith.addf %parallel_loop3A_130, %get3A_5 : vector<16xf32>
      %parallel_loop3A_132 = arith.index_cast %parallel_loop3A_113 : i32 to index
      %parallel_loop3A_133 = arith.constant 32 : index
      %parallel_loop3A_134 = tpu.vector_load %arg11[%parallel_loop3A_132, %parallel_loop3A_133] {strides = array<i32>} : memref<200x128xf32, #tpu.memory_space<vmem>>, vector<16xf32>,
      tpu.vector_store %arg11[%parallel_loop3A_132, %parallel_loop3A_133], %parallel_loop3A_131 {strides = array<i32>} : memref<200x128xf32, #tpu.memory_space<vmem>>, vector<16xf32>,
      %parallel_loop3A_135 = arith.index_cast %parallel_loop3A_113 : i32 to index
      %parallel_loop3A_136 = arith.constant 48 : index
      %parallel_loop3A_137 = tpu.vector_load %arg11[%parallel_loop3A_135, %parallel_loop3A_136] {strides = array<i32>} : memref<200x128xf32, #tpu.memory_space<vmem>>, vector<16xf32>,
      %parallel_loop3A_138 = arith.addf %parallel_loop3A_137, %get3A_7 : vector<16xf32>
      %parallel_loop3A_139 = arith.index_cast %parallel_loop3A_113 : i32 to index
      %parallel_loop3A_140 = arith.constant 48 : index
      %parallel_loop3A_141 = tpu.vector_load %arg11[%parallel_loop3A_139, %parallel_loop3A_140] {strides = array<i32>} : memref<200x128xf32, #tpu.memory_space<vmem>>, vector<16xf32>,
      tpu.vector_store %arg11[%parallel_loop3A_139, %parallel_loop3A_140], %parallel_loop3A_138 {strides = array<i32>} : memref<200x128xf32, #tpu.memory_space<vmem>>, vector<16xf32>,
      %parallel_loop3A_142 = arith.index_cast %parallel_loop3A_113 : i32 to index
      %parallel_loop3A_143 = arith.constant 64 : index
      %parallel_loop3A_144 = tpu.vector_load %arg11[%parallel_loop3A_142, %parallel_loop3A_143] {strides = array<i32>} : memref<200x128xf32, #tpu.memory_space<vmem>>, vector<16xf32>,
      %parallel_loop3A_145 = arith.addf %parallel_loop3A_144, %get3A_9 : vector<16xf32>
      %parallel_loop3A_146 = arith.index_cast %parallel_loop3A_113 : i32 to index
      %parallel_loop3A_147 = arith.constant 64 : index
      %parallel_loop3A_148 = tpu.vector_load %arg11[%parallel_loop3A_146, %parallel_loop3A_147] {strides = array<i32>} : memref<200x128xf32, #tpu.memory_space<vmem>>, vector<16xf32>,
      tpu.vector_store %arg11[%parallel_loop3A_146, %parallel_loop3A_147], %parallel_loop3A_145 {strides = array<i32>} : memref<200x128xf32, #tpu.memory_space<vmem>>, vector<16xf32>,
      %parallel_loop3A_149 = arith.index_cast %parallel_loop3A_113 : i32 to index
      %parallel_loop3A_150 = arith.constant 80 : index
      %parallel_loop3A_151 = tpu.vector_load %arg11[%parallel_loop3A_149, %parallel_loop3A_150] {strides = array<i32>} : memref<200x128xf32, #tpu.memory_space<vmem>>, vector<16xf32>,
      %parallel_loop3A_152 = arith.addf %parallel_loop3A_151, %get3A_11 : vector<16xf32>
      %parallel_loop3A_153 = arith.index_cast %parallel_loop3A_113 : i32 to index
      %parallel_loop3A_154 = arith.constant 80 : index
      %parallel_loop3A_155 = tpu.vector_load %arg11[%parallel_loop3A_153, %parallel_loop3A_154] {strides = array<i32>} : memref<200x128xf32, #tpu.memory_space<vmem>>, vector<16xf32>,
      tpu.vector_store %arg11[%parallel_loop3A_153, %parallel_loop3A_154], %parallel_loop3A_152 {strides = array<i32>} : memref<200x128xf32, #tpu.memory_space<vmem>>, vector<16xf32>,
      %parallel_loop3A_156 = arith.index_cast %parallel_loop3A_113 : i32 to index
      %parallel_loop3A_157 = arith.constant 96 : index
      %parallel_loop3A_158 = tpu.vector_load %arg11[%parallel_loop3A_156, %parallel_loop3A_157] {strides = array<i32>} : memref<200x128xf32, #tpu.memory_space<vmem>>, vector<16xf32>,
      %parallel_loop3A_159 = arith.addf %parallel_loop3A_158, %get3A_13 : vector<16xf32>
      %parallel_loop3A_160 = arith.index_cast %parallel_loop3A_113 : i32 to index
      %parallel_loop3A_161 = arith.constant 96 : index
      %parallel_loop3A_162 = tpu.vector_load %arg11[%parallel_loop3A_160, %parallel_loop3A_161] {strides = array<i32>} : memref<200x128xf32, #tpu.memory_space<vmem>>, vector<16xf32>,
      tpu.vector_store %arg11[%parallel_loop3A_160, %parallel_loop3A_161], %parallel_loop3A_159 {strides = array<i32>} : memref<200x128xf32, #tpu.memory_space<vmem>>, vector<16xf32>,
      %parallel_loop3A_163 = arith.index_cast %parallel_loop3A_113 : i32 to index
      %parallel_loop3A_164 = arith.constant 112 : index
      %parallel_loop3A_165 = tpu.vector_load %arg11[%parallel_loop3A_163, %parallel_loop3A_164] {strides = array<i32>} : memref<200x128xf32, #tpu.memory_space<vmem>>, vector<16xf32>,
      %parallel_loop3A_166 = arith.addf %parallel_loop3A_165, %get3A_15 : vector<16xf32>
      %parallel_loop3A_167 = arith.index_cast %parallel_loop3A_113 : i32 to index
      %parallel_loop3A_168 = arith.constant 112 : index
      %parallel_loop3A_169 = tpu.vector_load %arg11[%parallel_loop3A_167, %parallel_loop3A_168] {strides = array<i32>} : memref<200x128xf32, #tpu.memory_space<vmem>>, vector<16xf32>,
      tpu.vector_store %arg11[%parallel_loop3A_167, %parallel_loop3A_168], %parallel_loop3A_166 {strides = array<i32>} : memref<200x128xf32, #tpu.memory_space<vmem>>, vector<16xf32>,
    } {sc.loop_unroll_factor = 2 : i64, sc.parallel_access}
    %get3A_18 = arith.constant 0 : index
    %get3A_19 = tpu.vector_load %arg12[%get3A_18] {strides = array<i32>} : memref<128xf32, #tpu.memory_space<vmem>>, vector<16xf32>,
    %get3A_20 = arith.constant 16 : index
    %get3A_21 = tpu.vector_load %arg12[%get3A_20] {strides = array<i32>} : memref<128xf32, #tpu.memory_space<vmem>>, vector<16xf32>,
    %get3A_22 = arith.constant 32 : index
    %get3A_23 = tpu.vector_load %arg12[%get3A_22] {strides = array<i32>} : memref<128xf32, #tpu.memory_space<vmem>>, vector<16xf32>,
    %get3A_24 = arith.constant 48 : index
    %get3A_25 = tpu.vector_load %arg12[%get3A_24] {strides = array<i32>} : memref<128xf32, #tpu.memory_space<vmem>>, vector<16xf32>,
    %get3A_26 = arith.constant 64 : index
    %get3A_27 = tpu.vector_load %arg12[%get3A_26] {strides = array<i32>} : memref<128xf32, #tpu.memory_space<vmem>>, vector<16xf32>,
    %get3A_28 = arith.constant 80 : index
    %get3A_29 = tpu.vector_load %arg12[%get3A_28] {strides = array<i32>} : memref<128xf32, #tpu.memory_space<vmem>>, vector<16xf32>,
    %get3A_30 = arith.constant 96 : index
    %get3A_31 = tpu.vector_load %arg12[%get3A_30] {strides = array<i32>} : memref<128xf32, #tpu.memory_space<vmem>>, vector<16xf32>,
    %get3A_32 = arith.constant 112 : index
    %get3A_33 = tpu.vector_load %arg12[%get3A_32] {strides = array<i32>} : memref<128xf32, #tpu.memory_space<vmem>>, vector<16xf32>,
    %get3A_34 = arith.constant 0 : index
    %get3A_35 = tpu.vector_load %arg13[%get3A_34] {strides = array<i32>} : memref<128xf32, #tpu.memory_space<vmem>>, vector<16xf32>,
    %get3A_36 = arith.constant 16 : index
    %get3A_37 = tpu.vector_load %arg13[%get3A_36] {strides = array<i32>} : memref<128xf32, #tpu.memory_space<vmem>>, vector<16xf32>,
    %get3A_38 = arith.constant 32 : index
    %get3A_39 = tpu.vector_load %arg13[%get3A_38] {strides = array<i32>} : memref<128xf32, #tpu.memory_space<vmem>>, vector<16xf32>,
    %get3A_40 = arith.constant 48 : index
    %get3A_41 = tpu.vector_load %arg13[%get3A_40] {strides = array<i32>} : memref<128xf32, #tpu.memory_space<vmem>>, vector<16xf32>,
    %get3A_42 = arith.constant 64 : index
    %get3A_43 = tpu.vector_load %arg13[%get3A_42] {strides = array<i32>} : memref<128xf32, #tpu.memory_space<vmem>>, vector<16xf32>,
    %get3A_44 = arith.constant 80 : index
    %get3A_45 = tpu.vector_load %arg13[%get3A_44] {strides = array<i32>} : memref<128xf32, #tpu.memory_space<vmem>>, vector<16xf32>,
    %get3A_46 = arith.constant 96 : index
    %get3A_47 = tpu.vector_load %arg13[%get3A_46] {strides = array<i32>} : memref<128xf32, #tpu.memory_space<vmem>>, vector<16xf32>,
    %get3A_48 = arith.constant 112 : index
    %get3A_49 = tpu.vector_load %arg13[%get3A_48] {strides = array<i32>} : memref<128xf32, #tpu.memory_space<vmem>>, vector<16xf32>,
    %dma_start3A = arith.constant 0 : i32
    %dma_start3A_50 = arith.constant 0 : i32
    %dma_start3A_51 = arith.constant 0 : i32
    %dma_start3A_52 = arith.constant 0 : i32
    %dma_start3A_53 = tpu.memref_slice %arg10[%dma_start3A_50, %dma_start3A_51, %dma_start3A_52] : memref<4x100x128xf32, #tpu.memory_space<vmem>> -> memref<1x100x128xf32, #tpu.memory_space<vmem>>
    %dma_start3A_54 = tpu.memref_squeeze %dma_start3A_53 : memref<1x100x128xf32, #tpu.memory_space<vmem>> -> memref<100x128xf32, #tpu.memory_space<vmem>>
    %dma_start3A_55 = arith.constant 0 : i32
    %dma_start3A_56 = tpu.memref_slice %arg9[%dma_start3A, %dma_start3A_55] : memref<256x100xi32, #tpu.memory_space<vmem>> -> memref<1x100xi32, #tpu.memory_space<vmem>>
    %dma_start3A_57 = tpu.memref_squeeze %dma_start3A_56 : memref<1x100xi32, #tpu.memory_space<vmem>> -> memref<100xi32, #tpu.memory_space<vmem>>
    %dma_start3A_58 = arith.constant 0 : i32
    %dma_start3A_59 = arith.constant 0 : i32
    %dma_start3A_60 = tpu.memref_slice %arg3[%dma_start3A_58, %dma_start3A_59] : memref<100000x128xf32, #tpu.memory_space<hbm>> -> memref<100000x128xf32, #tpu.memory_space<hbm>>
    tpu.enqueue_indirect_dma source(%dma_start3A_60 : memref<100000x128xf32, #tpu.memory_space<hbm>>) target(%dma_start3A_54 : memref<100x128xf32, #tpu.memory_space<vmem>>) offsets(%dma_start3A_57 : memref<100xi32, #tpu.memory_space<vmem>>) semaphore(%arg15 : memref<!tpu.dma_semaphore, #tpu.memory_space<semaphore_mem>>)
    %dma_start3A_61 = arith.constant 1 : i32
    %dma_start3A_62 = arith.constant 1 : i32
    %dma_start3A_63 = arith.constant 0 : i32
    %dma_start3A_64 = arith.constant 0 : i32
    %dma_start3A_65 = tpu.memref_slice %arg10[%dma_start3A_62, %dma_start3A_63, %dma_start3A_64] : memref<4x100x128xf32, #tpu.memory_space<vmem>> -> memref<1x100x128xf32, #tpu.memory_space<vmem>>
    %dma_start3A_66 = tpu.memref_squeeze %dma_start3A_65 : memref<1x100x128xf32, #tpu.memory_space<vmem>> -> memref<100x128xf32, #tpu.memory_space<vmem>>
    %dma_start3A_67 = arith.constant 0 : i32
    %dma_start3A_68 = tpu.memref_slice %arg9[%dma_start3A_61, %dma_start3A_67] : memref<256x100xi32, #tpu.memory_space<vmem>> -> memref<1x100xi32, #tpu.memory_space<vmem>>
    %dma_start3A_69 = tpu.memref_squeeze %dma_start3A_68 : memref<1x100xi32, #tpu.memory_space<vmem>> -> memref<100xi32, #tpu.memory_space<vmem>>
    %dma_start3A_70 = arith.constant 0 : i32
    %dma_start3A_71 = arith.constant 0 : i32
    %dma_start3A_72 = tpu.memref_slice %arg3[%dma_start3A_70, %dma_start3A_71] : memref<100000x128xf32, #tpu.memory_space<hbm>> -> memref<100000x128xf32, #tpu.memory_space<hbm>>
    tpu.enqueue_indirect_dma source(%dma_start3A_72 : memref<100000x128xf32, #tpu.memory_space<hbm>>) target(%dma_start3A_66 : memref<100x128xf32, #tpu.memory_space<vmem>>) offsets(%dma_start3A_69 : memref<100xi32, #tpu.memory_space<vmem>>) semaphore(%arg16 : memref<!tpu.dma_semaphore, #tpu.memory_space<semaphore_mem>>)
    %scan3A = arith.constant 0 : i32
    %scan3A_73 = arith.constant 0 : i32
    %scan3A_74 = arith.constant 64 : i32
    %scan3A_75 = arith.addi %scan3A_73, %scan3A_74 : i32
    %scan3A_76 = arith.constant 1 : i32
    scf.for %scan3A_113 = %scan3A_73 to %scan3A_75 step %scan3A_76  : i32 {
      %mul3A_114 = arith.constant 4 : i32
      %mul3A_115 = arith.muli %scan3A_113, %mul3A_114 : i32
      %add3A_116 = arith.constant 0 : i32
      %add3A_117 = arith.addi %mul3A_115, %add3A_116 : i32
      %gt3A = arith.constant 0 : i32
      %gt3A_118 = arith.cmpi sgt, %scan3A_113, %gt3A : i32
      %convert_element_type3A = arith.extui %gt3A_118 : i1 to i32
      %cond3A = arith.constant 0 : i32
      %cond3A_119 = arith.cmpi ne, %convert_element_type3A, %cond3A : i32
      scf.if %cond3A_119 {
        %sub3A_333 = arith.constant 2 : i32
        %sub3A_334 = arith.subi %add3A_117, %sub3A_333 : i32
        %dma_wait3A_335 = arith.constant 2 : i32
        %dma_wait3A_336 = arith.constant 0 : i32
        %dma_wait3A_337 = arith.constant 0 : i32
        %dma_wait3A_338 = tpu.memref_slice %arg10[%dma_wait3A_335, %dma_wait3A_336, %dma_wait3A_337] : memref<4x100x128xf32, #tpu.memory_space<vmem>> -> memref<1x100x128xf32, #tpu.memory_space<vmem>>
        %dma_wait3A_339 = tpu.memref_squeeze %dma_wait3A_338 : memref<1x100x128xf32, #tpu.memory_space<vmem>> -> memref<100x128xf32, #tpu.memory_space<vmem>>
        %dma_wait3A_340 = arith.constant 0 : i32
        %dma_wait3A_341 = arith.constant 0 : i32
        %dma_wait3A_342 = tpu.memref_slice %arg8[%add3A, %sub3A_334, %dma_wait3A_340, %dma_wait3A_341] : memref<32x256x100x128xf32, #tpu.memory_space<hbm>> -> memref<1x1x100x128xf32, #tpu.memory_space<hbm>>
        %dma_wait3A_343 = tpu.memref_squeeze %dma_wait3A_342 : memref<1x1x100x128xf32, #tpu.memory_space<hbm>> -> memref<100x128xf32, #tpu.memory_space<hbm>>
        %dma_wait3A_344 = arith.constant 0 : i32
        %dma_wait3A_345 = arith.constant 0 : i32
        %dma_wait3A_346 = tpu.memref_slice %arg8[%add3A, %sub3A_334, %dma_wait3A_344, %dma_wait3A_345] : memref<32x256x100x128xf32, #tpu.memory_space<hbm>> -> memref<1x1x100x128xf32, #tpu.memory_space<hbm>>
        %dma_wait3A_347 = tpu.memref_squeeze %dma_wait3A_346 : memref<1x1x100x128xf32, #tpu.memory_space<hbm>> -> memref<100x128xf32, #tpu.memory_space<hbm>>
        %dma_wait3A_348 = arith.constant 0 : i32
        %dma_wait3A_349 = arith.constant 0 : i32
        %dma_wait3A_350 = tpu.memref_slice %arg10[%dma_wait3A_335, %dma_wait3A_348, %dma_wait3A_349] : memref<4x100x128xf32, #tpu.memory_space<vmem>> -> memref<1x100x128xf32, #tpu.memory_space<vmem>>
        %dma_wait3A_351 = tpu.memref_squeeze %dma_wait3A_350 : memref<1x100x128xf32, #tpu.memory_space<vmem>> -> memref<100x128xf32, #tpu.memory_space<vmem>>
        tpu.wait_dma2 semaphore(%arg21 : memref<!tpu.dma_semaphore, #tpu.memory_space<semaphore_mem>>) src(%dma_wait3A_351 : memref<100x128xf32, #tpu.memory_space<vmem>>) dst(%dma_wait3A_347 : memref<100x128xf32, #tpu.memory_space<hbm>>)
      } else {
      }
      %add3A_120 = arith.constant 2 : i32
      %add3A_121 = arith.addi %add3A_117, %add3A_120 : i32
      %dma_start3A_122 = arith.constant 2 : i32
      %dma_start3A_123 = arith.constant 0 : i32
      %dma_start3A_124 = arith.constant 0 : i32
      %dma_start3A_125 = tpu.memref_slice %arg10[%dma_start3A_122, %dma_start3A_123, %dma_start3A_124] : memref<4x100x128xf32, #tpu.memory_space<vmem>> -> memref<1x100x128xf32, #tpu.memory_space<vmem>>
      %dma_start3A_126 = tpu.memref_squeeze %dma_start3A_125 : memref<1x100x128xf32, #tpu.memory_space<vmem>> -> memref<100x128xf32, #tpu.memory_space<vmem>>
      %dma_start3A_127 = arith.constant 0 : i32
      %dma_start3A_128 = tpu.memref_slice %arg9[%add3A_121, %dma_start3A_127] : memref<256x100xi32, #tpu.memory_space<vmem>> -> memref<1x100xi32, #tpu.memory_space<vmem>>
      %dma_start3A_129 = tpu.memref_squeeze %dma_start3A_128 : memref<1x100xi32, #tpu.memory_space<vmem>> -> memref<100xi32, #tpu.memory_space<vmem>>
      %dma_start3A_130 = arith.constant 0 : i32
      %dma_start3A_131 = arith.constant 0 : i32
      %dma_start3A_132 = tpu.memref_slice %arg3[%dma_start3A_130, %dma_start3A_131] : memref<100000x128xf32, #tpu.memory_space<hbm>> -> memref<100000x128xf32, #tpu.memory_space<hbm>>
      tpu.enqueue_indirect_dma source(%dma_start3A_132 : memref<100000x128xf32, #tpu.memory_space<hbm>>) target(%dma_start3A_126 : memref<100x128xf32, #tpu.memory_space<vmem>>) offsets(%dma_start3A_129 : memref<100xi32, #tpu.memory_space<vmem>>) semaphore(%arg17 : memref<!tpu.dma_semaphore, #tpu.memory_space<semaphore_mem>>)
      %dma_wait3A_133 = arith.constant 0 : i32
      %dma_wait3A_134 = arith.constant 0 : i32
      %dma_wait3A_135 = arith.constant 0 : i32
      %dma_wait3A_136 = tpu.memref_slice %arg10[%dma_wait3A_133, %dma_wait3A_134, %dma_wait3A_135] : memref<4x100x128xf32, #tpu.memory_space<vmem>> -> memref<1x100x128xf32, #tpu.memory_space<vmem>>
      %dma_wait3A_137 = tpu.memref_squeeze %dma_wait3A_136 : memref<1x100x128xf32, #tpu.memory_space<vmem>> -> memref<100x128xf32, #tpu.memory_space<vmem>>
      %dma_wait3A_138 = arith.constant 0 : i32
      %dma_wait3A_139 = tpu.memref_slice %arg9[%add3A_117, %dma_wait3A_138] : memref<256x100xi32, #tpu.memory_space<vmem>> -> memref<1x100xi32, #tpu.memory_space<vmem>>
      %dma_wait3A_140 = tpu.memref_squeeze %dma_wait3A_139 : memref<1x100xi32, #tpu.memory_space<vmem>> -> memref<100xi32, #tpu.memory_space<vmem>>
      %dma_wait3A_141 = arith.constant 0 : i32
      %dma_wait3A_142 = arith.constant 0 : i32
      %dma_wait3A_143 = tpu.memref_slice %arg3[%dma_wait3A_141, %dma_wait3A_142] : memref<100000x128xf32, #tpu.memory_space<hbm>> -> memref<100000x128xf32, #tpu.memory_space<hbm>>
      tpu.wait_indirect_dma semaphore(%arg15 : memref<!tpu.dma_semaphore, #tpu.memory_space<semaphore_mem>>) src(%dma_wait3A_143 : memref<100000x128xf32, #tpu.memory_space<hbm>>) dst(%dma_wait3A_137 : memref<100x128xf32, #tpu.memory_space<vmem>>)
      %parallel_loop3A_144 = arith.constant 0 : i32
      %parallel_loop3A_145 = arith.constant 100 : i32
      %parallel_loop3A_146 = arith.constant 1 : i32
      scf.for %parallel_loop3A_333 = %parallel_loop3A_144 to %parallel_loop3A_145 step %parallel_loop3A_146  : i32 {
        %parallel_loop3A_334 = arith.constant 0 : i32
        %parallel_loop3A_335 = arith.index_cast %parallel_loop3A_334 : i32 to index
        %parallel_loop3A_336 = arith.index_cast %parallel_loop3A_333 : i32 to index
        %parallel_loop3A_337 = arith.constant 0 : index
        %parallel_loop3A_338 = tpu.vector_load %arg10[%parallel_loop3A_335, %parallel_loop3A_336, %parallel_loop3A_337] {strides = array<i32>} : memref<4x100x128xf32, #tpu.memory_space<vmem>>, vector<16xf32>,
        %parallel_loop3A_339 = arith.constant 0 : i32
        %parallel_loop3A_340 = arith.addi %parallel_loop3A_339, %parallel_loop3A_333 : i32
        %parallel_loop3A_341 = arith.index_cast %parallel_loop3A_340 : i32 to index
        %parallel_loop3A_342 = arith.constant 0 : index
        %parallel_loop3A_343 = tpu.vector_load %arg11[%parallel_loop3A_341, %parallel_loop3A_342] {strides = array<i32>} : memref<200x128xf32, #tpu.memory_space<vmem>>, vector<16xf32>,
        %parallel_loop3A_344 = arith.addf %parallel_loop3A_338, %parallel_loop3A_343 : vector<16xf32>
        %parallel_loop3A_345 = arith.constant 0 : i32
        %parallel_loop3A_346 = arith.index_cast %parallel_loop3A_345 : i32 to index
        %parallel_loop3A_347 = arith.index_cast %parallel_loop3A_333 : i32 to index
        %parallel_loop3A_348 = arith.constant 16 : index
        %parallel_loop3A_349 = tpu.vector_load %arg10[%parallel_loop3A_346, %parallel_loop3A_347, %parallel_loop3A_348] {strides = array<i32>} : memref<4x100x128xf32, #tpu.memory_space<vmem>>, vector<16xf32>,
        %parallel_loop3A_350 = arith.constant 0 : i32
        %parallel_loop3A_351 = arith.addi %parallel_loop3A_350, %parallel_loop3A_333 : i32
        %parallel_loop3A_352 = arith.index_cast %parallel_loop3A_351 : i32 to index
        %parallel_loop3A_353 = arith.constant 16 : index
        %parallel_loop3A_354 = tpu.vector_load %arg11[%parallel_loop3A_352, %parallel_loop3A_353] {strides = array<i32>} : memref<200x128xf32, #tpu.memory_space<vmem>>, vector<16xf32>,
        %parallel_loop3A_355 = arith.addf %parallel_loop3A_349, %parallel_loop3A_354 : vector<16xf32>
        %parallel_loop3A_356 = arith.constant 0 : i32
        %parallel_loop3A_357 = arith.index_cast %parallel_loop3A_356 : i32 to index
        %parallel_loop3A_358 = arith.index_cast %parallel_loop3A_333 : i32 to index
        %parallel_loop3A_359 = arith.constant 32 : index
        %parallel_loop3A_360 = tpu.vector_load %arg10[%parallel_loop3A_357, %parallel_loop3A_358, %parallel_loop3A_359] {strides = array<i32>} : memref<4x100x128xf32, #tpu.memory_space<vmem>>, vector<16xf32>,
        %parallel_loop3A_361 = arith.constant 0 : i32
        %parallel_loop3A_362 = arith.addi %parallel_loop3A_361, %parallel_loop3A_333 : i32
        %parallel_loop3A_363 = arith.index_cast %parallel_loop3A_362 : i32 to index
        %parallel_loop3A_364 = arith.constant 32 : index
        %parallel_loop3A_365 = tpu.vector_load %arg11[%parallel_loop3A_363, %parallel_loop3A_364] {strides = array<i32>} : memref<200x128xf32, #tpu.memory_space<vmem>>, vector<16xf32>,
        %parallel_loop3A_366 = arith.addf %parallel_loop3A_360, %parallel_loop3A_365 : vector<16xf32>
        %parallel_loop3A_367 = arith.constant 0 : i32
        %parallel_loop3A_368 = arith.index_cast %parallel_loop3A_367 : i32 to index
        %parallel_loop3A_369 = arith.index_cast %parallel_loop3A_333 : i32 to index
        %parallel_loop3A_370 = arith.constant 48 : index
        %parallel_loop3A_371 = tpu.vector_load %arg10[%parallel_loop3A_368, %parallel_loop3A_369, %parallel_loop3A_370] {strides = array<i32>} : memref<4x100x128xf32, #tpu.memory_space<vmem>>, vector<16xf32>,
        %parallel_loop3A_372 = arith.constant 0 : i32
        %parallel_loop3A_373 = arith.addi %parallel_loop3A_372, %parallel_loop3A_333 : i32
        %parallel_loop3A_374 = arith.index_cast %parallel_loop3A_373 : i32 to index
        %parallel_loop3A_375 = arith.constant 48 : index
        %parallel_loop3A_376 = tpu.vector_load %arg11[%parallel_loop3A_374, %parallel_loop3A_375] {strides = array<i32>} : memref<200x128xf32, #tpu.memory_space<vmem>>, vector<16xf32>,
        %parallel_loop3A_377 = arith.addf %parallel_loop3A_371, %parallel_loop3A_376 : vector<16xf32>
        %parallel_loop3A_378 = arith.constant 0 : i32
        %parallel_loop3A_379 = arith.index_cast %parallel_loop3A_378 : i32 to index
        %parallel_loop3A_380 = arith.index_cast %parallel_loop3A_333 : i32 to index
        %parallel_loop3A_381 = arith.constant 64 : index
        %parallel_loop3A_382 = tpu.vector_load %arg10[%parallel_loop3A_379, %parallel_loop3A_380, %parallel_loop3A_381] {strides = array<i32>} : memref<4x100x128xf32, #tpu.memory_space<vmem>>, vector<16xf32>,
        %parallel_loop3A_383 = arith.constant 0 : i32
        %parallel_loop3A_384 = arith.addi %parallel_loop3A_383, %parallel_loop3A_333 : i32
        %parallel_loop3A_385 = arith.index_cast %parallel_loop3A_384 : i32 to index
        %parallel_loop3A_386 = arith.constant 64 : index
        %parallel_loop3A_387 = tpu.vector_load %arg11[%parallel_loop3A_385, %parallel_loop3A_386] {strides = array<i32>} : memref<200x128xf32, #tpu.memory_space<vmem>>, vector<16xf32>,
        %parallel_loop3A_388 = arith.addf %parallel_loop3A_382, %parallel_loop3A_387 : vector<16xf32>
        %parallel_loop3A_389 = arith.constant 0 : i32
        %parallel_loop3A_390 = arith.index_cast %parallel_loop3A_389 : i32 to index
        %parallel_loop3A_391 = arith.index_cast %parallel_loop3A_333 : i32 to index
        %parallel_loop3A_392 = arith.constant 80 : index
        %parallel_loop3A_393 = tpu.vector_load %arg10[%parallel_loop3A_390, %parallel_loop3A_391, %parallel_loop3A_392] {strides = array<i32>} : memref<4x100x128xf32, #tpu.memory_space<vmem>>, vector<16xf32>,
        %parallel_loop3A_394 = arith.constant 0 : i32
        %parallel_loop3A_395 = arith.addi %parallel_loop3A_394, %parallel_loop3A_333 : i32
        %parallel_loop3A_396 = arith.index_cast %parallel_loop3A_395 : i32 to index
        %parallel_loop3A_397 = arith.constant 80 : index
        %parallel_loop3A_398 = tpu.vector_load %arg11[%parallel_loop3A_396, %parallel_loop3A_397] {strides = array<i32>} : memref<200x128xf32, #tpu.memory_space<vmem>>, vector<16xf32>,
        %parallel_loop3A_399 = arith.addf %parallel_loop3A_393, %parallel_loop3A_398 : vector<16xf32>
        %parallel_loop3A_400 = arith.constant 0 : i32
        %parallel_loop3A_401 = arith.index_cast %parallel_loop3A_400 : i32 to index
        %parallel_loop3A_402 = arith.index_cast %parallel_loop3A_333 : i32 to index
        %parallel_loop3A_403 = arith.constant 96 : index
        %parallel_loop3A_404 = tpu.vector_load %arg10[%parallel_loop3A_401, %parallel_loop3A_402, %parallel_loop3A_403] {strides = array<i32>} : memref<4x100x128xf32, #tpu.memory_space<vmem>>, vector<16xf32>,
        %parallel_loop3A_405 = arith.constant 0 : i32
        %parallel_loop3A_406 = arith.addi %parallel_loop3A_405, %parallel_loop3A_333 : i32
        %parallel_loop3A_407 = arith.index_cast %parallel_loop3A_406 : i32 to index
        %parallel_loop3A_408 = arith.constant 96 : index
        %parallel_loop3A_409 = tpu.vector_load %arg11[%parallel_loop3A_407, %parallel_loop3A_408] {strides = array<i32>} : memref<200x128xf32, #tpu.memory_space<vmem>>, vector<16xf32>,
        %parallel_loop3A_410 = arith.addf %parallel_loop3A_404, %parallel_loop3A_409 : vector<16xf32>
        %parallel_loop3A_411 = arith.constant 0 : i32
        %parallel_loop3A_412 = arith.index_cast %parallel_loop3A_411 : i32 to index
        %parallel_loop3A_413 = arith.index_cast %parallel_loop3A_333 : i32 to index
        %parallel_loop3A_414 = arith.constant 112 : index
        %parallel_loop3A_415 = tpu.vector_load %arg10[%parallel_loop3A_412, %parallel_loop3A_413, %parallel_loop3A_414] {strides = array<i32>} : memref<4x100x128xf32, #tpu.memory_space<vmem>>, vector<16xf32>,
        %parallel_loop3A_416 = arith.constant 0 : i32
        %parallel_loop3A_417 = arith.addi %parallel_loop3A_416, %parallel_loop3A_333 : i32
        %parallel_loop3A_418 = arith.index_cast %parallel_loop3A_417 : i32 to index
        %parallel_loop3A_419 = arith.constant 112 : index
        %parallel_loop3A_420 = tpu.vector_load %arg11[%parallel_loop3A_418, %parallel_loop3A_419] {strides = array<i32>} : memref<200x128xf32, #tpu.memory_space<vmem>>, vector<16xf32>,
        %parallel_loop3A_421 = arith.addf %parallel_loop3A_415, %parallel_loop3A_420 : vector<16xf32>
        %parallel_loop3A_422 = arith.addf %parallel_loop3A_344, %parallel_loop3A_355 : vector<16xf32>
        %parallel_loop3A_423 = arith.addf %parallel_loop3A_366, %parallel_loop3A_377 : vector<16xf32>
        %parallel_loop3A_424 = arith.addf %parallel_loop3A_388, %parallel_loop3A_399 : vector<16xf32>
        %parallel_loop3A_425 = arith.addf %parallel_loop3A_410, %parallel_loop3A_421 : vector<16xf32>
        %parallel_loop3A_426 = arith.addf %parallel_loop3A_422, %parallel_loop3A_423 : vector<16xf32>
        %parallel_loop3A_427 = arith.addf %parallel_loop3A_424, %parallel_loop3A_425 : vector<16xf32>
        %parallel_loop3A_428 = arith.addf %parallel_loop3A_426, %parallel_loop3A_427 : vector<16xf32>
        %parallel_loop3A_429 = arith.constant true
        %parallel_loop3A_430 = vector.broadcast %parallel_loop3A_429 : i1 to vector<16xi1>
        %parallel_loop3A_431 = tpu.scan <sum>, %parallel_loop3A_428 masked %parallel_loop3A_430 : vector<16xf32>, vector<16xi1> -> vector<16xf32>
        %parallel_loop3A_432 = vector.extract_strided_slice %parallel_loop3A_431 {offsets = [15], sizes = [1], strides = [1]} : vector<16xf32> to vector<1xf32>
        %parallel_loop3A_433 = vector.extract %parallel_loop3A_432[0] : f32 from vector<1xf32>
        %parallel_loop3A_434 = arith.mulf %parallel_loop3A_344, %parallel_loop3A_344 : vector<16xf32>
        %parallel_loop3A_435 = arith.mulf %parallel_loop3A_355, %parallel_loop3A_355 : vector<16xf32>
        %parallel_loop3A_436 = arith.mulf %parallel_loop3A_366, %parallel_loop3A_366 : vector<16xf32>
        %parallel_loop3A_437 = arith.mulf %parallel_loop3A_377, %parallel_loop3A_377 : vector<16xf32>
        %parallel_loop3A_438 = arith.mulf %parallel_loop3A_388, %parallel_loop3A_388 : vector<16xf32>
        %parallel_loop3A_439 = arith.mulf %parallel_loop3A_399, %parallel_loop3A_399 : vector<16xf32>
        %parallel_loop3A_440 = arith.mulf %parallel_loop3A_410, %parallel_loop3A_410 : vector<16xf32>
        %parallel_loop3A_441 = arith.mulf %parallel_loop3A_421, %parallel_loop3A_421 : vector<16xf32>
        %parallel_loop3A_442 = arith.addf %parallel_loop3A_434, %parallel_loop3A_435 : vector<16xf32>
        %parallel_loop3A_443 = arith.addf %parallel_loop3A_436, %parallel_loop3A_437 : vector<16xf32>
        %parallel_loop3A_444 = arith.addf %parallel_loop3A_438, %parallel_loop3A_439 : vector<16xf32>
        %parallel_loop3A_445 = arith.addf %parallel_loop3A_440, %parallel_loop3A_441 : vector<16xf32>
        %parallel_loop3A_446 = arith.addf %parallel_loop3A_442, %parallel_loop3A_443 : vector<16xf32>
        %parallel_loop3A_447 = arith.addf %parallel_loop3A_444, %parallel_loop3A_445 : vector<16xf32>
        %parallel_loop3A_448 = arith.addf %parallel_loop3A_446, %parallel_loop3A_447 : vector<16xf32>
        %parallel_loop3A_449 = arith.constant true
        %parallel_loop3A_450 = vector.broadcast %parallel_loop3A_449 : i1 to vector<16xi1>
        %parallel_loop3A_451 = tpu.scan <sum>, %parallel_loop3A_448 masked %parallel_loop3A_450 : vector<16xf32>, vector<16xi1> -> vector<16xf32>
        %parallel_loop3A_452 = vector.extract_strided_slice %parallel_loop3A_451 {offsets = [15], sizes = [1], strides = [1]} : vector<16xf32> to vector<1xf32>
        %parallel_loop3A_453 = vector.extract %parallel_loop3A_452[0] : f32 from vector<1xf32>
        %parallel_loop3A_454 = arith.constant 7.812500e-03 : f32
        %parallel_loop3A_455 = arith.mulf %parallel_loop3A_433, %parallel_loop3A_454 : f32
        %parallel_loop3A_456 = arith.constant 7.812500e-03 : f32
        %parallel_loop3A_457 = arith.mulf %parallel_loop3A_453, %parallel_loop3A_456 : f32
        %parallel_loop3A_458 = arith.mulf %parallel_loop3A_455, %parallel_loop3A_455 : f32
        %parallel_loop3A_459 = arith.subf %parallel_loop3A_457, %parallel_loop3A_458 : f32
        %parallel_loop3A_460 = arith.constant 9.99999996E-13 : f32
        %parallel_loop3A_461 = arith.addf %parallel_loop3A_459, %parallel_loop3A_460 : f32
        %parallel_loop3A_462 = arith.bitcast %parallel_loop3A_461 : f32 to i32
        %parallel_loop3A_463 = arith.constant 1 : i32
        %parallel_loop3A_464 = arith.shrsi %parallel_loop3A_462, %parallel_loop3A_463 : i32
        %parallel_loop3A_465 = arith.constant 1597463007 : i32
        %parallel_loop3A_466 = arith.subi %parallel_loop3A_465, %parallel_loop3A_464 : i32
        %parallel_loop3A_467 = arith.bitcast %parallel_loop3A_466 : i32 to f32
        %parallel_loop3A_468 = arith.constant -5.000000e-01 : f32
        %parallel_loop3A_469 = arith.mulf %parallel_loop3A_461, %parallel_loop3A_468 : f32
        %parallel_loop3A_470 = arith.mulf %parallel_loop3A_469, %parallel_loop3A_467 : f32
        %parallel_loop3A_471 = arith.mulf %parallel_loop3A_470, %parallel_loop3A_467 : f32
        %parallel_loop3A_472 = arith.constant 1.500000e+00 : f32
        %parallel_loop3A_473 = arith.addf %parallel_loop3A_472, %parallel_loop3A_471 : f32
        %parallel_loop3A_474 = arith.mulf %parallel_loop3A_467, %parallel_loop3A_473 : f32
        %parallel_loop3A_475 = arith.mulf %parallel_loop3A_469, %parallel_loop3A_474 : f32
        %parallel_loop3A_476 = arith.mulf %parallel_loop3A_475, %parallel_loop3A_474 : f32
        %parallel_loop3A_477 = arith.constant 1.500000e+00 : f32
        %parallel_loop3A_478 = arith.addf %parallel_loop3A_477, %parallel_loop3A_476 : f32
        %parallel_loop3A_479 = arith.mulf %parallel_loop3A_474, %parallel_loop3A_478 : f32
        %parallel_loop3A_480 = vector.broadcast %parallel_loop3A_479 : f32 to vector<16xf32>
        %parallel_loop3A_481 = arith.mulf %parallel_loop3A_455, %parallel_loop3A_479 : f32
        %parallel_loop3A_482 = vector.broadcast %parallel_loop3A_481 : f32 to vector<16xf32>
        %parallel_loop3A_483 = arith.mulf %parallel_loop3A_344, %parallel_loop3A_480 : vector<16xf32>
        %parallel_loop3A_484 = arith.subf %parallel_loop3A_483, %parallel_loop3A_482 : vector<16xf32>
        %parallel_loop3A_485 = arith.mulf %parallel_loop3A_484, %get3A_19 : vector<16xf32>
        %parallel_loop3A_486 = arith.addf %parallel_loop3A_485, %get3A_35 : vector<16xf32>
        %parallel_loop3A_487 = arith.constant 0 : i32
        %parallel_loop3A_488 = arith.index_cast %parallel_loop3A_487 : i32 to index
        %parallel_loop3A_489 = arith.index_cast %parallel_loop3A_333 : i32 to index
        %parallel_loop3A_490 = arith.constant 0 : index
        %parallel_loop3A_491 = tpu.vector_load %arg10[%parallel_loop3A_488, %parallel_loop3A_489, %parallel_loop3A_490] {strides = array<i32>} : memref<4x100x128xf32, #tpu.memory_space<vmem>>, vector<16xf32>,
        tpu.vector_store %arg10[%parallel_loop3A_488, %parallel_loop3A_489, %parallel_loop3A_490], %parallel_loop3A_486 {strides = array<i32>} : memref<4x100x128xf32, #tpu.memory_space<vmem>>, vector<16xf32>,
        %parallel_loop3A_492 = arith.mulf %parallel_loop3A_355, %parallel_loop3A_480 : vector<16xf32>
        %parallel_loop3A_493 = arith.subf %parallel_loop3A_492, %parallel_loop3A_482 : vector<16xf32>
        %parallel_loop3A_494 = arith.mulf %parallel_loop3A_493, %get3A_21 : vector<16xf32>
        %parallel_loop3A_495 = arith.addf %parallel_loop3A_494, %get3A_37 : vector<16xf32>
        %parallel_loop3A_496 = arith.constant 0 : i32
        %parallel_loop3A_497 = arith.index_cast %parallel_loop3A_496 : i32 to index
        %parallel_loop3A_498 = arith.index_cast %parallel_loop3A_333 : i32 to index
        %parallel_loop3A_499 = arith.constant 16 : index
        %parallel_loop3A_500 = tpu.vector_load %arg10[%parallel_loop3A_497, %parallel_loop3A_498, %parallel_loop3A_499] {strides = array<i32>} : memref<4x100x128xf32, #tpu.memory_space<vmem>>, vector<16xf32>,
        tpu.vector_store %arg10[%parallel_loop3A_497, %parallel_loop3A_498, %parallel_loop3A_499], %parallel_loop3A_495 {strides = array<i32>} : memref<4x100x128xf32, #tpu.memory_space<vmem>>, vector<16xf32>,
        %parallel_loop3A_501 = arith.mulf %parallel_loop3A_366, %parallel_loop3A_480 : vector<16xf32>
        %parallel_loop3A_502 = arith.subf %parallel_loop3A_501, %parallel_loop3A_482 : vector<16xf32>
        %parallel_loop3A_503 = arith.mulf %parallel_loop3A_502, %get3A_23 : vector<16xf32>
        %parallel_loop3A_504 = arith.addf %parallel_loop3A_503, %get3A_39 : vector<16xf32>
        %parallel_loop3A_505 = arith.constant 0 : i32
        %parallel_loop3A_506 = arith.index_cast %parallel_loop3A_505 : i32 to index
        %parallel_loop3A_507 = arith.index_cast %parallel_loop3A_333 : i32 to index
        %parallel_loop3A_508 = arith.constant 32 : index
        %parallel_loop3A_509 = tpu.vector_load %arg10[%parallel_loop3A_506, %parallel_loop3A_507, %parallel_loop3A_508] {strides = array<i32>} : memref<4x100x128xf32, #tpu.memory_space<vmem>>, vector<16xf32>,
        tpu.vector_store %arg10[%parallel_loop3A_506, %parallel_loop3A_507, %parallel_loop3A_508], %parallel_loop3A_504 {strides = array<i32>} : memref<4x100x128xf32, #tpu.memory_space<vmem>>, vector<16xf32>,
        %parallel_loop3A_510 = arith.mulf %parallel_loop3A_377, %parallel_loop3A_480 : vector<16xf32>
        %parallel_loop3A_511 = arith.subf %parallel_loop3A_510, %parallel_loop3A_482 : vector<16xf32>
        %parallel_loop3A_512 = arith.mulf %parallel_loop3A_511, %get3A_25 : vector<16xf32>
        %parallel_loop3A_513 = arith.addf %parallel_loop3A_512, %get3A_41 : vector<16xf32>
        %parallel_loop3A_514 = arith.constant 0 : i32
        %parallel_loop3A_515 = arith.index_cast %parallel_loop3A_514 : i32 to index
        %parallel_loop3A_516 = arith.index_cast %parallel_loop3A_333 : i32 to index
        %parallel_loop3A_517 = arith.constant 48 : index
        %parallel_loop3A_518 = tpu.vector_load %arg10[%parallel_loop3A_515, %parallel_loop3A_516, %parallel_loop3A_517] {strides = array<i32>} : memref<4x100x128xf32, #tpu.memory_space<vmem>>, vector<16xf32>,
        tpu.vector_store %arg10[%parallel_loop3A_515, %parallel_loop3A_516, %parallel_loop3A_517], %parallel_loop3A_513 {strides = array<i32>} : memref<4x100x128xf32, #tpu.memory_space<vmem>>, vector<16xf32>,
        %parallel_loop3A_519 = arith.mulf %parallel_loop3A_388, %parallel_loop3A_480 : vector<16xf32>
        %parallel_loop3A_520 = arith.subf %parallel_loop3A_519, %parallel_loop3A_482 : vector<16xf32>
        %parallel_loop3A_521 = arith.mulf %parallel_loop3A_520, %get3A_27 : vector<16xf32>
        %parallel_loop3A_522 = arith.addf %parallel_loop3A_521, %get3A_43 : vector<16xf32>
        %parallel_loop3A_523 = arith.constant 0 : i32
        %parallel_loop3A_524 = arith.index_cast %parallel_loop3A_523 : i32 to index
        %parallel_loop3A_525 = arith.index_cast %parallel_loop3A_333 : i32 to index
        %parallel_loop3A_526 = arith.constant 64 : index
        %parallel_loop3A_527 = tpu.vector_load %arg10[%parallel_loop3A_524, %parallel_loop3A_525, %parallel_loop3A_526] {strides = array<i32>} : memref<4x100x128xf32, #tpu.memory_space<vmem>>, vector<16xf32>,
        tpu.vector_store %arg10[%parallel_loop3A_524, %parallel_loop3A_525, %parallel_loop3A_526], %parallel_loop3A_522 {strides = array<i32>} : memref<4x100x128xf32, #tpu.memory_space<vmem>>, vector<16xf32>,
        %parallel_loop3A_528 = arith.mulf %parallel_loop3A_399, %parallel_loop3A_480 : vector<16xf32>
        %parallel_loop3A_529 = arith.subf %parallel_loop3A_528, %parallel_loop3A_482 : vector<16xf32>
        %parallel_loop3A_530 = arith.mulf %parallel_loop3A_529, %get3A_29 : vector<16xf32>
        %parallel_loop3A_531 = arith.addf %parallel_loop3A_530, %get3A_45 : vector<16xf32>
        %parallel_loop3A_532 = arith.constant 0 : i32
        %parallel_loop3A_533 = arith.index_cast %parallel_loop3A_532 : i32 to index
        %parallel_loop3A_534 = arith.index_cast %parallel_loop3A_333 : i32 to index
        %parallel_loop3A_535 = arith.constant 80 : index
        %parallel_loop3A_536 = tpu.vector_load %arg10[%parallel_loop3A_533, %parallel_loop3A_534, %parallel_loop3A_535] {strides = array<i32>} : memref<4x100x128xf32, #tpu.memory_space<vmem>>, vector<16xf32>,
        tpu.vector_store %arg10[%parallel_loop3A_533, %parallel_loop3A_534, %parallel_loop3A_535], %parallel_loop3A_531 {strides = array<i32>} : memref<4x100x128xf32, #tpu.memory_space<vmem>>, vector<16xf32>,
        %parallel_loop3A_537 = arith.mulf %parallel_loop3A_410, %parallel_loop3A_480 : vector<16xf32>
        %parallel_loop3A_538 = arith.subf %parallel_loop3A_537, %parallel_loop3A_482 : vector<16xf32>
        %parallel_loop3A_539 = arith.mulf %parallel_loop3A_538, %get3A_31 : vector<16xf32>
        %parallel_loop3A_540 = arith.addf %parallel_loop3A_539, %get3A_47 : vector<16xf32>
        %parallel_loop3A_541 = arith.constant 0 : i32
        %parallel_loop3A_542 = arith.index_cast %parallel_loop3A_541 : i32 to index
        %parallel_loop3A_543 = arith.index_cast %parallel_loop3A_333 : i32 to index
        %parallel_loop3A_544 = arith.constant 96 : index
        %parallel_loop3A_545 = tpu.vector_load %arg10[%parallel_loop3A_542, %parallel_loop3A_543, %parallel_loop3A_544] {strides = array<i32>} : memref<4x100x128xf32, #tpu.memory_space<vmem>>, vector<16xf32>,
        tpu.vector_store %arg10[%parallel_loop3A_542, %parallel_loop3A_543, %parallel_loop3A_544], %parallel_loop3A_540 {strides = array<i32>} : memref<4x100x128xf32, #tpu.memory_space<vmem>>, vector<16xf32>,
        %parallel_loop3A_546 = arith.mulf %parallel_loop3A_421, %parallel_loop3A_480 : vector<16xf32>
        %parallel_loop3A_547 = arith.subf %parallel_loop3A_546, %parallel_loop3A_482 : vector<16xf32>
        %parallel_loop3A_548 = arith.mulf %parallel_loop3A_547, %get3A_33 : vector<16xf32>
        %parallel_loop3A_549 = arith.addf %parallel_loop3A_548, %get3A_49 : vector<16xf32>
        %parallel_loop3A_550 = arith.constant 0 : i32
        %parallel_loop3A_551 = arith.index_cast %parallel_loop3A_550 : i32 to index
        %parallel_loop3A_552 = arith.index_cast %parallel_loop3A_333 : i32 to index
        %parallel_loop3A_553 = arith.constant 112 : index
        %parallel_loop3A_554 = tpu.vector_load %arg10[%parallel_loop3A_551, %parallel_loop3A_552, %parallel_loop3A_553] {strides = array<i32>} : memref<4x100x128xf32, #tpu.memory_space<vmem>>, vector<16xf32>,
        tpu.vector_store %arg10[%parallel_loop3A_551, %parallel_loop3A_552, %parallel_loop3A_553], %parallel_loop3A_549 {strides = array<i32>} : memref<4x100x128xf32, #tpu.memory_space<vmem>>, vector<16xf32>,
      } {sc.loop_unroll_factor = 2 : i64, sc.parallel_access}
      %dma_start3A_147 = arith.constant 0 : i32
      %dma_start3A_148 = arith.constant 0 : i32
      %dma_start3A_149 = arith.constant 0 : i32
      %dma_start3A_150 = tpu.memref_slice %arg10[%dma_start3A_147, %dma_start3A_148, %dma_start3A_149] : memref<4x100x128xf32, #tpu.memory_space<vmem>> -> memref<1x100x128xf32, #tpu.memory_space<vmem>>
      %dma_start3A_151 = tpu.memref_squeeze %dma_start3A_150 : memref<1x100x128xf32, #tpu.memory_space<vmem>> -> memref<100x128xf32, #tpu.memory_space<vmem>>
      %dma_start3A_152 = arith.constant 0 : i32
      %dma_start3A_153 = arith.constant 0 : i32
      %dma_start3A_154 = tpu.memref_slice %arg8[%add3A, %add3A_117, %dma_start3A_152, %dma_start3A_153] : memref<32x256x100x128xf32, #tpu.memory_space<hbm>> -> memref<1x1x100x128xf32, #tpu.memory_space<hbm>>
      %dma_start3A_155 = tpu.memref_squeeze %dma_start3A_154 : memref<1x1x100x128xf32, #tpu.memory_space<hbm>> -> memref<100x128xf32, #tpu.memory_space<hbm>>
      %dma_start3A_156 = arith.constant 0 : i32
      %dma_start3A_157 = arith.constant 0 : i32
      %dma_start3A_158 = tpu.memref_slice %arg8[%add3A, %add3A_117, %dma_start3A_156, %dma_start3A_157] : memref<32x256x100x128xf32, #tpu.memory_space<hbm>> -> memref<1x1x100x128xf32, #tpu.memory_space<hbm>>
      %dma_start3A_159 = tpu.memref_squeeze %dma_start3A_158 : memref<1x1x100x128xf32, #tpu.memory_space<hbm>> -> memref<100x128xf32, #tpu.memory_space<hbm>>
      %dma_start3A_160 = arith.constant 0 : i32
      %dma_start3A_161 = arith.constant 0 : i32
      %dma_start3A_162 = tpu.memref_slice %arg10[%dma_start3A_147, %dma_start3A_160, %dma_start3A_161] : memref<4x100x128xf32, #tpu.memory_space<vmem>> -> memref<1x100x128xf32, #tpu.memory_space<vmem>>
      %dma_start3A_163 = tpu.memref_squeeze %dma_start3A_162 : memref<1x100x128xf32, #tpu.memory_space<vmem>> -> memref<100x128xf32, #tpu.memory_space<vmem>>
      tpu.enqueue_dma source(%dma_start3A_163 : memref<100x128xf32, #tpu.memory_space<vmem>>) target(%dma_start3A_159 : memref<100x128xf32, #tpu.memory_space<hbm>>) target_semaphore(%arg19 : memref<!tpu.dma_semaphore, #tpu.memory_space<semaphore_mem>>)
      %mul3A_164 = arith.constant 4 : i32
      %mul3A_165 = arith.muli %scan3A_113, %mul3A_164 : i32
      %add3A_166 = arith.constant 1 : i32
      %add3A_167 = arith.addi %mul3A_165, %add3A_166 : i32
      %gt3A_168 = arith.constant 0 : i32
      %gt3A_169 = arith.cmpi sgt, %scan3A_113, %gt3A_168 : i32
      %convert_element_type3A_170 = arith.extui %gt3A_169 : i1 to i32
      %cond3A_171 = arith.constant 0 : i32
      %cond3A_172 = arith.cmpi ne, %convert_element_type3A_170, %cond3A_171 : i32
      scf.if %cond3A_172 {
        %sub3A_333 = arith.constant 2 : i32
        %sub3A_334 = arith.subi %add3A_167, %sub3A_333 : i32
        %dma_wait3A_335 = arith.constant 3 : i32
        %dma_wait3A_336 = arith.constant 0 : i32
        %dma_wait3A_337 = arith.constant 0 : i32
        %dma_wait3A_338 = tpu.memref_slice %arg10[%dma_wait3A_335, %dma_wait3A_336, %dma_wait3A_337] : memref<4x100x128xf32, #tpu.memory_space<vmem>> -> memref<1x100x128xf32, #tpu.memory_space<vmem>>
        %dma_wait3A_339 = tpu.memref_squeeze %dma_wait3A_338 : memref<1x100x128xf32, #tpu.memory_space<vmem>> -> memref<100x128xf32, #tpu.memory_space<vmem>>
        %dma_wait3A_340 = arith.constant 0 : i32
        %dma_wait3A_341 = arith.constant 0 : i32
        %dma_wait3A_342 = tpu.memref_slice %arg8[%add3A, %sub3A_334, %dma_wait3A_340, %dma_wait3A_341] : memref<32x256x100x128xf32, #tpu.memory_space<hbm>> -> memref<1x1x100x128xf32, #tpu.memory_space<hbm>>
        %dma_wait3A_343 = tpu.memref_squeeze %dma_wait3A_342 : memref<1x1x100x128xf32, #tpu.memory_space<hbm>> -> memref<100x128xf32, #tpu.memory_space<hbm>>
        %dma_wait3A_344 = arith.constant 0 : i32
        %dma_wait3A_345 = arith.constant 0 : i32
        %dma_wait3A_346 = tpu.memref_slice %arg8[%add3A, %sub3A_334, %dma_wait3A_344, %dma_wait3A_345] : memref<32x256x100x128xf32, #tpu.memory_space<hbm>> -> memref<1x1x100x128xf32, #tpu.memory_space<hbm>>
        %dma_wait3A_347 = tpu.memref_squeeze %dma_wait3A_346 : memref<1x1x100x128xf32, #tpu.memory_space<hbm>> -> memref<100x128xf32, #tpu.memory_space<hbm>>
        %dma_wait3A_348 = arith.constant 0 : i32
        %dma_wait3A_349 = arith.constant 0 : i32
        %dma_wait3A_350 = tpu.memref_slice %arg10[%dma_wait3A_335, %dma_wait3A_348, %dma_wait3A_349] : memref<4x100x128xf32, #tpu.memory_space<vmem>> -> memref<1x100x128xf32, #tpu.memory_space<vmem>>
        %dma_wait3A_351 = tpu.memref_squeeze %dma_wait3A_350 : memref<1x100x128xf32, #tpu.memory_space<vmem>> -> memref<100x128xf32, #tpu.memory_space<vmem>>
        tpu.wait_dma2 semaphore(%arg22 : memref<!tpu.dma_semaphore, #tpu.memory_space<semaphore_mem>>) src(%dma_wait3A_351 : memref<100x128xf32, #tpu.memory_space<vmem>>) dst(%dma_wait3A_347 : memref<100x128xf32, #tpu.memory_space<hbm>>)
      } else {
      }
      %add3A_173 = arith.constant 2 : i32
      %add3A_174 = arith.addi %add3A_167, %add3A_173 : i32
      %dma_start3A_175 = arith.constant 3 : i32
      %dma_start3A_176 = arith.constant 0 : i32
      %dma_start3A_177 = arith.constant 0 : i32
      %dma_start3A_178 = tpu.memref_slice %arg10[%dma_start3A_175, %dma_start3A_176, %dma_start3A_177] : memref<4x100x128xf32, #tpu.memory_space<vmem>> -> memref<1x100x128xf32, #tpu.memory_space<vmem>>
      %dma_start3A_179 = tpu.memref_squeeze %dma_start3A_178 : memref<1x100x128xf32, #tpu.memory_space<vmem>> -> memref<100x128xf32, #tpu.memory_space<vmem>>
      %dma_start3A_180 = arith.constant 0 : i32
      %dma_start3A_181 = tpu.memref_slice %arg9[%add3A_174, %dma_start3A_180] : memref<256x100xi32, #tpu.memory_space<vmem>> -> memref<1x100xi32, #tpu.memory_space<vmem>>
      %dma_start3A_182 = tpu.memref_squeeze %dma_start3A_181 : memref<1x100xi32, #tpu.memory_space<vmem>> -> memref<100xi32, #tpu.memory_space<vmem>>
      %dma_start3A_183 = arith.constant 0 : i32
      %dma_start3A_184 = arith.constant 0 : i32
      %dma_start3A_185 = tpu.memref_slice %arg3[%dma_start3A_183, %dma_start3A_184] : memref<100000x128xf32, #tpu.memory_space<hbm>> -> memref<100000x128xf32, #tpu.memory_space<hbm>>
      tpu.enqueue_indirect_dma source(%dma_start3A_185 : memref<100000x128xf32, #tpu.memory_space<hbm>>) target(%dma_start3A_179 : memref<100x128xf32, #tpu.memory_space<vmem>>) offsets(%dma_start3A_182 : memref<100xi32, #tpu.memory_space<vmem>>) semaphore(%arg18 : memref<!tpu.dma_semaphore, #tpu.memory_space<semaphore_mem>>)
      %dma_wait3A_186 = arith.constant 1 : i32
      %dma_wait3A_187 = arith.constant 0 : i32
      %dma_wait3A_188 = arith.constant 0 : i32
      %dma_wait3A_189 = tpu.memref_slice %arg10[%dma_wait3A_186, %dma_wait3A_187, %dma_wait3A_188] : memref<4x100x128xf32, #tpu.memory_space<vmem>> -> memref<1x100x128xf32, #tpu.memory_space<vmem>>
      %dma_wait3A_190 = tpu.memref_squeeze %dma_wait3A_189 : memref<1x100x128xf32, #tpu.memory_space<vmem>> -> memref<100x128xf32, #tpu.memory_space<vmem>>
      %dma_wait3A_191 = arith.constant 0 : i32
      %dma_wait3A_192 = tpu.memref_slice %arg9[%add3A_167, %dma_wait3A_191] : memref<256x100xi32, #tpu.memory_space<vmem>> -> memref<1x100xi32, #tpu.memory_space<vmem>>
      %dma_wait3A_193 = tpu.memref_squeeze %dma_wait3A_192 : memref<1x100xi32, #tpu.memory_space<vmem>> -> memref<100xi32, #tpu.memory_space<vmem>>
      %dma_wait3A_194 = arith.constant 0 : i32
      %dma_wait3A_195 = arith.constant 0 : i32
      %dma_wait3A_196 = tpu.memref_slice %arg3[%dma_wait3A_194, %dma_wait3A_195] : memref<100000x128xf32, #tpu.memory_space<hbm>> -> memref<100000x128xf32, #tpu.memory_space<hbm>>
      tpu.wait_indirect_dma semaphore(%arg16 : memref<!tpu.dma_semaphore, #tpu.memory_space<semaphore_mem>>) src(%dma_wait3A_196 : memref<100000x128xf32, #tpu.memory_space<hbm>>) dst(%dma_wait3A_190 : memref<100x128xf32, #tpu.memory_space<vmem>>)
      %parallel_loop3A_197 = arith.constant 0 : i32
      %parallel_loop3A_198 = arith.constant 100 : i32
      %parallel_loop3A_199 = arith.constant 1 : i32
      scf.for %parallel_loop3A_333 = %parallel_loop3A_197 to %parallel_loop3A_198 step %parallel_loop3A_199  : i32 {
        %parallel_loop3A_334 = arith.constant 1 : i32
        %parallel_loop3A_335 = arith.index_cast %parallel_loop3A_334 : i32 to index
        %parallel_loop3A_336 = arith.index_cast %parallel_loop3A_333 : i32 to index
        %parallel_loop3A_337 = arith.constant 0 : index
        %parallel_loop3A_338 = tpu.vector_load %arg10[%parallel_loop3A_335, %parallel_loop3A_336, %parallel_loop3A_337] {strides = array<i32>} : memref<4x100x128xf32, #tpu.memory_space<vmem>>, vector<16xf32>,
        %parallel_loop3A_339 = arith.constant 100 : i32
        %parallel_loop3A_340 = arith.addi %parallel_loop3A_339, %parallel_loop3A_333 : i32
        %parallel_loop3A_341 = arith.index_cast %parallel_loop3A_340 : i32 to index
        %parallel_loop3A_342 = arith.constant 0 : index
        %parallel_loop3A_343 = tpu.vector_load %arg11[%parallel_loop3A_341, %parallel_loop3A_342] {strides = array<i32>} : memref<200x128xf32, #tpu.memory_space<vmem>>, vector<16xf32>,
        %parallel_loop3A_344 = arith.addf %parallel_loop3A_338, %parallel_loop3A_343 : vector<16xf32>
        %parallel_loop3A_345 = arith.constant 1 : i32
        %parallel_loop3A_346 = arith.index_cast %parallel_loop3A_345 : i32 to index
        %parallel_loop3A_347 = arith.index_cast %parallel_loop3A_333 : i32 to index
        %parallel_loop3A_348 = arith.constant 16 : index
        %parallel_loop3A_349 = tpu.vector_load %arg10[%parallel_loop3A_346, %parallel_loop3A_347, %parallel_loop3A_348] {strides = array<i32>} : memref<4x100x128xf32, #tpu.memory_space<vmem>>, vector<16xf32>,
        %parallel_loop3A_350 = arith.constant 100 : i32
        %parallel_loop3A_351 = arith.addi %parallel_loop3A_350, %parallel_loop3A_333 : i32
        %parallel_loop3A_352 = arith.index_cast %parallel_loop3A_351 : i32 to index
        %parallel_loop3A_353 = arith.constant 16 : index
        %parallel_loop3A_354 = tpu.vector_load %arg11[%parallel_loop3A_352, %parallel_loop3A_353] {strides = array<i32>} : memref<200x128xf32, #tpu.memory_space<vmem>>, vector<16xf32>,
        %parallel_loop3A_355 = arith.addf %parallel_loop3A_349, %parallel_loop3A_354 : vector<16xf32>
        %parallel_loop3A_356 = arith.constant 1 : i32
        %parallel_loop3A_357 = arith.index_cast %parallel_loop3A_356 : i32 to index
        %parallel_loop3A_358 = arith.index_cast %parallel_loop3A_333 : i32 to index
        %parallel_loop3A_359 = arith.constant 32 : index
        %parallel_loop3A_360 = tpu.vector_load %arg10[%parallel_loop3A_357, %parallel_loop3A_358, %parallel_loop3A_359] {strides = array<i32>} : memref<4x100x128xf32, #tpu.memory_space<vmem>>, vector<16xf32>,
        %parallel_loop3A_361 = arith.constant 100 : i32
        %parallel_loop3A_362 = arith.addi %parallel_loop3A_361, %parallel_loop3A_333 : i32
        %parallel_loop3A_363 = arith.index_cast %parallel_loop3A_362 : i32 to index
        %parallel_loop3A_364 = arith.constant 32 : index
        %parallel_loop3A_365 = tpu.vector_load %arg11[%parallel_loop3A_363, %parallel_loop3A_364] {strides = array<i32>} : memref<200x128xf32, #tpu.memory_space<vmem>>, vector<16xf32>,
        %parallel_loop3A_366 = arith.addf %parallel_loop3A_360, %parallel_loop3A_365 : vector<16xf32>
        %parallel_loop3A_367 = arith.constant 1 : i32
        %parallel_loop3A_368 = arith.index_cast %parallel_loop3A_367 : i32 to index
        %parallel_loop3A_369 = arith.index_cast %parallel_loop3A_333 : i32 to index
        %parallel_loop3A_370 = arith.constant 48 : index
        %parallel_loop3A_371 = tpu.vector_load %arg10[%parallel_loop3A_368, %parallel_loop3A_369, %parallel_loop3A_370] {strides = array<i32>} : memref<4x100x128xf32, #tpu.memory_space<vmem>>, vector<16xf32>,
        %parallel_loop3A_372 = arith.constant 100 : i32
        %parallel_loop3A_373 = arith.addi %parallel_loop3A_372, %parallel_loop3A_333 : i32
        %parallel_loop3A_374 = arith.index_cast %parallel_loop3A_373 : i32 to index
        %parallel_loop3A_375 = arith.constant 48 : index
        %parallel_loop3A_376 = tpu.vector_load %arg11[%parallel_loop3A_374, %parallel_loop3A_375] {strides = array<i32>} : memref<200x128xf32, #tpu.memory_space<vmem>>, vector<16xf32>,
        %parallel_loop3A_377 = arith.addf %parallel_loop3A_371, %parallel_loop3A_376 : vector<16xf32>
        %parallel_loop3A_378 = arith.constant 1 : i32
        %parallel_loop3A_379 = arith.index_cast %parallel_loop3A_378 : i32 to index
        %parallel_loop3A_380 = arith.index_cast %parallel_loop3A_333 : i32 to index
        %parallel_loop3A_381 = arith.constant 64 : index
        %parallel_loop3A_382 = tpu.vector_load %arg10[%parallel_loop3A_379, %parallel_loop3A_380, %parallel_loop3A_381] {strides = array<i32>} : memref<4x100x128xf32, #tpu.memory_space<vmem>>, vector<16xf32>,
        %parallel_loop3A_383 = arith.constant 100 : i32
        %parallel_loop3A_384 = arith.addi %parallel_loop3A_383, %parallel_loop3A_333 : i32
        %parallel_loop3A_385 = arith.index_cast %parallel_loop3A_384 : i32 to index
        %parallel_loop3A_386 = arith.constant 64 : index
        %parallel_loop3A_387 = tpu.vector_load %arg11[%parallel_loop3A_385, %parallel_loop3A_386] {strides = array<i32>} : memref<200x128xf32, #tpu.memory_space<vmem>>, vector<16xf32>,
        %parallel_loop3A_388 = arith.addf %parallel_loop3A_382, %parallel_loop3A_387 : vector<16xf32>
        %parallel_loop3A_389 = arith.constant 1 : i32
        %parallel_loop3A_390 = arith.index_cast %parallel_loop3A_389 : i32 to index
        %parallel_loop3A_391 = arith.index_cast %parallel_loop3A_333 : i32 to index
        %parallel_loop3A_392 = arith.constant 80 : index
        %parallel_loop3A_393 = tpu.vector_load %arg10[%parallel_loop3A_390, %parallel_loop3A_391, %parallel_loop3A_392] {strides = array<i32>} : memref<4x100x128xf32, #tpu.memory_space<vmem>>, vector<16xf32>,
        %parallel_loop3A_394 = arith.constant 100 : i32
        %parallel_loop3A_395 = arith.addi %parallel_loop3A_394, %parallel_loop3A_333 : i32
        %parallel_loop3A_396 = arith.index_cast %parallel_loop3A_395 : i32 to index
        %parallel_loop3A_397 = arith.constant 80 : index
        %parallel_loop3A_398 = tpu.vector_load %arg11[%parallel_loop3A_396, %parallel_loop3A_397] {strides = array<i32>} : memref<200x128xf32, #tpu.memory_space<vmem>>, vector<16xf32>,
        %parallel_loop3A_399 = arith.addf %parallel_loop3A_393, %parallel_loop3A_398 : vector<16xf32>
        %parallel_loop3A_400 = arith.constant 1 : i32
        %parallel_loop3A_401 = arith.index_cast %parallel_loop3A_400 : i32 to index
        %parallel_loop3A_402 = arith.index_cast %parallel_loop3A_333 : i32 to index
        %parallel_loop3A_403 = arith.constant 96 : index
        %parallel_loop3A_404 = tpu.vector_load %arg10[%parallel_loop3A_401, %parallel_loop3A_402, %parallel_loop3A_403] {strides = array<i32>} : memref<4x100x128xf32, #tpu.memory_space<vmem>>, vector<16xf32>,
        %parallel_loop3A_405 = arith.constant 100 : i32
        %parallel_loop3A_406 = arith.addi %parallel_loop3A_405, %parallel_loop3A_333 : i32
        %parallel_loop3A_407 = arith.index_cast %parallel_loop3A_406 : i32 to index
        %parallel_loop3A_408 = arith.constant 96 : index
        %parallel_loop3A_409 = tpu.vector_load %arg11[%parallel_loop3A_407, %parallel_loop3A_408] {strides = array<i32>} : memref<200x128xf32, #tpu.memory_space<vmem>>, vector<16xf32>,
        %parallel_loop3A_410 = arith.addf %parallel_loop3A_404, %parallel_loop3A_409 : vector<16xf32>
        %parallel_loop3A_411 = arith.constant 1 : i32
        %parallel_loop3A_412 = arith.index_cast %parallel_loop3A_411 : i32 to index
        %parallel_loop3A_413 = arith.index_cast %parallel_loop3A_333 : i32 to index
        %parallel_loop3A_414 = arith.constant 112 : index
        %parallel_loop3A_415 = tpu.vector_load %arg10[%parallel_loop3A_412, %parallel_loop3A_413, %parallel_loop3A_414] {strides = array<i32>} : memref<4x100x128xf32, #tpu.memory_space<vmem>>, vector<16xf32>,
        %parallel_loop3A_416 = arith.constant 100 : i32
        %parallel_loop3A_417 = arith.addi %parallel_loop3A_416, %parallel_loop3A_333 : i32
        %parallel_loop3A_418 = arith.index_cast %parallel_loop3A_417 : i32 to index
        %parallel_loop3A_419 = arith.constant 112 : index
        %parallel_loop3A_420 = tpu.vector_load %arg11[%parallel_loop3A_418, %parallel_loop3A_419] {strides = array<i32>} : memref<200x128xf32, #tpu.memory_space<vmem>>, vector<16xf32>,
        %parallel_loop3A_421 = arith.addf %parallel_loop3A_415, %parallel_loop3A_420 : vector<16xf32>
        %parallel_loop3A_422 = arith.addf %parallel_loop3A_344, %parallel_loop3A_355 : vector<16xf32>
        %parallel_loop3A_423 = arith.addf %parallel_loop3A_366, %parallel_loop3A_377 : vector<16xf32>
        %parallel_loop3A_424 = arith.addf %parallel_loop3A_388, %parallel_loop3A_399 : vector<16xf32>
        %parallel_loop3A_425 = arith.addf %parallel_loop3A_410, %parallel_loop3A_421 : vector<16xf32>
        %parallel_loop3A_426 = arith.addf %parallel_loop3A_422, %parallel_loop3A_423 : vector<16xf32>
        %parallel_loop3A_427 = arith.addf %parallel_loop3A_424, %parallel_loop3A_425 : vector<16xf32>
        %parallel_loop3A_428 = arith.addf %parallel_loop3A_426, %parallel_loop3A_427 : vector<16xf32>
        %parallel_loop3A_429 = arith.constant true
        %parallel_loop3A_430 = vector.broadcast %parallel_loop3A_429 : i1 to vector<16xi1>
        %parallel_loop3A_431 = tpu.scan <sum>, %parallel_loop3A_428 masked %parallel_loop3A_430 : vector<16xf32>, vector<16xi1> -> vector<16xf32>
        %parallel_loop3A_432 = vector.extract_strided_slice %parallel_loop3A_431 {offsets = [15], sizes = [1], strides = [1]} : vector<16xf32> to vector<1xf32>
        %parallel_loop3A_433 = vector.extract %parallel_loop3A_432[0] : f32 from vector<1xf32>
        %parallel_loop3A_434 = arith.mulf %parallel_loop3A_344, %parallel_loop3A_344 : vector<16xf32>
        %parallel_loop3A_435 = arith.mulf %parallel_loop3A_355, %parallel_loop3A_355 : vector<16xf32>
        %parallel_loop3A_436 = arith.mulf %parallel_loop3A_366, %parallel_loop3A_366 : vector<16xf32>
        %parallel_loop3A_437 = arith.mulf %parallel_loop3A_377, %parallel_loop3A_377 : vector<16xf32>
        %parallel_loop3A_438 = arith.mulf %parallel_loop3A_388, %parallel_loop3A_388 : vector<16xf32>
        %parallel_loop3A_439 = arith.mulf %parallel_loop3A_399, %parallel_loop3A_399 : vector<16xf32>
        %parallel_loop3A_440 = arith.mulf %parallel_loop3A_410, %parallel_loop3A_410 : vector<16xf32>
        %parallel_loop3A_441 = arith.mulf %parallel_loop3A_421, %parallel_loop3A_421 : vector<16xf32>
        %parallel_loop3A_442 = arith.addf %parallel_loop3A_434, %parallel_loop3A_435 : vector<16xf32>
        %parallel_loop3A_443 = arith.addf %parallel_loop3A_436, %parallel_loop3A_437 : vector<16xf32>
        %parallel_loop3A_444 = arith.addf %parallel_loop3A_438, %parallel_loop3A_439 : vector<16xf32>
        %parallel_loop3A_445 = arith.addf %parallel_loop3A_440, %parallel_loop3A_441 : vector<16xf32>
        %parallel_loop3A_446 = arith.addf %parallel_loop3A_442, %parallel_loop3A_443 : vector<16xf32>
        %parallel_loop3A_447 = arith.addf %parallel_loop3A_444, %parallel_loop3A_445 : vector<16xf32>
        %parallel_loop3A_448 = arith.addf %parallel_loop3A_446, %parallel_loop3A_447 : vector<16xf32>
        %parallel_loop3A_449 = arith.constant true
        %parallel_loop3A_450 = vector.broadcast %parallel_loop3A_449 : i1 to vector<16xi1>
        %parallel_loop3A_451 = tpu.scan <sum>, %parallel_loop3A_448 masked %parallel_loop3A_450 : vector<16xf32>, vector<16xi1> -> vector<16xf32>
        %parallel_loop3A_452 = vector.extract_strided_slice %parallel_loop3A_451 {offsets = [15], sizes = [1], strides = [1]} : vector<16xf32> to vector<1xf32>
        %parallel_loop3A_453 = vector.extract %parallel_loop3A_452[0] : f32 from vector<1xf32>
        %parallel_loop3A_454 = arith.constant 7.812500e-03 : f32
        %parallel_loop3A_455 = arith.mulf %parallel_loop3A_433, %parallel_loop3A_454 : f32
        %parallel_loop3A_456 = arith.constant 7.812500e-03 : f32
        %parallel_loop3A_457 = arith.mulf %parallel_loop3A_453, %parallel_loop3A_456 : f32
        %parallel_loop3A_458 = arith.mulf %parallel_loop3A_455, %parallel_loop3A_455 : f32
        %parallel_loop3A_459 = arith.subf %parallel_loop3A_457, %parallel_loop3A_458 : f32
        %parallel_loop3A_460 = arith.constant 9.99999996E-13 : f32
        %parallel_loop3A_461 = arith.addf %parallel_loop3A_459, %parallel_loop3A_460 : f32
        %parallel_loop3A_462 = arith.bitcast %parallel_loop3A_461 : f32 to i32
        %parallel_loop3A_463 = arith.constant 1 : i32
        %parallel_loop3A_464 = arith.shrsi %parallel_loop3A_462, %parallel_loop3A_463 : i32
        %parallel_loop3A_465 = arith.constant 1597463007 : i32
        %parallel_loop3A_466 = arith.subi %parallel_loop3A_465, %parallel_loop3A_464 : i32
        %parallel_loop3A_467 = arith.bitcast %parallel_loop3A_466 : i32 to f32
        %parallel_loop3A_468 = arith.constant -5.000000e-01 : f32
        %parallel_loop3A_469 = arith.mulf %parallel_loop3A_461, %parallel_loop3A_468 : f32
        %parallel_loop3A_470 = arith.mulf %parallel_loop3A_469, %parallel_loop3A_467 : f32
        %parallel_loop3A_471 = arith.mulf %parallel_loop3A_470, %parallel_loop3A_467 : f32
        %parallel_loop3A_472 = arith.constant 1.500000e+00 : f32
        %parallel_loop3A_473 = arith.addf %parallel_loop3A_472, %parallel_loop3A_471 : f32
        %parallel_loop3A_474 = arith.mulf %parallel_loop3A_467, %parallel_loop3A_473 : f32
        %parallel_loop3A_475 = arith.mulf %parallel_loop3A_469, %parallel_loop3A_474 : f32
        %parallel_loop3A_476 = arith.mulf %parallel_loop3A_475, %parallel_loop3A_474 : f32
        %parallel_loop3A_477 = arith.constant 1.500000e+00 : f32
        %parallel_loop3A_478 = arith.addf %parallel_loop3A_477, %parallel_loop3A_476 : f32
        %parallel_loop3A_479 = arith.mulf %parallel_loop3A_474, %parallel_loop3A_478 : f32
        %parallel_loop3A_480 = vector.broadcast %parallel_loop3A_479 : f32 to vector<16xf32>
        %parallel_loop3A_481 = arith.mulf %parallel_loop3A_455, %parallel_loop3A_479 : f32
        %parallel_loop3A_482 = vector.broadcast %parallel_loop3A_481 : f32 to vector<16xf32>
        %parallel_loop3A_483 = arith.mulf %parallel_loop3A_344, %parallel_loop3A_480 : vector<16xf32>
        %parallel_loop3A_484 = arith.subf %parallel_loop3A_483, %parallel_loop3A_482 : vector<16xf32>
        %parallel_loop3A_485 = arith.mulf %parallel_loop3A_484, %get3A_19 : vector<16xf32>
        %parallel_loop3A_486 = arith.addf %parallel_loop3A_485, %get3A_35 : vector<16xf32>
        %parallel_loop3A_487 = arith.constant 1 : i32
        %parallel_loop3A_488 = arith.index_cast %parallel_loop3A_487 : i32 to index
        %parallel_loop3A_489 = arith.index_cast %parallel_loop3A_333 : i32 to index
        %parallel_loop3A_490 = arith.constant 0 : index
        %parallel_loop3A_491 = tpu.vector_load %arg10[%parallel_loop3A_488, %parallel_loop3A_489, %parallel_loop3A_490] {strides = array<i32>} : memref<4x100x128xf32, #tpu.memory_space<vmem>>, vector<16xf32>,
        tpu.vector_store %arg10[%parallel_loop3A_488, %parallel_loop3A_489, %parallel_loop3A_490], %parallel_loop3A_486 {strides = array<i32>} : memref<4x100x128xf32, #tpu.memory_space<vmem>>, vector<16xf32>,
        %parallel_loop3A_492 = arith.mulf %parallel_loop3A_355, %parallel_loop3A_480 : vector<16xf32>
        %parallel_loop3A_493 = arith.subf %parallel_loop3A_492, %parallel_loop3A_482 : vector<16xf32>
        %parallel_loop3A_494 = arith.mulf %parallel_loop3A_493, %get3A_21 : vector<16xf32>
        %parallel_loop3A_495 = arith.addf %parallel_loop3A_494, %get3A_37 : vector<16xf32>
        %parallel_loop3A_496 = arith.constant 1 : i32
        %parallel_loop3A_497 = arith.index_cast %parallel_loop3A_496 : i32 to index
        %parallel_loop3A_498 = arith.index_cast %parallel_loop3A_333 : i32 to index
        %parallel_loop3A_499 = arith.constant 16 : index
        %parallel_loop3A_500 = tpu.vector_load %arg10[%parallel_loop3A_497, %parallel_loop3A_498, %parallel_loop3A_499] {strides = array<i32>} : memref<4x100x128xf32, #tpu.memory_space<vmem>>, vector<16xf32>,
        tpu.vector_store %arg10[%parallel_loop3A_497, %parallel_loop3A_498, %parallel_loop3A_499], %parallel_loop3A_495 {strides = array<i32>} : memref<4x100x128xf32, #tpu.memory_space<vmem>>, vector<16xf32>,
        %parallel_loop3A_501 = arith.mulf %parallel_loop3A_366, %parallel_loop3A_480 : vector<16xf32>
        %parallel_loop3A_502 = arith.subf %parallel_loop3A_501, %parallel_loop3A_482 : vector<16xf32>
        %parallel_loop3A_503 = arith.mulf %parallel_loop3A_502, %get3A_23 : vector<16xf32>
        %parallel_loop3A_504 = arith.addf %parallel_loop3A_503, %get3A_39 : vector<16xf32>
        %parallel_loop3A_505 = arith.constant 1 : i32
        %parallel_loop3A_506 = arith.index_cast %parallel_loop3A_505 : i32 to index
        %parallel_loop3A_507 = arith.index_cast %parallel_loop3A_333 : i32 to index
        %parallel_loop3A_508 = arith.constant 32 : index
        %parallel_loop3A_509 = tpu.vector_load %arg10[%parallel_loop3A_506, %parallel_loop3A_507, %parallel_loop3A_508] {strides = array<i32>} : memref<4x100x128xf32, #tpu.memory_space<vmem>>, vector<16xf32>,
        tpu.vector_store %arg10[%parallel_loop3A_506, %parallel_loop3A_507, %parallel_loop3A_508], %parallel_loop3A_504 {strides = array<i32>} : memref<4x100x128xf32, #tpu.memory_space<vmem>>, vector<16xf32>,
        %parallel_loop3A_510 = arith.mulf %parallel_loop3A_377, %parallel_loop3A_480 : vector<16xf32>
        %parallel_loop3A_511 = arith.subf %parallel_loop3A_510, %parallel_loop3A_482 : vector<16xf32>
        %parallel_loop3A_512 = arith.mulf %parallel_loop3A_511, %get3A_25 : vector<16xf32>
        %parallel_loop3A_513 = arith.addf %parallel_loop3A_512, %get3A_41 : vector<16xf32>
        %parallel_loop3A_514 = arith.constant 1 : i32
        %parallel_loop3A_515 = arith.index_cast %parallel_loop3A_514 : i32 to index
        %parallel_loop3A_516 = arith.index_cast %parallel_loop3A_333 : i32 to index
        %parallel_loop3A_517 = arith.constant 48 : index
        %parallel_loop3A_518 = tpu.vector_load %arg10[%parallel_loop3A_515, %parallel_loop3A_516, %parallel_loop3A_517] {strides = array<i32>} : memref<4x100x128xf32, #tpu.memory_space<vmem>>, vector<16xf32>,
        tpu.vector_store %arg10[%parallel_loop3A_515, %parallel_loop3A_516, %parallel_loop3A_517], %parallel_loop3A_513 {strides = array<i32>} : memref<4x100x128xf32, #tpu.memory_space<vmem>>, vector<16xf32>,
        %parallel_loop3A_519 = arith.mulf %parallel_loop3A_388, %parallel_loop3A_480 : vector<16xf32>
        %parallel_loop3A_520 = arith.subf %parallel_loop3A_519, %parallel_loop3A_482 : vector<16xf32>
        %parallel_loop3A_521 = arith.mulf %parallel_loop3A_520, %get3A_27 : vector<16xf32>
        %parallel_loop3A_522 = arith.addf %parallel_loop3A_521, %get3A_43 : vector<16xf32>
        %parallel_loop3A_523 = arith.constant 1 : i32
        %parallel_loop3A_524 = arith.index_cast %parallel_loop3A_523 : i32 to index
        %parallel_loop3A_525 = arith.index_cast %parallel_loop3A_333 : i32 to index
        %parallel_loop3A_526 = arith.constant 64 : index
        %parallel_loop3A_527 = tpu.vector_load %arg10[%parallel_loop3A_524, %parallel_loop3A_525, %parallel_loop3A_526] {strides = array<i32>} : memref<4x100x128xf32, #tpu.memory_space<vmem>>, vector<16xf32>,
        tpu.vector_store %arg10[%parallel_loop3A_524, %parallel_loop3A_525, %parallel_loop3A_526], %parallel_loop3A_522 {strides = array<i32>} : memref<4x100x128xf32, #tpu.memory_space<vmem>>, vector<16xf32>,
        %parallel_loop3A_528 = arith.mulf %parallel_loop3A_399, %parallel_loop3A_480 : vector<16xf32>
        %parallel_loop3A_529 = arith.subf %parallel_loop3A_528, %parallel_loop3A_482 : vector<16xf32>
        %parallel_loop3A_530 = arith.mulf %parallel_loop3A_529, %get3A_29 : vector<16xf32>
        %parallel_loop3A_531 = arith.addf %parallel_loop3A_530, %get3A_45 : vector<16xf32>
        %parallel_loop3A_532 = arith.constant 1 : i32
        %parallel_loop3A_533 = arith.index_cast %parallel_loop3A_532 : i32 to index
        %parallel_loop3A_534 = arith.index_cast %parallel_loop3A_333 : i32 to index
        %parallel_loop3A_535 = arith.constant 80 : index
        %parallel_loop3A_536 = tpu.vector_load %arg10[%parallel_loop3A_533, %parallel_loop3A_534, %parallel_loop3A_535] {strides = array<i32>} : memref<4x100x128xf32, #tpu.memory_space<vmem>>, vector<16xf32>,
        tpu.vector_store %arg10[%parallel_loop3A_533, %parallel_loop3A_534, %parallel_loop3A_535], %parallel_loop3A_531 {strides = array<i32>} : memref<4x100x128xf32, #tpu.memory_space<vmem>>, vector<16xf32>,
        %parallel_loop3A_537 = arith.mulf %parallel_loop3A_410, %parallel_loop3A_480 : vector<16xf32>
        %parallel_loop3A_538 = arith.subf %parallel_loop3A_537, %parallel_loop3A_482 : vector<16xf32>
        %parallel_loop3A_539 = arith.mulf %parallel_loop3A_538, %get3A_31 : vector<16xf32>
        %parallel_loop3A_540 = arith.addf %parallel_loop3A_539, %get3A_47 : vector<16xf32>
        %parallel_loop3A_541 = arith.constant 1 : i32
        %parallel_loop3A_542 = arith.index_cast %parallel_loop3A_541 : i32 to index
        %parallel_loop3A_543 = arith.index_cast %parallel_loop3A_333 : i32 to index
        %parallel_loop3A_544 = arith.constant 96 : index
        %parallel_loop3A_545 = tpu.vector_load %arg10[%parallel_loop3A_542, %parallel_loop3A_543, %parallel_loop3A_544] {strides = array<i32>} : memref<4x100x128xf32, #tpu.memory_space<vmem>>, vector<16xf32>,
        tpu.vector_store %arg10[%parallel_loop3A_542, %parallel_loop3A_543, %parallel_loop3A_544], %parallel_loop3A_540 {strides = array<i32>} : memref<4x100x128xf32, #tpu.memory_space<vmem>>, vector<16xf32>,
        %parallel_loop3A_546 = arith.mulf %parallel_loop3A_421, %parallel_loop3A_480 : vector<16xf32>
        %parallel_loop3A_547 = arith.subf %parallel_loop3A_546, %parallel_loop3A_482 : vector<16xf32>
        %parallel_loop3A_548 = arith.mulf %parallel_loop3A_547, %get3A_33 : vector<16xf32>
        %parallel_loop3A_549 = arith.addf %parallel_loop3A_548, %get3A_49 : vector<16xf32>
        %parallel_loop3A_550 = arith.constant 1 : i32
        %parallel_loop3A_551 = arith.index_cast %parallel_loop3A_550 : i32 to index
        %parallel_loop3A_552 = arith.index_cast %parallel_loop3A_333 : i32 to index
        %parallel_loop3A_553 = arith.constant 112 : index
        %parallel_loop3A_554 = tpu.vector_load %arg10[%parallel_loop3A_551, %parallel_loop3A_552, %parallel_loop3A_553] {strides = array<i32>} : memref<4x100x128xf32, #tpu.memory_space<vmem>>, vector<16xf32>,
        tpu.vector_store %arg10[%parallel_loop3A_551, %parallel_loop3A_552, %parallel_loop3A_553], %parallel_loop3A_549 {strides = array<i32>} : memref<4x100x128xf32, #tpu.memory_space<vmem>>, vector<16xf32>,
      } {sc.loop_unroll_factor = 2 : i64, sc.parallel_access}
      %dma_start3A_200 = arith.constant 1 : i32
      %dma_start3A_201 = arith.constant 0 : i32
      %dma_start3A_202 = arith.constant 0 : i32
      %dma_start3A_203 = tpu.memref_slice %arg10[%dma_start3A_200, %dma_start3A_201, %dma_start3A_202] : memref<4x100x128xf32, #tpu.memory_space<vmem>> -> memref<1x100x128xf32, #tpu.memory_space<vmem>>
      %dma_start3A_204 = tpu.memref_squeeze %dma_start3A_203 : memref<1x100x128xf32, #tpu.memory_space<vmem>> -> memref<100x128xf32, #tpu.memory_space<vmem>>
      %dma_start3A_205 = arith.constant 0 : i32
      %dma_start3A_206 = arith.constant 0 : i32
      %dma_start3A_207 = tpu.memref_slice %arg8[%add3A, %add3A_167, %dma_start3A_205, %dma_start3A_206] : memref<32x256x100x128xf32, #tpu.memory_space<hbm>> -> memref<1x1x100x128xf32, #tpu.memory_space<hbm>>
      %dma_start3A_208 = tpu.memref_squeeze %dma_start3A_207 : memref<1x1x100x128xf32, #tpu.memory_space<hbm>> -> memref<100x128xf32, #tpu.memory_space<hbm>>
      %dma_start3A_209 = arith.constant 0 : i32
      %dma_start3A_210 = arith.constant 0 : i32
      %dma_start3A_211 = tpu.memref_slice %arg8[%add3A, %add3A_167, %dma_start3A_209, %dma_start3A_210] : memref<32x256x100x128xf32, #tpu.memory_space<hbm>> -> memref<1x1x100x128xf32, #tpu.memory_space<hbm>>
      %dma_start3A_212 = tpu.memref_squeeze %dma_start3A_211 : memref<1x1x100x128xf32, #tpu.memory_space<hbm>> -> memref<100x128xf32, #tpu.memory_space<hbm>>
      %dma_start3A_213 = arith.constant 0 : i32
      %dma_start3A_214 = arith.constant 0 : i32
      %dma_start3A_215 = tpu.memref_slice %arg10[%dma_start3A_200, %dma_start3A_213, %dma_start3A_214] : memref<4x100x128xf32, #tpu.memory_space<vmem>> -> memref<1x100x128xf32, #tpu.memory_space<vmem>>
      %dma_start3A_216 = tpu.memref_squeeze %dma_start3A_215 : memref<1x100x128xf32, #tpu.memory_space<vmem>> -> memref<100x128xf32, #tpu.memory_space<vmem>>
      tpu.enqueue_dma source(%dma_start3A_216 : memref<100x128xf32, #tpu.memory_space<vmem>>) target(%dma_start3A_212 : memref<100x128xf32, #tpu.memory_space<hbm>>) target_semaphore(%arg20 : memref<!tpu.dma_semaphore, #tpu.memory_space<semaphore_mem>>)
      %mul3A_217 = arith.constant 4 : i32
      %mul3A_218 = arith.muli %scan3A_113, %mul3A_217 : i32
      %add3A_219 = arith.constant 2 : i32
      %add3A_220 = arith.addi %mul3A_218, %add3A_219 : i32
      %sub3A = arith.constant 2 : i32
      %sub3A_221 = arith.subi %add3A_220, %sub3A : i32
      %dma_wait3A_222 = arith.constant 0 : i32
      %dma_wait3A_223 = arith.constant 0 : i32
      %dma_wait3A_224 = arith.constant 0 : i32
      %dma_wait3A_225 = tpu.memref_slice %arg10[%dma_wait3A_222, %dma_wait3A_223, %dma_wait3A_224] : memref<4x100x128xf32, #tpu.memory_space<vmem>> -> memref<1x100x128xf32, #tpu.memory_space<vmem>>
      %dma_wait3A_226 = tpu.memref_squeeze %dma_wait3A_225 : memref<1x100x128xf32, #tpu.memory_space<vmem>> -> memref<100x128xf32, #tpu.memory_space<vmem>>
      %dma_wait3A_227 = arith.constant 0 : i32
      %dma_wait3A_228 = arith.constant 0 : i32
      %dma_wait3A_229 = tpu.memref_slice %arg8[%add3A, %sub3A_221, %dma_wait3A_227, %dma_wait3A_228] : memref<32x256x100x128xf32, #tpu.memory_space<hbm>> -> memref<1x1x100x128xf32, #tpu.memory_space<hbm>>
      %dma_wait3A_230 = tpu.memref_squeeze %dma_wait3A_229 : memref<1x1x100x128xf32, #tpu.memory_space<hbm>> -> memref<100x128xf32, #tpu.memory_space<hbm>>
      %dma_wait3A_231 = arith.constant 0 : i32
      %dma_wait3A_232 = arith.constant 0 : i32
      %dma_wait3A_233 = tpu.memref_slice %arg8[%add3A, %sub3A_221, %dma_wait3A_231, %dma_wait3A_232] : memref<32x256x100x128xf32, #tpu.memory_space<hbm>> -> memref<1x1x100x128xf32, #tpu.memory_space<hbm>>
      %dma_wait3A_234 = tpu.memref_squeeze %dma_wait3A_233 : memref<1x1x100x128xf32, #tpu.memory_space<hbm>> -> memref<100x128xf32, #tpu.memory_space<hbm>>
      %dma_wait3A_235 = arith.constant 0 : i32
      %dma_wait3A_236 = arith.constant 0 : i32
      %dma_wait3A_237 = tpu.memref_slice %arg10[%dma_wait3A_222, %dma_wait3A_235, %dma_wait3A_236] : memref<4x100x128xf32, #tpu.memory_space<vmem>> -> memref<1x100x128xf32, #tpu.memory_space<vmem>>
      %dma_wait3A_238 = tpu.memref_squeeze %dma_wait3A_237 : memref<1x100x128xf32, #tpu.memory_space<vmem>> -> memref<100x128xf32, #tpu.memory_space<vmem>>
      tpu.wait_dma2 semaphore(%arg19 : memref<!tpu.dma_semaphore, #tpu.memory_space<semaphore_mem>>) src(%dma_wait3A_238 : memref<100x128xf32, #tpu.memory_space<vmem>>) dst(%dma_wait3A_234 : memref<100x128xf32, #tpu.memory_space<hbm>>)
      %lt3A = arith.constant 63 : i32
      %lt3A_239 = arith.cmpi slt, %scan3A_113, %lt3A : i32
      %convert_element_type3A_240 = arith.extui %lt3A_239 : i1 to i32
      %cond3A_241 = arith.constant 0 : i32
      %cond3A_242 = arith.cmpi ne, %convert_element_type3A_240, %cond3A_241 : i32
      scf.if %cond3A_242 {
        %add3A_333 = arith.constant 2 : i32
        %add3A_334 = arith.addi %add3A_220, %add3A_333 : i32
        %dma_start3A_335 = arith.constant 0 : i32
        %dma_start3A_336 = arith.constant 0 : i32
        %dma_start3A_337 = arith.constant 0 : i32
        %dma_start3A_338 = tpu.memref_slice %arg10[%dma_start3A_335, %dma_start3A_336, %dma_start3A_337] : memref<4x100x128xf32, #tpu.memory_space<vmem>> -> memref<1x100x128xf32, #tpu.memory_space<vmem>>
        %dma_start3A_339 = tpu.memref_squeeze %dma_start3A_338 : memref<1x100x128xf32, #tpu.memory_space<vmem>> -> memref<100x128xf32, #tpu.memory_space<vmem>>
        %dma_start3A_340 = arith.constant 0 : i32
        %dma_start3A_341 = tpu.memref_slice %arg9[%add3A_334, %dma_start3A_340] : memref<256x100xi32, #tpu.memory_space<vmem>> -> memref<1x100xi32, #tpu.memory_space<vmem>>
        %dma_start3A_342 = tpu.memref_squeeze %dma_start3A_341 : memref<1x100xi32, #tpu.memory_space<vmem>> -> memref<100xi32, #tpu.memory_space<vmem>>
        %dma_start3A_343 = arith.constant 0 : i32
        %dma_start3A_344 = arith.constant 0 : i32
        %dma_start3A_345 = tpu.memref_slice %arg3[%dma_start3A_343, %dma_start3A_344] : memref<100000x128xf32, #tpu.memory_space<hbm>> -> memref<100000x128xf32, #tpu.memory_space<hbm>>
        tpu.enqueue_indirect_dma source(%dma_start3A_345 : memref<100000x128xf32, #tpu.memory_space<hbm>>) target(%dma_start3A_339 : memref<100x128xf32, #tpu.memory_space<vmem>>) offsets(%dma_start3A_342 : memref<100xi32, #tpu.memory_space<vmem>>) semaphore(%arg15 : memref<!tpu.dma_semaphore, #tpu.memory_space<semaphore_mem>>)
      } else {
      }
      %dma_wait3A_243 = arith.constant 2 : i32
      %dma_wait3A_244 = arith.constant 0 : i32
      %dma_wait3A_245 = arith.constant 0 : i32
      %dma_wait3A_246 = tpu.memref_slice %arg10[%dma_wait3A_243, %dma_wait3A_244, %dma_wait3A_245] : memref<4x100x128xf32, #tpu.memory_space<vmem>> -> memref<1x100x128xf32, #tpu.memory_space<vmem>>
      %dma_wait3A_247 = tpu.memref_squeeze %dma_wait3A_246 : memref<1x100x128xf32, #tpu.memory_space<vmem>> -> memref<100x128xf32, #tpu.memory_space<vmem>>
      %dma_wait3A_248 = arith.constant 0 : i32
      %dma_wait3A_249 = tpu.memref_slice %arg9[%add3A_220, %dma_wait3A_248] : memref<256x100xi32, #tpu.memory_space<vmem>> -> memref<1x100xi32, #tpu.memory_space<vmem>>
      %dma_wait3A_250 = tpu.memref_squeeze %dma_wait3A_249 : memref<1x100xi32, #tpu.memory_space<vmem>> -> memref<100xi32, #tpu.memory_space<vmem>>
      %dma_wait3A_251 = arith.constant 0 : i32
      %dma_wait3A_252 = arith.constant 0 : i32
      %dma_wait3A_253 = tpu.memref_slice %arg3[%dma_wait3A_251, %dma_wait3A_252] : memref<100000x128xf32, #tpu.memory_space<hbm>> -> memref<100000x128xf32, #tpu.memory_space<hbm>>
      tpu.wait_indirect_dma semaphore(%arg17 : memref<!tpu.dma_semaphore, #tpu.memory_space<semaphore_mem>>) src(%dma_wait3A_253 : memref<100000x128xf32, #tpu.memory_space<hbm>>) dst(%dma_wait3A_247 : memref<100x128xf32, #tpu.memory_space<vmem>>)
      %parallel_loop3A_254 = arith.constant 0 : i32
      %parallel_loop3A_255 = arith.constant 100 : i32
      %parallel_loop3A_256 = arith.constant 1 : i32
      scf.for %parallel_loop3A_333 = %parallel_loop3A_254 to %parallel_loop3A_255 step %parallel_loop3A_256  : i32 {
        %parallel_loop3A_334 = arith.constant 2 : i32
        %parallel_loop3A_335 = arith.index_cast %parallel_loop3A_334 : i32 to index
        %parallel_loop3A_336 = arith.index_cast %parallel_loop3A_333 : i32 to index
        %parallel_loop3A_337 = arith.constant 0 : index
        %parallel_loop3A_338 = tpu.vector_load %arg10[%parallel_loop3A_335, %parallel_loop3A_336, %parallel_loop3A_337] {strides = array<i32>} : memref<4x100x128xf32, #tpu.memory_space<vmem>>, vector<16xf32>,
        %parallel_loop3A_339 = arith.constant 0 : i32
        %parallel_loop3A_340 = arith.addi %parallel_loop3A_339, %parallel_loop3A_333 : i32
        %parallel_loop3A_341 = arith.index_cast %parallel_loop3A_340 : i32 to index
        %parallel_loop3A_342 = arith.constant 0 : index
        %parallel_loop3A_343 = tpu.vector_load %arg11[%parallel_loop3A_341, %parallel_loop3A_342] {strides = array<i32>} : memref<200x128xf32, #tpu.memory_space<vmem>>, vector<16xf32>,
        %parallel_loop3A_344 = arith.addf %parallel_loop3A_338, %parallel_loop3A_343 : vector<16xf32>
        %parallel_loop3A_345 = arith.constant 2 : i32
        %parallel_loop3A_346 = arith.index_cast %parallel_loop3A_345 : i32 to index
        %parallel_loop3A_347 = arith.index_cast %parallel_loop3A_333 : i32 to index
        %parallel_loop3A_348 = arith.constant 16 : index
        %parallel_loop3A_349 = tpu.vector_load %arg10[%parallel_loop3A_346, %parallel_loop3A_347, %parallel_loop3A_348] {strides = array<i32>} : memref<4x100x128xf32, #tpu.memory_space<vmem>>, vector<16xf32>,
        %parallel_loop3A_350 = arith.constant 0 : i32
        %parallel_loop3A_351 = arith.addi %parallel_loop3A_350, %parallel_loop3A_333 : i32
        %parallel_loop3A_352 = arith.index_cast %parallel_loop3A_351 : i32 to index
        %parallel_loop3A_353 = arith.constant 16 : index
        %parallel_loop3A_354 = tpu.vector_load %arg11[%parallel_loop3A_352, %parallel_loop3A_353] {strides = array<i32>} : memref<200x128xf32, #tpu.memory_space<vmem>>, vector<16xf32>,
        %parallel_loop3A_355 = arith.addf %parallel_loop3A_349, %parallel_loop3A_354 : vector<16xf32>
        %parallel_loop3A_356 = arith.constant 2 : i32
        %parallel_loop3A_357 = arith.index_cast %parallel_loop3A_356 : i32 to index
        %parallel_loop3A_358 = arith.index_cast %parallel_loop3A_333 : i32 to index
        %parallel_loop3A_359 = arith.constant 32 : index
        %parallel_loop3A_360 = tpu.vector_load %arg10[%parallel_loop3A_357, %parallel_loop3A_358, %parallel_loop3A_359] {strides = array<i32>} : memref<4x100x128xf32, #tpu.memory_space<vmem>>, vector<16xf32>,
        %parallel_loop3A_361 = arith.constant 0 : i32
        %parallel_loop3A_362 = arith.addi %parallel_loop3A_361, %parallel_loop3A_333 : i32
        %parallel_loop3A_363 = arith.index_cast %parallel_loop3A_362 : i32 to index
        %parallel_loop3A_364 = arith.constant 32 : index
        %parallel_loop3A_365 = tpu.vector_load %arg11[%parallel_loop3A_363, %parallel_loop3A_364] {strides = array<i32>} : memref<200x128xf32, #tpu.memory_space<vmem>>, vector<16xf32>,
        %parallel_loop3A_366 = arith.addf %parallel_loop3A_360, %parallel_loop3A_365 : vector<16xf32>
        %parallel_loop3A_367 = arith.constant 2 : i32
        %parallel_loop3A_368 = arith.index_cast %parallel_loop3A_367 : i32 to index
        %parallel_loop3A_369 = arith.index_cast %parallel_loop3A_333 : i32 to index
        %parallel_loop3A_370 = arith.constant 48 : index
        %parallel_loop3A_371 = tpu.vector_load %arg10[%parallel_loop3A_368, %parallel_loop3A_369, %parallel_loop3A_370] {strides = array<i32>} : memref<4x100x128xf32, #tpu.memory_space<vmem>>, vector<16xf32>,
        %parallel_loop3A_372 = arith.constant 0 : i32
        %parallel_loop3A_373 = arith.addi %parallel_loop3A_372, %parallel_loop3A_333 : i32
        %parallel_loop3A_374 = arith.index_cast %parallel_loop3A_373 : i32 to index
        %parallel_loop3A_375 = arith.constant 48 : index
        %parallel_loop3A_376 = tpu.vector_load %arg11[%parallel_loop3A_374, %parallel_loop3A_375] {strides = array<i32>} : memref<200x128xf32, #tpu.memory_space<vmem>>, vector<16xf32>,
        %parallel_loop3A_377 = arith.addf %parallel_loop3A_371, %parallel_loop3A_376 : vector<16xf32>
        %parallel_loop3A_378 = arith.constant 2 : i32
        %parallel_loop3A_379 = arith.index_cast %parallel_loop3A_378 : i32 to index
        %parallel_loop3A_380 = arith.index_cast %parallel_loop3A_333 : i32 to index
        %parallel_loop3A_381 = arith.constant 64 : index
        %parallel_loop3A_382 = tpu.vector_load %arg10[%parallel_loop3A_379, %parallel_loop3A_380, %parallel_loop3A_381] {strides = array<i32>} : memref<4x100x128xf32, #tpu.memory_space<vmem>>, vector<16xf32>,
        %parallel_loop3A_383 = arith.constant 0 : i32
        %parallel_loop3A_384 = arith.addi %parallel_loop3A_383, %parallel_loop3A_333 : i32
        %parallel_loop3A_385 = arith.index_cast %parallel_loop3A_384 : i32 to index
        %parallel_loop3A_386 = arith.constant 64 : index
        %parallel_loop3A_387 = tpu.vector_load %arg11[%parallel_loop3A_385, %parallel_loop3A_386] {strides = array<i32>} : memref<200x128xf32, #tpu.memory_space<vmem>>, vector<16xf32>,
        %parallel_loop3A_388 = arith.addf %parallel_loop3A_382, %parallel_loop3A_387 : vector<16xf32>
        %parallel_loop3A_389 = arith.constant 2 : i32
        %parallel_loop3A_390 = arith.index_cast %parallel_loop3A_389 : i32 to index
        %parallel_loop3A_391 = arith.index_cast %parallel_loop3A_333 : i32 to index
        %parallel_loop3A_392 = arith.constant 80 : index
        %parallel_loop3A_393 = tpu.vector_load %arg10[%parallel_loop3A_390, %parallel_loop3A_391, %parallel_loop3A_392] {strides = array<i32>} : memref<4x100x128xf32, #tpu.memory_space<vmem>>, vector<16xf32>,
        %parallel_loop3A_394 = arith.constant 0 : i32
        %parallel_loop3A_395 = arith.addi %parallel_loop3A_394, %parallel_loop3A_333 : i32
        %parallel_loop3A_396 = arith.index_cast %parallel_loop3A_395 : i32 to index
        %parallel_loop3A_397 = arith.constant 80 : index
        %parallel_loop3A_398 = tpu.vector_load %arg11[%parallel_loop3A_396, %parallel_loop3A_397] {strides = array<i32>} : memref<200x128xf32, #tpu.memory_space<vmem>>, vector<16xf32>,
        %parallel_loop3A_399 = arith.addf %parallel_loop3A_393, %parallel_loop3A_398 : vector<16xf32>
        %parallel_loop3A_400 = arith.constant 2 : i32
        %parallel_loop3A_401 = arith.index_cast %parallel_loop3A_400 : i32 to index
        %parallel_loop3A_402 = arith.index_cast %parallel_loop3A_333 : i32 to index
        %parallel_loop3A_403 = arith.constant 96 : index
        %parallel_loop3A_404 = tpu.vector_load %arg10[%parallel_loop3A_401, %parallel_loop3A_402, %parallel_loop3A_403] {strides = array<i32>} : memref<4x100x128xf32, #tpu.memory_space<vmem>>, vector<16xf32>,
        %parallel_loop3A_405 = arith.constant 0 : i32
        %parallel_loop3A_406 = arith.addi %parallel_loop3A_405, %parallel_loop3A_333 : i32
        %parallel_loop3A_407 = arith.index_cast %parallel_loop3A_406 : i32 to index
        %parallel_loop3A_408 = arith.constant 96 : index
        %parallel_loop3A_409 = tpu.vector_load %arg11[%parallel_loop3A_407, %parallel_loop3A_408] {strides = array<i32>} : memref<200x128xf32, #tpu.memory_space<vmem>>, vector<16xf32>,
        %parallel_loop3A_410 = arith.addf %parallel_loop3A_404, %parallel_loop3A_409 : vector<16xf32>
        %parallel_loop3A_411 = arith.constant 2 : i32
        %parallel_loop3A_412 = arith.index_cast %parallel_loop3A_411 : i32 to index
        %parallel_loop3A_413 = arith.index_cast %parallel_loop3A_333 : i32 to index
        %parallel_loop3A_414 = arith.constant 112 : index
        %parallel_loop3A_415 = tpu.vector_load %arg10[%parallel_loop3A_412, %parallel_loop3A_413, %parallel_loop3A_414] {strides = array<i32>} : memref<4x100x128xf32, #tpu.memory_space<vmem>>, vector<16xf32>,
        %parallel_loop3A_416 = arith.constant 0 : i32
        %parallel_loop3A_417 = arith.addi %parallel_loop3A_416, %parallel_loop3A_333 : i32
        %parallel_loop3A_418 = arith.index_cast %parallel_loop3A_417 : i32 to index
        %parallel_loop3A_419 = arith.constant 112 : index
        %parallel_loop3A_420 = tpu.vector_load %arg11[%parallel_loop3A_418, %parallel_loop3A_419] {strides = array<i32>} : memref<200x128xf32, #tpu.memory_space<vmem>>, vector<16xf32>,
        %parallel_loop3A_421 = arith.addf %parallel_loop3A_415, %parallel_loop3A_420 : vector<16xf32>
        %parallel_loop3A_422 = arith.addf %parallel_loop3A_344, %parallel_loop3A_355 : vector<16xf32>
        %parallel_loop3A_423 = arith.addf %parallel_loop3A_366, %parallel_loop3A_377 : vector<16xf32>
        %parallel_loop3A_424 = arith.addf %parallel_loop3A_388, %parallel_loop3A_399 : vector<16xf32>
        %parallel_loop3A_425 = arith.addf %parallel_loop3A_410, %parallel_loop3A_421 : vector<16xf32>
        %parallel_loop3A_426 = arith.addf %parallel_loop3A_422, %parallel_loop3A_423 : vector<16xf32>
        %parallel_loop3A_427 = arith.addf %parallel_loop3A_424, %parallel_loop3A_425 : vector<16xf32>
        %parallel_loop3A_428 = arith.addf %parallel_loop3A_426, %parallel_loop3A_427 : vector<16xf32>
        %parallel_loop3A_429 = arith.constant true
        %parallel_loop3A_430 = vector.broadcast %parallel_loop3A_429 : i1 to vector<16xi1>
        %parallel_loop3A_431 = tpu.scan <sum>, %parallel_loop3A_428 masked %parallel_loop3A_430 : vector<16xf32>, vector<16xi1> -> vector<16xf32>
        %parallel_loop3A_432 = vector.extract_strided_slice %parallel_loop3A_431 {offsets = [15], sizes = [1], strides = [1]} : vector<16xf32> to vector<1xf32>
        %parallel_loop3A_433 = vector.extract %parallel_loop3A_432[0] : f32 from vector<1xf32>
        %parallel_loop3A_434 = arith.mulf %parallel_loop3A_344, %parallel_loop3A_344 : vector<16xf32>
        %parallel_loop3A_435 = arith.mulf %parallel_loop3A_355, %parallel_loop3A_355 : vector<16xf32>
        %parallel_loop3A_436 = arith.mulf %parallel_loop3A_366, %parallel_loop3A_366 : vector<16xf32>
        %parallel_loop3A_437 = arith.mulf %parallel_loop3A_377, %parallel_loop3A_377 : vector<16xf32>
        %parallel_loop3A_438 = arith.mulf %parallel_loop3A_388, %parallel_loop3A_388 : vector<16xf32>
        %parallel_loop3A_439 = arith.mulf %parallel_loop3A_399, %parallel_loop3A_399 : vector<16xf32>
        %parallel_loop3A_440 = arith.mulf %parallel_loop3A_410, %parallel_loop3A_410 : vector<16xf32>
        %parallel_loop3A_441 = arith.mulf %parallel_loop3A_421, %parallel_loop3A_421 : vector<16xf32>
        %parallel_loop3A_442 = arith.addf %parallel_loop3A_434, %parallel_loop3A_435 : vector<16xf32>
        %parallel_loop3A_443 = arith.addf %parallel_loop3A_436, %parallel_loop3A_437 : vector<16xf32>
        %parallel_loop3A_444 = arith.addf %parallel_loop3A_438, %parallel_loop3A_439 : vector<16xf32>
        %parallel_loop3A_445 = arith.addf %parallel_loop3A_440, %parallel_loop3A_441 : vector<16xf32>
        %parallel_loop3A_446 = arith.addf %parallel_loop3A_442, %parallel_loop3A_443 : vector<16xf32>
        %parallel_loop3A_447 = arith.addf %parallel_loop3A_444, %parallel_loop3A_445 : vector<16xf32>
        %parallel_loop3A_448 = arith.addf %parallel_loop3A_446, %parallel_loop3A_447 : vector<16xf32>
        %parallel_loop3A_449 = arith.constant true
        %parallel_loop3A_450 = vector.broadcast %parallel_loop3A_449 : i1 to vector<16xi1>
        %parallel_loop3A_451 = tpu.scan <sum>, %parallel_loop3A_448 masked %parallel_loop3A_450 : vector<16xf32>, vector<16xi1> -> vector<16xf32>
        %parallel_loop3A_452 = vector.extract_strided_slice %parallel_loop3A_451 {offsets = [15], sizes = [1], strides = [1]} : vector<16xf32> to vector<1xf32>
        %parallel_loop3A_453 = vector.extract %parallel_loop3A_452[0] : f32 from vector<1xf32>
        %parallel_loop3A_454 = arith.constant 7.812500e-03 : f32
        %parallel_loop3A_455 = arith.mulf %parallel_loop3A_433, %parallel_loop3A_454 : f32
        %parallel_loop3A_456 = arith.constant 7.812500e-03 : f32
        %parallel_loop3A_457 = arith.mulf %parallel_loop3A_453, %parallel_loop3A_456 : f32
        %parallel_loop3A_458 = arith.mulf %parallel_loop3A_455, %parallel_loop3A_455 : f32
        %parallel_loop3A_459 = arith.subf %parallel_loop3A_457, %parallel_loop3A_458 : f32
        %parallel_loop3A_460 = arith.constant 9.99999996E-13 : f32
        %parallel_loop3A_461 = arith.addf %parallel_loop3A_459, %parallel_loop3A_460 : f32
        %parallel_loop3A_462 = arith.bitcast %parallel_loop3A_461 : f32 to i32
        %parallel_loop3A_463 = arith.constant 1 : i32
        %parallel_loop3A_464 = arith.shrsi %parallel_loop3A_462, %parallel_loop3A_463 : i32
        %parallel_loop3A_465 = arith.constant 1597463007 : i32
        %parallel_loop3A_466 = arith.subi %parallel_loop3A_465, %parallel_loop3A_464 : i32
        %parallel_loop3A_467 = arith.bitcast %parallel_loop3A_466 : i32 to f32
        %parallel_loop3A_468 = arith.constant -5.000000e-01 : f32
        %parallel_loop3A_469 = arith.mulf %parallel_loop3A_461, %parallel_loop3A_468 : f32
        %parallel_loop3A_470 = arith.mulf %parallel_loop3A_469, %parallel_loop3A_467 : f32
        %parallel_loop3A_471 = arith.mulf %parallel_loop3A_470, %parallel_loop3A_467 : f32
        %parallel_loop3A_472 = arith.constant 1.500000e+00 : f32
        %parallel_loop3A_473 = arith.addf %parallel_loop3A_472, %parallel_loop3A_471 : f32
        %parallel_loop3A_474 = arith.mulf %parallel_loop3A_467, %parallel_loop3A_473 : f32
        %parallel_loop3A_475 = arith.mulf %parallel_loop3A_469, %parallel_loop3A_474 : f32
        %parallel_loop3A_476 = arith.mulf %parallel_loop3A_475, %parallel_loop3A_474 : f32
        %parallel_loop3A_477 = arith.constant 1.500000e+00 : f32
        %parallel_loop3A_478 = arith.addf %parallel_loop3A_477, %parallel_loop3A_476 : f32
        %parallel_loop3A_479 = arith.mulf %parallel_loop3A_474, %parallel_loop3A_478 : f32
        %parallel_loop3A_480 = vector.broadcast %parallel_loop3A_479 : f32 to vector<16xf32>
        %parallel_loop3A_481 = arith.mulf %parallel_loop3A_455, %parallel_loop3A_479 : f32
        %parallel_loop3A_482 = vector.broadcast %parallel_loop3A_481 : f32 to vector<16xf32>
        %parallel_loop3A_483 = arith.mulf %parallel_loop3A_344, %parallel_loop3A_480 : vector<16xf32>
        %parallel_loop3A_484 = arith.subf %parallel_loop3A_483, %parallel_loop3A_482 : vector<16xf32>
        %parallel_loop3A_485 = arith.mulf %parallel_loop3A_484, %get3A_19 : vector<16xf32>
        %parallel_loop3A_486 = arith.addf %parallel_loop3A_485, %get3A_35 : vector<16xf32>
        %parallel_loop3A_487 = arith.constant 2 : i32
        %parallel_loop3A_488 = arith.index_cast %parallel_loop3A_487 : i32 to index
        %parallel_loop3A_489 = arith.index_cast %parallel_loop3A_333 : i32 to index
        %parallel_loop3A_490 = arith.constant 0 : index
        %parallel_loop3A_491 = tpu.vector_load %arg10[%parallel_loop3A_488, %parallel_loop3A_489, %parallel_loop3A_490] {strides = array<i32>} : memref<4x100x128xf32, #tpu.memory_space<vmem>>, vector<16xf32>,
        tpu.vector_store %arg10[%parallel_loop3A_488, %parallel_loop3A_489, %parallel_loop3A_490], %parallel_loop3A_486 {strides = array<i32>} : memref<4x100x128xf32, #tpu.memory_space<vmem>>, vector<16xf32>,
        %parallel_loop3A_492 = arith.mulf %parallel_loop3A_355, %parallel_loop3A_480 : vector<16xf32>
        %parallel_loop3A_493 = arith.subf %parallel_loop3A_492, %parallel_loop3A_482 : vector<16xf32>
        %parallel_loop3A_494 = arith.mulf %parallel_loop3A_493, %get3A_21 : vector<16xf32>
        %parallel_loop3A_495 = arith.addf %parallel_loop3A_494, %get3A_37 : vector<16xf32>
        %parallel_loop3A_496 = arith.constant 2 : i32
        %parallel_loop3A_497 = arith.index_cast %parallel_loop3A_496 : i32 to index
        %parallel_loop3A_498 = arith.index_cast %parallel_loop3A_333 : i32 to index
        %parallel_loop3A_499 = arith.constant 16 : index
        %parallel_loop3A_500 = tpu.vector_load %arg10[%parallel_loop3A_497, %parallel_loop3A_498, %parallel_loop3A_499] {strides = array<i32>} : memref<4x100x128xf32, #tpu.memory_space<vmem>>, vector<16xf32>,
        tpu.vector_store %arg10[%parallel_loop3A_497, %parallel_loop3A_498, %parallel_loop3A_499], %parallel_loop3A_495 {strides = array<i32>} : memref<4x100x128xf32, #tpu.memory_space<vmem>>, vector<16xf32>,
        %parallel_loop3A_501 = arith.mulf %parallel_loop3A_366, %parallel_loop3A_480 : vector<16xf32>
        %parallel_loop3A_502 = arith.subf %parallel_loop3A_501, %parallel_loop3A_482 : vector<16xf32>
        %parallel_loop3A_503 = arith.mulf %parallel_loop3A_502, %get3A_23 : vector<16xf32>
        %parallel_loop3A_504 = arith.addf %parallel_loop3A_503, %get3A_39 : vector<16xf32>
        %parallel_loop3A_505 = arith.constant 2 : i32
        %parallel_loop3A_506 = arith.index_cast %parallel_loop3A_505 : i32 to index
        %parallel_loop3A_507 = arith.index_cast %parallel_loop3A_333 : i32 to index
        %parallel_loop3A_508 = arith.constant 32 : index
        %parallel_loop3A_509 = tpu.vector_load %arg10[%parallel_loop3A_506, %parallel_loop3A_507, %parallel_loop3A_508] {strides = array<i32>} : memref<4x100x128xf32, #tpu.memory_space<vmem>>, vector<16xf32>,
        tpu.vector_store %arg10[%parallel_loop3A_506, %parallel_loop3A_507, %parallel_loop3A_508], %parallel_loop3A_504 {strides = array<i32>} : memref<4x100x128xf32, #tpu.memory_space<vmem>>, vector<16xf32>,
        %parallel_loop3A_510 = arith.mulf %parallel_loop3A_377, %parallel_loop3A_480 : vector<16xf32>
        %parallel_loop3A_511 = arith.subf %parallel_loop3A_510, %parallel_loop3A_482 : vector<16xf32>
        %parallel_loop3A_512 = arith.mulf %parallel_loop3A_511, %get3A_25 : vector<16xf32>
        %parallel_loop3A_513 = arith.addf %parallel_loop3A_512, %get3A_41 : vector<16xf32>
        %parallel_loop3A_514 = arith.constant 2 : i32
        %parallel_loop3A_515 = arith.index_cast %parallel_loop3A_514 : i32 to index
        %parallel_loop3A_516 = arith.index_cast %parallel_loop3A_333 : i32 to index
        %parallel_loop3A_517 = arith.constant 48 : index
        %parallel_loop3A_518 = tpu.vector_load %arg10[%parallel_loop3A_515, %parallel_loop3A_516, %parallel_loop3A_517] {strides = array<i32>} : memref<4x100x128xf32, #tpu.memory_space<vmem>>, vector<16xf32>,
        tpu.vector_store %arg10[%parallel_loop3A_515, %parallel_loop3A_516, %parallel_loop3A_517], %parallel_loop3A_513 {strides = array<i32>} : memref<4x100x128xf32, #tpu.memory_space<vmem>>, vector<16xf32>,
        %parallel_loop3A_519 = arith.mulf %parallel_loop3A_388, %parallel_loop3A_480 : vector<16xf32>
        %parallel_loop3A_520 = arith.subf %parallel_loop3A_519, %parallel_loop3A_482 : vector<16xf32>
        %parallel_loop3A_521 = arith.mulf %parallel_loop3A_520, %get3A_27 : vector<16xf32>
        %parallel_loop3A_522 = arith.addf %parallel_loop3A_521, %get3A_43 : vector<16xf32>
        %parallel_loop3A_523 = arith.constant 2 : i32
        %parallel_loop3A_524 = arith.index_cast %parallel_loop3A_523 : i32 to index
        %parallel_loop3A_525 = arith.index_cast %parallel_loop3A_333 : i32 to index
        %parallel_loop3A_526 = arith.constant 64 : index
        %parallel_loop3A_527 = tpu.vector_load %arg10[%parallel_loop3A_524, %parallel_loop3A_525, %parallel_loop3A_526] {strides = array<i32>} : memref<4x100x128xf32, #tpu.memory_space<vmem>>, vector<16xf32>,
        tpu.vector_store %arg10[%parallel_loop3A_524, %parallel_loop3A_525, %parallel_loop3A_526], %parallel_loop3A_522 {strides = array<i32>} : memref<4x100x128xf32, #tpu.memory_space<vmem>>, vector<16xf32>,
        %parallel_loop3A_528 = arith.mulf %parallel_loop3A_399, %parallel_loop3A_480 : vector<16xf32>
        %parallel_loop3A_529 = arith.subf %parallel_loop3A_528, %parallel_loop3A_482 : vector<16xf32>
        %parallel_loop3A_530 = arith.mulf %parallel_loop3A_529, %get3A_29 : vector<16xf32>
        %parallel_loop3A_531 = arith.addf %parallel_loop3A_530, %get3A_45 : vector<16xf32>
        %parallel_loop3A_532 = arith.constant 2 : i32
        %parallel_loop3A_533 = arith.index_cast %parallel_loop3A_532 : i32 to index
        %parallel_loop3A_534 = arith.index_cast %parallel_loop3A_333 : i32 to index
        %parallel_loop3A_535 = arith.constant 80 : index
        %parallel_loop3A_536 = tpu.vector_load %arg10[%parallel_loop3A_533, %parallel_loop3A_534, %parallel_loop3A_535] {strides = array<i32>} : memref<4x100x128xf32, #tpu.memory_space<vmem>>, vector<16xf32>,
        tpu.vector_store %arg10[%parallel_loop3A_533, %parallel_loop3A_534, %parallel_loop3A_535], %parallel_loop3A_531 {strides = array<i32>} : memref<4x100x128xf32, #tpu.memory_space<vmem>>, vector<16xf32>,
        %parallel_loop3A_537 = arith.mulf %parallel_loop3A_410, %parallel_loop3A_480 : vector<16xf32>
        %parallel_loop3A_538 = arith.subf %parallel_loop3A_537, %parallel_loop3A_482 : vector<16xf32>
        %parallel_loop3A_539 = arith.mulf %parallel_loop3A_538, %get3A_31 : vector<16xf32>
        %parallel_loop3A_540 = arith.addf %parallel_loop3A_539, %get3A_47 : vector<16xf32>
        %parallel_loop3A_541 = arith.constant 2 : i32
        %parallel_loop3A_542 = arith.index_cast %parallel_loop3A_541 : i32 to index
        %parallel_loop3A_543 = arith.index_cast %parallel_loop3A_333 : i32 to index
        %parallel_loop3A_544 = arith.constant 96 : index
        %parallel_loop3A_545 = tpu.vector_load %arg10[%parallel_loop3A_542, %parallel_loop3A_543, %parallel_loop3A_544] {strides = array<i32>} : memref<4x100x128xf32, #tpu.memory_space<vmem>>, vector<16xf32>,
        tpu.vector_store %arg10[%parallel_loop3A_542, %parallel_loop3A_543, %parallel_loop3A_544], %parallel_loop3A_540 {strides = array<i32>} : memref<4x100x128xf32, #tpu.memory_space<vmem>>, vector<16xf32>,
        %parallel_loop3A_546 = arith.mulf %parallel_loop3A_421, %parallel_loop3A_480 : vector<16xf32>
        %parallel_loop3A_547 = arith.subf %parallel_loop3A_546, %parallel_loop3A_482 : vector<16xf32>
        %parallel_loop3A_548 = arith.mulf %parallel_loop3A_547, %get3A_33 : vector<16xf32>
        %parallel_loop3A_549 = arith.addf %parallel_loop3A_548, %get3A_49 : vector<16xf32>
        %parallel_loop3A_550 = arith.constant 2 : i32
        %parallel_loop3A_551 = arith.index_cast %parallel_loop3A_550 : i32 to index
        %parallel_loop3A_552 = arith.index_cast %parallel_loop3A_333 : i32 to index
        %parallel_loop3A_553 = arith.constant 112 : index
        %parallel_loop3A_554 = tpu.vector_load %arg10[%parallel_loop3A_551, %parallel_loop3A_552, %parallel_loop3A_553] {strides = array<i32>} : memref<4x100x128xf32, #tpu.memory_space<vmem>>, vector<16xf32>,
        tpu.vector_store %arg10[%parallel_loop3A_551, %parallel_loop3A_552, %parallel_loop3A_553], %parallel_loop3A_549 {strides = array<i32>} : memref<4x100x128xf32, #tpu.memory_space<vmem>>, vector<16xf32>,
      } {sc.loop_unroll_factor = 2 : i64, sc.parallel_access}
      %dma_start3A_257 = arith.constant 2 : i32
      %dma_start3A_258 = arith.constant 0 : i32
      %dma_start3A_259 = arith.constant 0 : i32
      %dma_start3A_260 = tpu.memref_slice %arg10[%dma_start3A_257, %dma_start3A_258, %dma_start3A_259] : memref<4x100x128xf32, #tpu.memory_space<vmem>> -> memref<1x100x128xf32, #tpu.memory_space<vmem>>
      %dma_start3A_261 = tpu.memref_squeeze %dma_start3A_260 : memref<1x100x128xf32, #tpu.memory_space<vmem>> -> memref<100x128xf32, #tpu.memory_space<vmem>>
      %dma_start3A_262 = arith.constant 0 : i32
      %dma_start3A_263 = arith.constant 0 : i32
      %dma_start3A_264 = tpu.memref_slice %arg8[%add3A, %add3A_220, %dma_start3A_262, %dma_start3A_263] : memref<32x256x100x128xf32, #tpu.memory_space<hbm>> -> memref<1x1x100x128xf32, #tpu.memory_space<hbm>>
      %dma_start3A_265 = tpu.memref_squeeze %dma_start3A_264 : memref<1x1x100x128xf32, #tpu.memory_space<hbm>> -> memref<100x128xf32, #tpu.memory_space<hbm>>
      %dma_start3A_266 = arith.constant 0 : i32
      %dma_start3A_267 = arith.constant 0 : i32
      %dma_start3A_268 = tpu.memref_slice %arg8[%add3A, %add3A_220, %dma_start3A_266, %dma_start3A_267] : memref<32x256x100x128xf32, #tpu.memory_space<hbm>> -> memref<1x1x100x128xf32, #tpu.memory_space<hbm>>
      %dma_start3A_269 = tpu.memref_squeeze %dma_start3A_268 : memref<1x1x100x128xf32, #tpu.memory_space<hbm>> -> memref<100x128xf32, #tpu.memory_space<hbm>>
      %dma_start3A_270 = arith.constant 0 : i32
      %dma_start3A_271 = arith.constant 0 : i32
      %dma_start3A_272 = tpu.memref_slice %arg10[%dma_start3A_257, %dma_start3A_270, %dma_start3A_271] : memref<4x100x128xf32, #tpu.memory_space<vmem>> -> memref<1x100x128xf32, #tpu.memory_space<vmem>>
      %dma_start3A_273 = tpu.memref_squeeze %dma_start3A_272 : memref<1x100x128xf32, #tpu.memory_space<vmem>> -> memref<100x128xf32, #tpu.memory_space<vmem>>
      tpu.enqueue_dma source(%dma_start3A_273 : memref<100x128xf32, #tpu.memory_space<vmem>>) target(%dma_start3A_269 : memref<100x128xf32, #tpu.memory_space<hbm>>) target_semaphore(%arg21 : memref<!tpu.dma_semaphore, #tpu.memory_space<semaphore_mem>>)
      %mul3A_274 = arith.constant 4 : i32
      %mul3A_275 = arith.muli %scan3A_113, %mul3A_274 : i32
      %add3A_276 = arith.constant 3 : i32
      %add3A_277 = arith.addi %mul3A_275, %add3A_276 : i32
      %sub3A_278 = arith.constant 2 : i32
      %sub3A_279 = arith.subi %add3A_277, %sub3A_278 : i32
      %dma_wait3A_280 = arith.constant 1 : i32
      %dma_wait3A_281 = arith.constant 0 : i32
      %dma_wait3A_282 = arith.constant 0 : i32
      %dma_wait3A_283 = tpu.memref_slice %arg10[%dma_wait3A_280, %dma_wait3A_281, %dma_wait3A_282] : memref<4x100x128xf32, #tpu.memory_space<vmem>> -> memref<1x100x128xf32, #tpu.memory_space<vmem>>
      %dma_wait3A_284 = tpu.memref_squeeze %dma_wait3A_283 : memref<1x100x128xf32, #tpu.memory_space<vmem>> -> memref<100x128xf32, #tpu.memory_space<vmem>>
      %dma_wait3A_285 = arith.constant 0 : i32
      %dma_wait3A_286 = arith.constant 0 : i32
      %dma_wait3A_287 = tpu.memref_slice %arg8[%add3A, %sub3A_279, %dma_wait3A_285, %dma_wait3A_286] : memref<32x256x100x128xf32, #tpu.memory_space<hbm>> -> memref<1x1x100x128xf32, #tpu.memory_space<hbm>>
      %dma_wait3A_288 = tpu.memref_squeeze %dma_wait3A_287 : memref<1x1x100x128xf32, #tpu.memory_space<hbm>> -> memref<100x128xf32, #tpu.memory_space<hbm>>
      %dma_wait3A_289 = arith.constant 0 : i32
      %dma_wait3A_290 = arith.constant 0 : i32
      %dma_wait3A_291 = tpu.memref_slice %arg8[%add3A, %sub3A_279, %dma_wait3A_289, %dma_wait3A_290] : memref<32x256x100x128xf32, #tpu.memory_space<hbm>> -> memref<1x1x100x128xf32, #tpu.memory_space<hbm>>
      %dma_wait3A_292 = tpu.memref_squeeze %dma_wait3A_291 : memref<1x1x100x128xf32, #tpu.memory_space<hbm>> -> memref<100x128xf32, #tpu.memory_space<hbm>>
      %dma_wait3A_293 = arith.constant 0 : i32
      %dma_wait3A_294 = arith.constant 0 : i32
      %dma_wait3A_295 = tpu.memref_slice %arg10[%dma_wait3A_280, %dma_wait3A_293, %dma_wait3A_294] : memref<4x100x128xf32, #tpu.memory_space<vmem>> -> memref<1x100x128xf32, #tpu.memory_space<vmem>>
      %dma_wait3A_296 = tpu.memref_squeeze %dma_wait3A_295 : memref<1x100x128xf32, #tpu.memory_space<vmem>> -> memref<100x128xf32, #tpu.memory_space<vmem>>
      tpu.wait_dma2 semaphore(%arg20 : memref<!tpu.dma_semaphore, #tpu.memory_space<semaphore_mem>>) src(%dma_wait3A_296 : memref<100x128xf32, #tpu.memory_space<vmem>>) dst(%dma_wait3A_292 : memref<100x128xf32, #tpu.memory_space<hbm>>)
      %lt3A_297 = arith.constant 63 : i32
      %lt3A_298 = arith.cmpi slt, %scan3A_113, %lt3A_297 : i32
      %convert_element_type3A_299 = arith.extui %lt3A_298 : i1 to i32
      %cond3A_300 = arith.constant 0 : i32
      %cond3A_301 = arith.cmpi ne, %convert_element_type3A_299, %cond3A_300 : i32
      scf.if %cond3A_301 {
        %add3A_333 = arith.constant 2 : i32
        %add3A_334 = arith.addi %add3A_277, %add3A_333 : i32
        %dma_start3A_335 = arith.constant 1 : i32
        %dma_start3A_336 = arith.constant 0 : i32
        %dma_start3A_337 = arith.constant 0 : i32
        %dma_start3A_338 = tpu.memref_slice %arg10[%dma_start3A_335, %dma_start3A_336, %dma_start3A_337] : memref<4x100x128xf32, #tpu.memory_space<vmem>> -> memref<1x100x128xf32, #tpu.memory_space<vmem>>
        %dma_start3A_339 = tpu.memref_squeeze %dma_start3A_338 : memref<1x100x128xf32, #tpu.memory_space<vmem>> -> memref<100x128xf32, #tpu.memory_space<vmem>>
        %dma_start3A_340 = arith.constant 0 : i32
        %dma_start3A_341 = tpu.memref_slice %arg9[%add3A_334, %dma_start3A_340] : memref<256x100xi32, #tpu.memory_space<vmem>> -> memref<1x100xi32, #tpu.memory_space<vmem>>
        %dma_start3A_342 = tpu.memref_squeeze %dma_start3A_341 : memref<1x100xi32, #tpu.memory_space<vmem>> -> memref<100xi32, #tpu.memory_space<vmem>>
        %dma_start3A_343 = arith.constant 0 : i32
        %dma_start3A_344 = arith.constant 0 : i32
        %dma_start3A_345 = tpu.memref_slice %arg3[%dma_start3A_343, %dma_start3A_344] : memref<100000x128xf32, #tpu.memory_space<hbm>> -> memref<100000x128xf32, #tpu.memory_space<hbm>>
        tpu.enqueue_indirect_dma source(%dma_start3A_345 : memref<100000x128xf32, #tpu.memory_space<hbm>>) target(%dma_start3A_339 : memref<100x128xf32, #tpu.memory_space<vmem>>) offsets(%dma_start3A_342 : memref<100xi32, #tpu.memory_space<vmem>>) semaphore(%arg16 : memref<!tpu.dma_semaphore, #tpu.memory_space<semaphore_mem>>)
      } else {
      }
      %dma_wait3A_302 = arith.constant 3 : i32
      %dma_wait3A_303 = arith.constant 0 : i32
      %dma_wait3A_304 = arith.constant 0 : i32
      %dma_wait3A_305 = tpu.memref_slice %arg10[%dma_wait3A_302, %dma_wait3A_303, %dma_wait3A_304] : memref<4x100x128xf32, #tpu.memory_space<vmem>> -> memref<1x100x128xf32, #tpu.memory_space<vmem>>
      %dma_wait3A_306 = tpu.memref_squeeze %dma_wait3A_305 : memref<1x100x128xf32, #tpu.memory_space<vmem>> -> memref<100x128xf32, #tpu.memory_space<vmem>>
      %dma_wait3A_307 = arith.constant 0 : i32
      %dma_wait3A_308 = tpu.memref_slice %arg9[%add3A_277, %dma_wait3A_307] : memref<256x100xi32, #tpu.memory_space<vmem>> -> memref<1x100xi32, #tpu.memory_space<vmem>>
      %dma_wait3A_309 = tpu.memref_squeeze %dma_wait3A_308 : memref<1x100xi32, #tpu.memory_space<vmem>> -> memref<100xi32, #tpu.memory_space<vmem>>
      %dma_wait3A_310 = arith.constant 0 : i32
      %dma_wait3A_311 = arith.constant 0 : i32
      %dma_wait3A_312 = tpu.memref_slice %arg3[%dma_wait3A_310, %dma_wait3A_311] : memref<100000x128xf32, #tpu.memory_space<hbm>> -> memref<100000x128xf32, #tpu.memory_space<hbm>>
      tpu.wait_indirect_dma semaphore(%arg18 : memref<!tpu.dma_semaphore, #tpu.memory_space<semaphore_mem>>) src(%dma_wait3A_312 : memref<100000x128xf32, #tpu.memory_space<hbm>>) dst(%dma_wait3A_306 : memref<100x128xf32, #tpu.memory_space<vmem>>)
      %parallel_loop3A_313 = arith.constant 0 : i32
      %parallel_loop3A_314 = arith.constant 100 : i32
      %parallel_loop3A_315 = arith.constant 1 : i32
      scf.for %parallel_loop3A_333 = %parallel_loop3A_313 to %parallel_loop3A_314 step %parallel_loop3A_315  : i32 {
        %parallel_loop3A_334 = arith.constant 3 : i32
        %parallel_loop3A_335 = arith.index_cast %parallel_loop3A_334 : i32 to index
        %parallel_loop3A_336 = arith.index_cast %parallel_loop3A_333 : i32 to index
        %parallel_loop3A_337 = arith.constant 0 : index
        %parallel_loop3A_338 = tpu.vector_load %arg10[%parallel_loop3A_335, %parallel_loop3A_336, %parallel_loop3A_337] {strides = array<i32>} : memref<4x100x128xf32, #tpu.memory_space<vmem>>, vector<16xf32>,
        %parallel_loop3A_339 = arith.constant 100 : i32
        %parallel_loop3A_340 = arith.addi %parallel_loop3A_339, %parallel_loop3A_333 : i32
        %parallel_loop3A_341 = arith.index_cast %parallel_loop3A_340 : i32 to index
        %parallel_loop3A_342 = arith.constant 0 : index
        %parallel_loop3A_343 = tpu.vector_load %arg11[%parallel_loop3A_341, %parallel_loop3A_342] {strides = array<i32>} : memref<200x128xf32, #tpu.memory_space<vmem>>, vector<16xf32>,
        %parallel_loop3A_344 = arith.addf %parallel_loop3A_338, %parallel_loop3A_343 : vector<16xf32>
        %parallel_loop3A_345 = arith.constant 3 : i32
        %parallel_loop3A_346 = arith.index_cast %parallel_loop3A_345 : i32 to index
        %parallel_loop3A_347 = arith.index_cast %parallel_loop3A_333 : i32 to index
        %parallel_loop3A_348 = arith.constant 16 : index
        %parallel_loop3A_349 = tpu.vector_load %arg10[%parallel_loop3A_346, %parallel_loop3A_347, %parallel_loop3A_348] {strides = array<i32>} : memref<4x100x128xf32, #tpu.memory_space<vmem>>, vector<16xf32>,
        %parallel_loop3A_350 = arith.constant 100 : i32
        %parallel_loop3A_351 = arith.addi %parallel_loop3A_350, %parallel_loop3A_333 : i32
        %parallel_loop3A_352 = arith.index_cast %parallel_loop3A_351 : i32 to index
        %parallel_loop3A_353 = arith.constant 16 : index
        %parallel_loop3A_354 = tpu.vector_load %arg11[%parallel_loop3A_352, %parallel_loop3A_353] {strides = array<i32>} : memref<200x128xf32, #tpu.memory_space<vmem>>, vector<16xf32>,
        %parallel_loop3A_355 = arith.addf %parallel_loop3A_349, %parallel_loop3A_354 : vector<16xf32>
        %parallel_loop3A_356 = arith.constant 3 : i32
        %parallel_loop3A_357 = arith.index_cast %parallel_loop3A_356 : i32 to index
        %parallel_loop3A_358 = arith.index_cast %parallel_loop3A_333 : i32 to index
        %parallel_loop3A_359 = arith.constant 32 : index
        %parallel_loop3A_360 = tpu.vector_load %arg10[%parallel_loop3A_357, %parallel_loop3A_358, %parallel_loop3A_359] {strides = array<i32>} : memref<4x100x128xf32, #tpu.memory_space<vmem>>, vector<16xf32>,
        %parallel_loop3A_361 = arith.constant 100 : i32
        %parallel_loop3A_362 = arith.addi %parallel_loop3A_361, %parallel_loop3A_333 : i32
        %parallel_loop3A_363 = arith.index_cast %parallel_loop3A_362 : i32 to index
        %parallel_loop3A_364 = arith.constant 32 : index
        %parallel_loop3A_365 = tpu.vector_load %arg11[%parallel_loop3A_363, %parallel_loop3A_364] {strides = array<i32>} : memref<200x128xf32, #tpu.memory_space<vmem>>, vector<16xf32>,
        %parallel_loop3A_366 = arith.addf %parallel_loop3A_360, %parallel_loop3A_365 : vector<16xf32>
        %parallel_loop3A_367 = arith.constant 3 : i32
        %parallel_loop3A_368 = arith.index_cast %parallel_loop3A_367 : i32 to index
        %parallel_loop3A_369 = arith.index_cast %parallel_loop3A_333 : i32 to index
        %parallel_loop3A_370 = arith.constant 48 : index
        %parallel_loop3A_371 = tpu.vector_load %arg10[%parallel_loop3A_368, %parallel_loop3A_369, %parallel_loop3A_370] {strides = array<i32>} : memref<4x100x128xf32, #tpu.memory_space<vmem>>, vector<16xf32>,
        %parallel_loop3A_372 = arith.constant 100 : i32
        %parallel_loop3A_373 = arith.addi %parallel_loop3A_372, %parallel_loop3A_333 : i32
        %parallel_loop3A_374 = arith.index_cast %parallel_loop3A_373 : i32 to index
        %parallel_loop3A_375 = arith.constant 48 : index
        %parallel_loop3A_376 = tpu.vector_load %arg11[%parallel_loop3A_374, %parallel_loop3A_375] {strides = array<i32>} : memref<200x128xf32, #tpu.memory_space<vmem>>, vector<16xf32>,
        %parallel_loop3A_377 = arith.addf %parallel_loop3A_371, %parallel_loop3A_376 : vector<16xf32>
        %parallel_loop3A_378 = arith.constant 3 : i32
        %parallel_loop3A_379 = arith.index_cast %parallel_loop3A_378 : i32 to index
        %parallel_loop3A_380 = arith.index_cast %parallel_loop3A_333 : i32 to index
        %parallel_loop3A_381 = arith.constant 64 : index
        %parallel_loop3A_382 = tpu.vector_load %arg10[%parallel_loop3A_379, %parallel_loop3A_380, %parallel_loop3A_381] {strides = array<i32>} : memref<4x100x128xf32, #tpu.memory_space<vmem>>, vector<16xf32>,
        %parallel_loop3A_383 = arith.constant 100 : i32
        %parallel_loop3A_384 = arith.addi %parallel_loop3A_383, %parallel_loop3A_333 : i32
        %parallel_loop3A_385 = arith.index_cast %parallel_loop3A_384 : i32 to index
        %parallel_loop3A_386 = arith.constant 64 : index
        %parallel_loop3A_387 = tpu.vector_load %arg11[%parallel_loop3A_385, %parallel_loop3A_386] {strides = array<i32>} : memref<200x128xf32, #tpu.memory_space<vmem>>, vector<16xf32>,
        %parallel_loop3A_388 = arith.addf %parallel_loop3A_382, %parallel_loop3A_387 : vector<16xf32>
        %parallel_loop3A_389 = arith.constant 3 : i32
        %parallel_loop3A_390 = arith.index_cast %parallel_loop3A_389 : i32 to index
        %parallel_loop3A_391 = arith.index_cast %parallel_loop3A_333 : i32 to index
        %parallel_loop3A_392 = arith.constant 80 : index
        %parallel_loop3A_393 = tpu.vector_load %arg10[%parallel_loop3A_390, %parallel_loop3A_391, %parallel_loop3A_392] {strides = array<i32>} : memref<4x100x128xf32, #tpu.memory_space<vmem>>, vector<16xf32>,
        %parallel_loop3A_394 = arith.constant 100 : i32
        %parallel_loop3A_395 = arith.addi %parallel_loop3A_394, %parallel_loop3A_333 : i32
        %parallel_loop3A_396 = arith.index_cast %parallel_loop3A_395 : i32 to index
        %parallel_loop3A_397 = arith.constant 80 : index
        %parallel_loop3A_398 = tpu.vector_load %arg11[%parallel_loop3A_396, %parallel_loop3A_397] {strides = array<i32>} : memref<200x128xf32, #tpu.memory_space<vmem>>, vector<16xf32>,
        %parallel_loop3A_399 = arith.addf %parallel_loop3A_393, %parallel_loop3A_398 : vector<16xf32>
        %parallel_loop3A_400 = arith.constant 3 : i32
        %parallel_loop3A_401 = arith.index_cast %parallel_loop3A_400 : i32 to index
        %parallel_loop3A_402 = arith.index_cast %parallel_loop3A_333 : i32 to index
        %parallel_loop3A_403 = arith.constant 96 : index
        %parallel_loop3A_404 = tpu.vector_load %arg10[%parallel_loop3A_401, %parallel_loop3A_402, %parallel_loop3A_403] {strides = array<i32>} : memref<4x100x128xf32, #tpu.memory_space<vmem>>, vector<16xf32>,
        %parallel_loop3A_405 = arith.constant 100 : i32
        %parallel_loop3A_406 = arith.addi %parallel_loop3A_405, %parallel_loop3A_333 : i32
        %parallel_loop3A_407 = arith.index_cast %parallel_loop3A_406 : i32 to index
        %parallel_loop3A_408 = arith.constant 96 : index
        %parallel_loop3A_409 = tpu.vector_load %arg11[%parallel_loop3A_407, %parallel_loop3A_408] {strides = array<i32>} : memref<200x128xf32, #tpu.memory_space<vmem>>, vector<16xf32>,
        %parallel_loop3A_410 = arith.addf %parallel_loop3A_404, %parallel_loop3A_409 : vector<16xf32>
        %parallel_loop3A_411 = arith.constant 3 : i32
        %parallel_loop3A_412 = arith.index_cast %parallel_loop3A_411 : i32 to index
        %parallel_loop3A_413 = arith.index_cast %parallel_loop3A_333 : i32 to index
        %parallel_loop3A_414 = arith.constant 112 : index
        %parallel_loop3A_415 = tpu.vector_load %arg10[%parallel_loop3A_412, %parallel_loop3A_413, %parallel_loop3A_414] {strides = array<i32>} : memref<4x100x128xf32, #tpu.memory_space<vmem>>, vector<16xf32>,
        %parallel_loop3A_416 = arith.constant 100 : i32
        %parallel_loop3A_417 = arith.addi %parallel_loop3A_416, %parallel_loop3A_333 : i32
        %parallel_loop3A_418 = arith.index_cast %parallel_loop3A_417 : i32 to index
        %parallel_loop3A_419 = arith.constant 112 : index
        %parallel_loop3A_420 = tpu.vector_load %arg11[%parallel_loop3A_418, %parallel_loop3A_419] {strides = array<i32>} : memref<200x128xf32, #tpu.memory_space<vmem>>, vector<16xf32>,
        %parallel_loop3A_421 = arith.addf %parallel_loop3A_415, %parallel_loop3A_420 : vector<16xf32>
        %parallel_loop3A_422 = arith.addf %parallel_loop3A_344, %parallel_loop3A_355 : vector<16xf32>
        %parallel_loop3A_423 = arith.addf %parallel_loop3A_366, %parallel_loop3A_377 : vector<16xf32>
        %parallel_loop3A_424 = arith.addf %parallel_loop3A_388, %parallel_loop3A_399 : vector<16xf32>
        %parallel_loop3A_425 = arith.addf %parallel_loop3A_410, %parallel_loop3A_421 : vector<16xf32>
        %parallel_loop3A_426 = arith.addf %parallel_loop3A_422, %parallel_loop3A_423 : vector<16xf32>
        %parallel_loop3A_427 = arith.addf %parallel_loop3A_424, %parallel_loop3A_425 : vector<16xf32>
        %parallel_loop3A_428 = arith.addf %parallel_loop3A_426, %parallel_loop3A_427 : vector<16xf32>
        %parallel_loop3A_429 = arith.constant true
        %parallel_loop3A_430 = vector.broadcast %parallel_loop3A_429 : i1 to vector<16xi1>
        %parallel_loop3A_431 = tpu.scan <sum>, %parallel_loop3A_428 masked %parallel_loop3A_430 : vector<16xf32>, vector<16xi1> -> vector<16xf32>
        %parallel_loop3A_432 = vector.extract_strided_slice %parallel_loop3A_431 {offsets = [15], sizes = [1], strides = [1]} : vector<16xf32> to vector<1xf32>
        %parallel_loop3A_433 = vector.extract %parallel_loop3A_432[0] : f32 from vector<1xf32>
        %parallel_loop3A_434 = arith.mulf %parallel_loop3A_344, %parallel_loop3A_344 : vector<16xf32>
        %parallel_loop3A_435 = arith.mulf %parallel_loop3A_355, %parallel_loop3A_355 : vector<16xf32>
        %parallel_loop3A_436 = arith.mulf %parallel_loop3A_366, %parallel_loop3A_366 : vector<16xf32>
        %parallel_loop3A_437 = arith.mulf %parallel_loop3A_377, %parallel_loop3A_377 : vector<16xf32>
        %parallel_loop3A_438 = arith.mulf %parallel_loop3A_388, %parallel_loop3A_388 : vector<16xf32>
        %parallel_loop3A_439 = arith.mulf %parallel_loop3A_399, %parallel_loop3A_399 : vector<16xf32>
        %parallel_loop3A_440 = arith.mulf %parallel_loop3A_410, %parallel_loop3A_410 : vector<16xf32>
        %parallel_loop3A_441 = arith.mulf %parallel_loop3A_421, %parallel_loop3A_421 : vector<16xf32>
        %parallel_loop3A_442 = arith.addf %parallel_loop3A_434, %parallel_loop3A_435 : vector<16xf32>
        %parallel_loop3A_443 = arith.addf %parallel_loop3A_436, %parallel_loop3A_437 : vector<16xf32>
        %parallel_loop3A_444 = arith.addf %parallel_loop3A_438, %parallel_loop3A_439 : vector<16xf32>
        %parallel_loop3A_445 = arith.addf %parallel_loop3A_440, %parallel_loop3A_441 : vector<16xf32>
        %parallel_loop3A_446 = arith.addf %parallel_loop3A_442, %parallel_loop3A_443 : vector<16xf32>
        %parallel_loop3A_447 = arith.addf %parallel_loop3A_444, %parallel_loop3A_445 : vector<16xf32>
        %parallel_loop3A_448 = arith.addf %parallel_loop3A_446, %parallel_loop3A_447 : vector<16xf32>
        %parallel_loop3A_449 = arith.constant true
        %parallel_loop3A_450 = vector.broadcast %parallel_loop3A_449 : i1 to vector<16xi1>
        %parallel_loop3A_451 = tpu.scan <sum>, %parallel_loop3A_448 masked %parallel_loop3A_450 : vector<16xf32>, vector<16xi1> -> vector<16xf32>
        %parallel_loop3A_452 = vector.extract_strided_slice %parallel_loop3A_451 {offsets = [15], sizes = [1], strides = [1]} : vector<16xf32> to vector<1xf32>
        %parallel_loop3A_453 = vector.extract %parallel_loop3A_452[0] : f32 from vector<1xf32>
        %parallel_loop3A_454 = arith.constant 7.812500e-03 : f32
        %parallel_loop3A_455 = arith.mulf %parallel_loop3A_433, %parallel_loop3A_454 : f32
        %parallel_loop3A_456 = arith.constant 7.812500e-03 : f32
        %parallel_loop3A_457 = arith.mulf %parallel_loop3A_453, %parallel_loop3A_456 : f32
        %parallel_loop3A_458 = arith.mulf %parallel_loop3A_455, %parallel_loop3A_455 : f32
        %parallel_loop3A_459 = arith.subf %parallel_loop3A_457, %parallel_loop3A_458 : f32
        %parallel_loop3A_460 = arith.constant 9.99999996E-13 : f32
        %parallel_loop3A_461 = arith.addf %parallel_loop3A_459, %parallel_loop3A_460 : f32
        %parallel_loop3A_462 = arith.bitcast %parallel_loop3A_461 : f32 to i32
        %parallel_loop3A_463 = arith.constant 1 : i32
        %parallel_loop3A_464 = arith.shrsi %parallel_loop3A_462, %parallel_loop3A_463 : i32
        %parallel_loop3A_465 = arith.constant 1597463007 : i32
        %parallel_loop3A_466 = arith.subi %parallel_loop3A_465, %parallel_loop3A_464 : i32
        %parallel_loop3A_467 = arith.bitcast %parallel_loop3A_466 : i32 to f32
        %parallel_loop3A_468 = arith.constant -5.000000e-01 : f32
        %parallel_loop3A_469 = arith.mulf %parallel_loop3A_461, %parallel_loop3A_468 : f32
        %parallel_loop3A_470 = arith.mulf %parallel_loop3A_469, %parallel_loop3A_467 : f32
        %parallel_loop3A_471 = arith.mulf %parallel_loop3A_470, %parallel_loop3A_467 : f32
        %parallel_loop3A_472 = arith.constant 1.500000e+00 : f32
        %parallel_loop3A_473 = arith.addf %parallel_loop3A_472, %parallel_loop3A_471 : f32
        %parallel_loop3A_474 = arith.mulf %parallel_loop3A_467, %parallel_loop3A_473 : f32
        %parallel_loop3A_475 = arith.mulf %parallel_loop3A_469, %parallel_loop3A_474 : f32
        %parallel_loop3A_476 = arith.mulf %parallel_loop3A_475, %parallel_loop3A_474 : f32
        %parallel_loop3A_477 = arith.constant 1.500000e+00 : f32
        %parallel_loop3A_478 = arith.addf %parallel_loop3A_477, %parallel_loop3A_476 : f32
        %parallel_loop3A_479 = arith.mulf %parallel_loop3A_474, %parallel_loop3A_478 : f32
        %parallel_loop3A_480 = vector.broadcast %parallel_loop3A_479 : f32 to vector<16xf32>
        %parallel_loop3A_481 = arith.mulf %parallel_loop3A_455, %parallel_loop3A_479 : f32
        %parallel_loop3A_482 = vector.broadcast %parallel_loop3A_481 : f32 to vector<16xf32>
        %parallel_loop3A_483 = arith.mulf %parallel_loop3A_344, %parallel_loop3A_480 : vector<16xf32>
        %parallel_loop3A_484 = arith.subf %parallel_loop3A_483, %parallel_loop3A_482 : vector<16xf32>
        %parallel_loop3A_485 = arith.mulf %parallel_loop3A_484, %get3A_19 : vector<16xf32>
        %parallel_loop3A_486 = arith.addf %parallel_loop3A_485, %get3A_35 : vector<16xf32>
        %parallel_loop3A_487 = arith.constant 3 : i32
        %parallel_loop3A_488 = arith.index_cast %parallel_loop3A_487 : i32 to index
        %parallel_loop3A_489 = arith.index_cast %parallel_loop3A_333 : i32 to index
        %parallel_loop3A_490 = arith.constant 0 : index
        %parallel_loop3A_491 = tpu.vector_load %arg10[%parallel_loop3A_488, %parallel_loop3A_489, %parallel_loop3A_490] {strides = array<i32>} : memref<4x100x128xf32, #tpu.memory_space<vmem>>, vector<16xf32>,
        tpu.vector_store %arg10[%parallel_loop3A_488, %parallel_loop3A_489, %parallel_loop3A_490], %parallel_loop3A_486 {strides = array<i32>} : memref<4x100x128xf32, #tpu.memory_space<vmem>>, vector<16xf32>,
        %parallel_loop3A_492 = arith.mulf %parallel_loop3A_355, %parallel_loop3A_480 : vector<16xf32>
        %parallel_loop3A_493 = arith.subf %parallel_loop3A_492, %parallel_loop3A_482 : vector<16xf32>
        %parallel_loop3A_494 = arith.mulf %parallel_loop3A_493, %get3A_21 : vector<16xf32>
        %parallel_loop3A_495 = arith.addf %parallel_loop3A_494, %get3A_37 : vector<16xf32>
        %parallel_loop3A_496 = arith.constant 3 : i32
        %parallel_loop3A_497 = arith.index_cast %parallel_loop3A_496 : i32 to index
        %parallel_loop3A_498 = arith.index_cast %parallel_loop3A_333 : i32 to index
        %parallel_loop3A_499 = arith.constant 16 : index
        %parallel_loop3A_500 = tpu.vector_load %arg10[%parallel_loop3A_497, %parallel_loop3A_498, %parallel_loop3A_499] {strides = array<i32>} : memref<4x100x128xf32, #tpu.memory_space<vmem>>, vector<16xf32>,
        tpu.vector_store %arg10[%parallel_loop3A_497, %parallel_loop3A_498, %parallel_loop3A_499], %parallel_loop3A_495 {strides = array<i32>} : memref<4x100x128xf32, #tpu.memory_space<vmem>>, vector<16xf32>,
        %parallel_loop3A_501 = arith.mulf %parallel_loop3A_366, %parallel_loop3A_480 : vector<16xf32>
        %parallel_loop3A_502 = arith.subf %parallel_loop3A_501, %parallel_loop3A_482 : vector<16xf32>
        %parallel_loop3A_503 = arith.mulf %parallel_loop3A_502, %get3A_23 : vector<16xf32>
        %parallel_loop3A_504 = arith.addf %parallel_loop3A_503, %get3A_39 : vector<16xf32>
        %parallel_loop3A_505 = arith.constant 3 : i32
        %parallel_loop3A_506 = arith.index_cast %parallel_loop3A_505 : i32 to index
        %parallel_loop3A_507 = arith.index_cast %parallel_loop3A_333 : i32 to index
        %parallel_loop3A_508 = arith.constant 32 : index
        %parallel_loop3A_509 = tpu.vector_load %arg10[%parallel_loop3A_506, %parallel_loop3A_507, %parallel_loop3A_508] {strides = array<i32>} : memref<4x100x128xf32, #tpu.memory_space<vmem>>, vector<16xf32>,
        tpu.vector_store %arg10[%parallel_loop3A_506, %parallel_loop3A_507, %parallel_loop3A_508], %parallel_loop3A_504 {strides = array<i32>} : memref<4x100x128xf32, #tpu.memory_space<vmem>>, vector<16xf32>,
        %parallel_loop3A_510 = arith.mulf %parallel_loop3A_377, %parallel_loop3A_480 : vector<16xf32>
        %parallel_loop3A_511 = arith.subf %parallel_loop3A_510, %parallel_loop3A_482 : vector<16xf32>
        %parallel_loop3A_512 = arith.mulf %parallel_loop3A_511, %get3A_25 : vector<16xf32>
        %parallel_loop3A_513 = arith.addf %parallel_loop3A_512, %get3A_41 : vector<16xf32>
        %parallel_loop3A_514 = arith.constant 3 : i32
        %parallel_loop3A_515 = arith.index_cast %parallel_loop3A_514 : i32 to index
        %parallel_loop3A_516 = arith.index_cast %parallel_loop3A_333 : i32 to index
        %parallel_loop3A_517 = arith.constant 48 : index
        %parallel_loop3A_518 = tpu.vector_load %arg10[%parallel_loop3A_515, %parallel_loop3A_516, %parallel_loop3A_517] {strides = array<i32>} : memref<4x100x128xf32, #tpu.memory_space<vmem>>, vector<16xf32>,
        tpu.vector_store %arg10[%parallel_loop3A_515, %parallel_loop3A_516, %parallel_loop3A_517], %parallel_loop3A_513 {strides = array<i32>} : memref<4x100x128xf32, #tpu.memory_space<vmem>>, vector<16xf32>,
        %parallel_loop3A_519 = arith.mulf %parallel_loop3A_388, %parallel_loop3A_480 : vector<16xf32>
        %parallel_loop3A_520 = arith.subf %parallel_loop3A_519, %parallel_loop3A_482 : vector<16xf32>
        %parallel_loop3A_521 = arith.mulf %parallel_loop3A_520, %get3A_27 : vector<16xf32>
        %parallel_loop3A_522 = arith.addf %parallel_loop3A_521, %get3A_43 : vector<16xf32>
        %parallel_loop3A_523 = arith.constant 3 : i32
        %parallel_loop3A_524 = arith.index_cast %parallel_loop3A_523 : i32 to index
        %parallel_loop3A_525 = arith.index_cast %parallel_loop3A_333 : i32 to index
        %parallel_loop3A_526 = arith.constant 64 : index
        %parallel_loop3A_527 = tpu.vector_load %arg10[%parallel_loop3A_524, %parallel_loop3A_525, %parallel_loop3A_526] {strides = array<i32>} : memref<4x100x128xf32, #tpu.memory_space<vmem>>, vector<16xf32>,
        tpu.vector_store %arg10[%parallel_loop3A_524, %parallel_loop3A_525, %parallel_loop3A_526], %parallel_loop3A_522 {strides = array<i32>} : memref<4x100x128xf32, #tpu.memory_space<vmem>>, vector<16xf32>,
        %parallel_loop3A_528 = arith.mulf %parallel_loop3A_399, %parallel_loop3A_480 : vector<16xf32>
        %parallel_loop3A_529 = arith.subf %parallel_loop3A_528, %parallel_loop3A_482 : vector<16xf32>
        %parallel_loop3A_530 = arith.mulf %parallel_loop3A_529, %get3A_29 : vector<16xf32>
        %parallel_loop3A_531 = arith.addf %parallel_loop3A_530, %get3A_45 : vector<16xf32>
        %parallel_loop3A_532 = arith.constant 3 : i32
        %parallel_loop3A_533 = arith.index_cast %parallel_loop3A_532 : i32 to index
        %parallel_loop3A_534 = arith.index_cast %parallel_loop3A_333 : i32 to index
        %parallel_loop3A_535 = arith.constant 80 : index
        %parallel_loop3A_536 = tpu.vector_load %arg10[%parallel_loop3A_533, %parallel_loop3A_534, %parallel_loop3A_535] {strides = array<i32>} : memref<4x100x128xf32, #tpu.memory_space<vmem>>, vector<16xf32>,
        tpu.vector_store %arg10[%parallel_loop3A_533, %parallel_loop3A_534, %parallel_loop3A_535], %parallel_loop3A_531 {strides = array<i32>} : memref<4x100x128xf32, #tpu.memory_space<vmem>>, vector<16xf32>,
        %parallel_loop3A_537 = arith.mulf %parallel_loop3A_410, %parallel_loop3A_480 : vector<16xf32>
        %parallel_loop3A_538 = arith.subf %parallel_loop3A_537, %parallel_loop3A_482 : vector<16xf32>
        %parallel_loop3A_539 = arith.mulf %parallel_loop3A_538, %get3A_31 : vector<16xf32>
        %parallel_loop3A_540 = arith.addf %parallel_loop3A_539, %get3A_47 : vector<16xf32>
        %parallel_loop3A_541 = arith.constant 3 : i32
        %parallel_loop3A_542 = arith.index_cast %parallel_loop3A_541 : i32 to index
        %parallel_loop3A_543 = arith.index_cast %parallel_loop3A_333 : i32 to index
        %parallel_loop3A_544 = arith.constant 96 : index
        %parallel_loop3A_545 = tpu.vector_load %arg10[%parallel_loop3A_542, %parallel_loop3A_543, %parallel_loop3A_544] {strides = array<i32>} : memref<4x100x128xf32, #tpu.memory_space<vmem>>, vector<16xf32>,
        tpu.vector_store %arg10[%parallel_loop3A_542, %parallel_loop3A_543, %parallel_loop3A_544], %parallel_loop3A_540 {strides = array<i32>} : memref<4x100x128xf32, #tpu.memory_space<vmem>>, vector<16xf32>,
        %parallel_loop3A_546 = arith.mulf %parallel_loop3A_421, %parallel_loop3A_480 : vector<16xf32>
        %parallel_loop3A_547 = arith.subf %parallel_loop3A_546, %parallel_loop3A_482 : vector<16xf32>
        %parallel_loop3A_548 = arith.mulf %parallel_loop3A_547, %get3A_33 : vector<16xf32>
        %parallel_loop3A_549 = arith.addf %parallel_loop3A_548, %get3A_49 : vector<16xf32>
        %parallel_loop3A_550 = arith.constant 3 : i32
        %parallel_loop3A_551 = arith.index_cast %parallel_loop3A_550 : i32 to index
        %parallel_loop3A_552 = arith.index_cast %parallel_loop3A_333 : i32 to index
        %parallel_loop3A_553 = arith.constant 112 : index
        %parallel_loop3A_554 = tpu.vector_load %arg10[%parallel_loop3A_551, %parallel_loop3A_552, %parallel_loop3A_553] {strides = array<i32>} : memref<4x100x128xf32, #tpu.memory_space<vmem>>, vector<16xf32>,
        tpu.vector_store %arg10[%parallel_loop3A_551, %parallel_loop3A_552, %parallel_loop3A_553], %parallel_loop3A_549 {strides = array<i32>} : memref<4x100x128xf32, #tpu.memory_space<vmem>>, vector<16xf32>,
      } {sc.loop_unroll_factor = 2 : i64, sc.parallel_access}
      %dma_start3A_316 = arith.constant 3 : i32
      %dma_start3A_317 = arith.constant 0 : i32
      %dma_start3A_318 = arith.constant 0 : i32
      %dma_start3A_319 = tpu.memref_slice %arg10[%dma_start3A_316, %dma_start3A_317, %dma_start3A_318] : memref<4x100x128xf32, #tpu.memory_space<vmem>> -> memref<1x100x128xf32, #tpu.memory_space<vmem>>
      %dma_start3A_320 = tpu.memref_squeeze %dma_start3A_319 : memref<1x100x128xf32, #tpu.memory_space<vmem>> -> memref<100x128xf32, #tpu.memory_space<vmem>>
      %dma_start3A_321 = arith.constant 0 : i32
      %dma_start3A_322 = arith.constant 0 : i32
      %dma_start3A_323 = tpu.memref_slice %arg8[%add3A, %add3A_277, %dma_start3A_321, %dma_start3A_322] : memref<32x256x100x128xf32, #tpu.memory_space<hbm>> -> memref<1x1x100x128xf32, #tpu.memory_space<hbm>>
      %dma_start3A_324 = tpu.memref_squeeze %dma_start3A_323 : memref<1x1x100x128xf32, #tpu.memory_space<hbm>> -> memref<100x128xf32, #tpu.memory_space<hbm>>
      %dma_start3A_325 = arith.constant 0 : i32
      %dma_start3A_326 = arith.constant 0 : i32
      %dma_start3A_327 = tpu.memref_slice %arg8[%add3A, %add3A_277, %dma_start3A_325, %dma_start3A_326] : memref<32x256x100x128xf32, #tpu.memory_space<hbm>> -> memref<1x1x100x128xf32, #tpu.memory_space<hbm>>
      %dma_start3A_328 = tpu.memref_squeeze %dma_start3A_327 : memref<1x1x100x128xf32, #tpu.memory_space<hbm>> -> memref<100x128xf32, #tpu.memory_space<hbm>>
      %dma_start3A_329 = arith.constant 0 : i32
      %dma_start3A_330 = arith.constant 0 : i32
      %dma_start3A_331 = tpu.memref_slice %arg10[%dma_start3A_316, %dma_start3A_329, %dma_start3A_330] : memref<4x100x128xf32, #tpu.memory_space<vmem>> -> memref<1x100x128xf32, #tpu.memory_space<vmem>>
      %dma_start3A_332 = tpu.memref_squeeze %dma_start3A_331 : memref<1x100x128xf32, #tpu.memory_space<vmem>> -> memref<100x128xf32, #tpu.memory_space<vmem>>
      tpu.enqueue_dma source(%dma_start3A_332 : memref<100x128xf32, #tpu.memory_space<vmem>>) target(%dma_start3A_328 : memref<100x128xf32, #tpu.memory_space<hbm>>) target_semaphore(%arg22 : memref<!tpu.dma_semaphore, #tpu.memory_space<semaphore_mem>>)
    }
    %scan3A_77 = arith.constant 64 : i32
    %dma_wait3A = arith.constant 2 : i32
    %dma_wait3A_78 = arith.constant 254 : i32
    %dma_wait3A_79 = arith.constant 0 : i32
    %dma_wait3A_80 = arith.constant 0 : i32
    %dma_wait3A_81 = tpu.memref_slice %arg10[%dma_wait3A, %dma_wait3A_79, %dma_wait3A_80] : memref<4x100x128xf32, #tpu.memory_space<vmem>> -> memref<1x100x128xf32, #tpu.memory_space<vmem>>
    %dma_wait3A_82 = tpu.memref_squeeze %dma_wait3A_81 : memref<1x100x128xf32, #tpu.memory_space<vmem>> -> memref<100x128xf32, #tpu.memory_space<vmem>>
    %dma_wait3A_83 = arith.constant 0 : i32
    %dma_wait3A_84 = arith.constant 0 : i32
    %dma_wait3A_85 = tpu.memref_slice %arg8[%add3A, %dma_wait3A_78, %dma_wait3A_83, %dma_wait3A_84] : memref<32x256x100x128xf32, #tpu.memory_space<hbm>> -> memref<1x1x100x128xf32, #tpu.memory_space<hbm>>
    %dma_wait3A_86 = tpu.memref_squeeze %dma_wait3A_85 : memref<1x1x100x128xf32, #tpu.memory_space<hbm>> -> memref<100x128xf32, #tpu.memory_space<hbm>>
    %dma_wait3A_87 = arith.constant 0 : i32
    %dma_wait3A_88 = arith.constant 0 : i32
    %dma_wait3A_89 = tpu.memref_slice %arg8[%add3A, %dma_wait3A_78, %dma_wait3A_87, %dma_wait3A_88] : memref<32x256x100x128xf32, #tpu.memory_space<hbm>> -> memref<1x1x100x128xf32, #tpu.memory_space<hbm>>
    %dma_wait3A_90 = tpu.memref_squeeze %dma_wait3A_89 : memref<1x1x100x128xf32, #tpu.memory_space<hbm>> -> memref<100x128xf32, #tpu.memory_space<hbm>>
    %dma_wait3A_91 = arith.constant 0 : i32
    %dma_wait3A_92 = arith.constant 0 : i32
    %dma_wait3A_93 = tpu.memref_slice %arg10[%dma_wait3A, %dma_wait3A_91, %dma_wait3A_92] : memref<4x100x128xf32, #tpu.memory_space<vmem>> -> memref<1x100x128xf32, #tpu.memory_space<vmem>>
    %dma_wait3A_94 = tpu.memref_squeeze %dma_wait3A_93 : memref<1x100x128xf32, #tpu.memory_space<vmem>> -> memref<100x128xf32, #tpu.memory_space<vmem>>
    tpu.wait_dma2 semaphore(%arg21 : memref<!tpu.dma_semaphore, #tpu.memory_space<semaphore_mem>>) src(%dma_wait3A_94 : memref<100x128xf32, #tpu.memory_space<vmem>>) dst(%dma_wait3A_90 : memref<100x128xf32, #tpu.memory_space<hbm>>)
    %dma_wait3A_95 = arith.constant 3 : i32
    %dma_wait3A_96 = arith.constant 255 : i32
    %dma_wait3A_97 = arith.constant 0 : i32
    %dma_wait3A_98 = arith.constant 0 : i32
    %dma_wait3A_99 = tpu.memref_slice %arg10[%dma_wait3A_95, %dma_wait3A_97, %dma_wait3A_98] : memref<4x100x128xf32, #tpu.memory_space<vmem>> -> memref<1x100x128xf32, #tpu.memory_space<vmem>>
    %dma_wait3A_100 = tpu.memref_squeeze %dma_wait3A_99 : memref<1x100x128xf32, #tpu.memory_space<vmem>> -> memref<100x128xf32, #tpu.memory_space<vmem>>
    %dma_wait3A_101 = arith.constant 0 : i32
    %dma_wait3A_102 = arith.constant 0 : i32
    %dma_wait3A_103 = tpu.memref_slice %arg8[%add3A, %dma_wait3A_96, %dma_wait3A_101, %dma_wait3A_102] : memref<32x256x100x128xf32, #tpu.memory_space<hbm>> -> memref<1x1x100x128xf32, #tpu.memory_space<hbm>>
    %dma_wait3A_104 = tpu.memref_squeeze %dma_wait3A_103 : memref<1x1x100x128xf32, #tpu.memory_space<hbm>> -> memref<100x128xf32, #tpu.memory_space<hbm>>
    %dma_wait3A_105 = arith.constant 0 : i32
    %dma_wait3A_106 = arith.constant 0 : i32
    %dma_wait3A_107 = tpu.memref_slice %arg8[%add3A, %dma_wait3A_96, %dma_wait3A_105, %dma_wait3A_106] : memref<32x256x100x128xf32, #tpu.memory_space<hbm>> -> memref<1x1x100x128xf32, #tpu.memory_space<hbm>>
    %dma_wait3A_108 = tpu.memref_squeeze %dma_wait3A_107 : memref<1x1x100x128xf32, #tpu.memory_space<hbm>> -> memref<100x128xf32, #tpu.memory_space<hbm>>
    %dma_wait3A_109 = arith.constant 0 : i32
    %dma_wait3A_110 = arith.constant 0 : i32
    %dma_wait3A_111 = tpu.memref_slice %arg10[%dma_wait3A_95, %dma_wait3A_109, %dma_wait3A_110] : memref<4x100x128xf32, #tpu.memory_space<vmem>> -> memref<1x100x128xf32, #tpu.memory_space<vmem>>
    %dma_wait3A_112 = tpu.memref_squeeze %dma_wait3A_111 : memref<1x100x128xf32, #tpu.memory_space<vmem>> -> memref<100x128xf32, #tpu.memory_space<vmem>>
    tpu.wait_dma2 semaphore(%arg22 : memref<!tpu.dma_semaphore, #tpu.memory_space<semaphore_mem>>) src(%dma_wait3A_112 : memref<100x128xf32, #tpu.memory_space<vmem>>) dst(%dma_wait3A_108 : memref<100x128xf32, #tpu.memory_space<hbm>>)
    return
  }
}

</mosaic_0001>

<sc_bundles>
// kernel: kernel.3.cloned.1.call-start
scs
__scs_entry_jumppad:
0x0: {  	(pc) =	sbr.rel $0x88, $3  }
0x1: {  	(tag) =	ssettag $0x0;
	lr =	simm.s32 $0x1  }
0x2: {  	[smem:$0x3F9B] =	sst lr;
	_ =	strace $0xD0000000  }
0x3: {  	_ = 	snop  }
0x4: {  	_ = 	snop  }
0x5: {  	_ = 	snop  }
0x6: {  	_ = 	snop  }
0x7: {  	_ = 	snop  }
__scs_overlays_trampoline_lowered:
0x8: {  	[smem:$0x3FAA] =	sst s0  }
0x9: {  	[smem:$0x3FAB] =	sst s1  }
0xa: {  	[smem:$0x3FAC] =	sst s2  }
0xb: {  	[smem:$0x3FAD] =	sst s3  }
0xc: {  	[smem:$0x3FAE] =	sst s4  }
0xd: {  	[smem:$0x3FAF] =	sst s5  }
0xe: {  	[smem:$0x3FB0] =	sst s6  }
0xf: {  	[smem:$0x3FB1] =	sst s7  }
0x10: {  	[smem:$0x3FB2] =	sst s8  }
0x11: {  	[smem:$0x3FB3] =	sst s9;
	s0 =	simm.s32 @!p0 $0x0  }
0x12: {  	s1 =	sld [smem:$0x3F99];
	s0 =	simm.s32 @p0 $0x1  }
0x13: {  	[smem:$0x3FB4] =	sst s0;
	s0 =	simm.s32 @!p1 $0x0  }
0x14: {  	s2 =	sld [smem:$0x3F98];
	s0 =	simm.s32 @p1 $0x1  }
0x15: {  	[smem:$0x3FB5] =	sst s0;
	s0 =	simm.s32 @!p2 $0x0  }
0x16: {  	s3 =	sld [smem:$0x3FDB];
	s0 =	simm.s32 @p2 $0x1  }
0x17: {  	s4 =	simm.s32 $0x1BF5;
	[smem:$0x3FB7] =	sst s0  }
0x18: {  	s0 =	sld [smem:$0x3F9A];
	_ =	swait.ge [sflag:s4], $0x0  }
0x19: {  	s7 =	sld [smem:$0x3F9B]  }
0x1a: {  	s8 =	sadd.s32 $0xFFFFE003, lr  }
0x1b: {  	s9 =	sadd.s32 $0xFFFFFEF7, lr;
	s5 =	simm.s32 $0xFFFFFFFF;
	p2 =	slt.u32 s8, $0xFFFFF086  }
0x1c: {  	p1 =	slt.u32 s9, $0xF7A;
	s5 =	simm.s32 @!p2 $0x0  }
0x1d: {  	s5 =	simm.s32 @p1 $0x1;
	p0 =	seq.s32 s7, s2  }
0x1e: {  	s7 =	smul.u32 @!p0 $0xF7A, s2;
	p2 =	seq.s32 @!p0 s5, $0x0  }
0x1f: {  	s9 =	smul.u32 $0xF7A, s1;
	s8 =	simm.s32 @!p0 $0x1BF5;
	p2 =	por !p2, p0  }
0x20: {  	[sflag:s8] =	ssyncset.s32 @!p0 $0xFFFFF086;
	s6 =	sadd.s32 @!p0 s3, s7;
	s7 =	simm.s32 @!p0 $0x108  }
0x21: {  	s3 =	sadd.s32 s3, s9;
	s6 =	sadd.s32 @!p0 $0x88, s6;
	s7 =	simm.s32 @p2 $0x1082  }
0x22: {  	[simem:s7], [sflag:s8] =	dma.local @!p0 [hbm:s6], $0xF7A  }
0x23: {  	s9 =	sor.u32 $0xD0000000, s2;
	s6 =	simm.s32 $0x108;
	_ =	swait.ge @!p0 [sflag:s8], $0x0  }
0x24: {  	s3 =	sadd.s32 $0x88, s3;
	s6 =	simm.s32 @!p1 $0x1082;
	[sflag:s4] =	ssyncset.s32 $0xFFFFF086  }
0x25: {  	[simem:s6], [sflag:s4] =	dma.local [hbm:s3], $0xF7A  }
0x26: {  	[smem:$0x3F9B] =	sst s1;
	(tag) =	ssettag s2;
	_ =	strace s9  }
0x27: {  	s1 =	sld [smem:$0x3FAB]  }
0x28: {  	s2 =	sld [smem:$0x3FAC]  }
0x29: {  	s4 =	sld [smem:$0x3FAE]  }
0x2a: {  	p0 =	seq.s32 s5, $0x0;
	s5 =	sld [smem:$0x3FAF]  }
0x2b: {  	s6 =	sld [smem:$0x3FB0]  }
0x2c: {  	s7 =	sld [smem:$0x3FB1]  }
0x2d: {  	s3 =	simm.s32 $0x108;
	s8 =	sld [smem:$0x3FB2]  }
0x2e: {  	s3 =	simm.s32 @!p0 $0x1082;
	s9 =	sld [smem:$0x3FB3]  }
0x2f: {  	lr =	sadd.s32 s0, s3;
	s0 =	sld [smem:$0x3FAA]  }
0x30: {  	s3 =	sld [smem:$0x3FAD]  }
0x31: {  	[smem:$0x3FB6] =	sst s10  }
0x32: {  	s10 =	sld [smem:$0x3FB4];
	_ =	sdelay $0x3  }
0x33: {  	p0 =	seq.s32 s10, $0x1;
	s10 =	sld [smem:$0x3FB6];
	_ =	sdelay $0x3  }
0x34: {  	[smem:$0x3FB6] =	sst s10  }
0x35: {  	s10 =	sld [smem:$0x3FB5];
	_ =	sdelay $0x3  }
0x36: {  	p1 =	seq.s32 s10, $0x1;
	s10 =	sld [smem:$0x3FB6];
	_ =	sdelay $0x3  }
0x37: {  	[smem:$0x3FB6] =	sst s10  }
0x38: {  	s10 =	sld [smem:$0x3FB7]  }
0x39: {  	_ = 	snop;
	(pc) =	sbr.ind lr, $3  }
0x3a: {  	_ = 	snop  }
0x3b: {  	_ = 	snop  }
0x3c: {  	p2 =	seq.s32 s10, $0x1;
	s10 =	sld [smem:$0x3FB6]  }
0x3d: {  	_ =	shalt  }
0x3e: {  	_ =	shalt  }
0x3f: {  	_ =	shalt  }
0x40: {  	_ =	shalt  }
0x41: {  	_ =	shalt  }
0x42: {  	_ =	shalt  }
0x43: {  	_ =	shalt  }
0x44: {  	_ =	shalt  }
0x45: {  	_ =	shalt  }
0x46: {  	_ =	shalt  }
0x47: {  	_ =	shalt  }
0x48: {  	_ =	shalt  }
0x49: {  	_ =	shalt  }
0x4a: {  	_ =	shalt  }
0x4b: {  	_ =	shalt  }
0x4c: {  	_ =	shalt  }
0x4d: {  	_ =	shalt  }
0x4e: {  	_ =	shalt  }
0x4f: {  	_ =	shalt  }
0x50: {  	_ =	shalt  }
0x51: {  	_ =	shalt  }
0x52: {  	_ =	shalt  }
0x53: {  	_ =	shalt  }
0x54: {  	_ =	shalt  }
0x55: {  	_ =	shalt  }
0x56: {  	_ =	shalt  }
0x57: {  	_ =	shalt  }
0x58: {  	_ =	shalt  }
0x59: {  	_ =	shalt  }
0x5a: {  	_ =	shalt  }
0x5b: {  	_ =	shalt  }
0x5c: {  	_ =	shalt  }
0x5d: {  	_ =	shalt  }
0x5e: {  	_ =	shalt  }
0x5f: {  	_ =	shalt  }
0x60: {  	_ =	shalt  }
0x61: {  	_ =	shalt  }
0x62: {  	_ =	shalt  }
0x63: {  	_ =	shalt  }
0x64: {  	_ =	shalt  }
0x65: {  	_ =	shalt  }
0x66: {  	_ =	shalt  }
0x67: {  	_ =	shalt  }
0x68: {  	_ =	shalt  }
0x69: {  	_ =	shalt  }
0x6a: {  	_ =	shalt  }
0x6b: {  	_ =	shalt  }
0x6c: {  	_ =	shalt  }
0x6d: {  	_ =	shalt  }
0x6e: {  	_ =	shalt  }
0x6f: {  	_ =	shalt  }
0x70: {  	_ =	shalt  }
0x71: {  	_ =	shalt  }
0x72: {  	_ =	shalt  }
0x73: {  	_ =	shalt  }
0x74: {  	_ =	shalt  }
0x75: {  	_ =	shalt  }
0x76: {  	_ =	shalt  }
0x77: {  	_ =	shalt  }
0x78: {  	_ =	shalt  }
0x79: {  	_ =	shalt  }
0x7a: {  	_ =	shalt  }
0x7b: {  	_ =	shalt  }
0x7c: {  	_ =	shalt  }
0x7d: {  	_ =	shalt  }
0x7e: {  	_ =	shalt  }
0x7f: {  	_ =	shalt  }
0x80: {  	_ =	shalt  }
0x81: {  	_ =	shalt  }
0x82: {  	_ =	shalt  }
0x83: {  	_ =	shalt  }
0x84: {  	_ =	shalt  }
0x85: {  	_ =	shalt  }
0x86: {  	_ =	shalt  }
0x87: {  	_ =	shalt  }
.Lfunc_end0:
.L_simem_size_0:
called_computation_lowered:
.L_overlay_start_0:
0x88: {  	s2 =	sld [smem:$0x3FD9]  }
0x89: {  	s3 =	sld [smem:$0x3FFE];
	_ =	sdelay $0x1  }
0x8a: {  	s1 =	srdreg.scid  }
0x8b: {  	s0 =	sand.u32 $0x1, s1  }
0x8c: {  	s17 =	sshll.u32 s0, $0xA;
	s2 =	sadd.s32 s3, s2  }
0x8d: {  	s2 =	sadd.s32 s2, s17  }
0x8e: {  	[smem:$0x3FC2] =	sst s2  }
0x8f: {  	_ = 	snop  }
0x90: {  	s2 =	sld [smem:$0x3FC8]  }
0x91: {  	s18 =	sld [smem:$0x3FC7]  }
0x92: {  	s4 =	sld [smem:$0x3FC5]  }
0x93: {  	s5 =	sld [smem:$0x3FC4]  }
0x94: {  	s6 =	sld [smem:$0x3FD0];
	(tm) =	ssettm $0x1  }
0x95: {  	s7 =	sld [smem:$0x3FFB];
	_ =	sdelay $0x3  }
0x96: {  	_ =	strace s7  }
0x97: {  	s7 =	sld [smem:$0x3FFC];
	_ =	sdelay $0x3  }
0x98: {  	_ =	strace s7  }
0x99: {  	s7 =	sld [smem:$0x3FFD];
	_ =	sdelay $0x3  }
0x9a: {  	_ =	strace s7  }
0x9b: {  	_ =	strace $0x8FFFFFFF  }
0x9c: {  	s19 =	sld [smem:$0x3FDB];
	_ =	sdelay $0x1  }
0x9d: {  	s8 =	simm.s32 $_scs_section_size  }
0x9e: {  	s9 =	simm.s32 $_size__tile_overlayer_lowered;
	s10 =	simm.s32 $_tile_overlayer_lowered  }
0x9f: {  	s22 =	simm.s32 $0x1BFF;
	s21 =	sshll.u32 s10, $0x1;
	s7 =	sadd.s32 s8, s19  }
0xa0: {  	s11 =	simm.s32 $0x0;
	s20 =	sshll.u32 s9, $0x1;
	s9 =	sadd.s32 s21, s7  }
0xa1: {  	[timem:s11], [sflag:s22] =	dma.local [hbm:s9], s20  }
0xa2: {  	_ =	swait.ge [sflag:s22], s20  }
0xa3: {  	s8 =	ssub.s32 $0x0, s20;
	[sflag:s22] =	ssyncset.done $0x0  }
0xa4: {  	[sflag:s22] =	ssyncadd.s32 s8;
	_ =	sdelay $0x1  }
0xa5: {  	s23 =	simm.s32 $0x1B8B  }
0xa6: {  	_ =	swait.ge [sflag:s23], $0x1  }
0xa7: {  	[sflag:s23] =	ssyncset.done $0x0  }
0xa8: {  	s25 =	simm.s32 $0x1B8E;
	s24 =	sld [smem:$0x3FFE];
	[sflag:s23] =	ssyncadd.s32 $0xFFFFFFFF  }
0xa9: {  	s26 =	simm.s32 $execute0_lowered;
	[smem:$0x3FD2] =	sst s25  }
0xaa: {  	s9 =	sshll.u32 s26, $0x1;
	_ =	strace $0x80000046;
	[dreg:$0x1] =	wrdreg $0xFFFFFFFF  }
0xab: {  	s28 =	simm.s32 $_size_execute0_lowered;
	s7 =	sadd.s32 s7, s9;
	[dreg:$0x0] =	wrdreg $0x0  }
0xac: {  	s9 =	sshll.u32 s28, $0x1;
	[dreg:$0x2] =	wrdreg s7  }
0xad: {  	[dreg:$0x3] =	wrdreg s9  }
0xae: {  	[dreg:$0x4] =	wrdreg $0xC0  }
0xaf: {  	_ =	task [dreg:s11], $0x5FFFF  }
0xb0: {  	[dreg:$0x1] =	wrdreg $0xFFFFFFFF  }
0xb1: {  	[dreg:$0x0] =	wrdreg $0x60  }
0xb2: {  	[dreg:$0x2] =	wrdreg s24  }
0xb3: {  	[dreg:$0x3] =	wrdreg s2  }
0xb4: {  	[dreg:$0x4] =	wrdreg s18  }
0xb5: {  	[dreg:$0x5] =	wrdreg s4  }
0xb6: {  	[dreg:$0x6] =	wrdreg s5  }
0xb7: {  	[dreg:$0x7] =	wrdreg s6  }
0xb8: {  	[dreg:$0x8] =	wrdreg $0x9  }
0xb9: {  	_ =	task.clear_ibuf [dreg:s11], $0x9FFFF;
	_ =	strace $0x90000046  }
0xba: {  	s29 =	simm.s32 $0x9;
	_ =	strace $0x80000048  }
0xbb: {  	_ =	swait.ge [sflag:s29], $0x1  }
0xbc: {  	[sflag:s29] =	ssyncadd.s32 $0xFFFFFFFF  }
0xbd: {  	_ =	strace $0x90000048  }
0xbe: {  	_ =	sfence  }
0xbf: {  	s30 =	sld [smem:$0x0];
	_ =	sdelay $0x2  }
0xc0: {  	s31 =	sshll.u32 s1, $0xD;
	s1 =	sshrl.u32 s1, $0x2  }
0xc1: {  	s3 =	sand.u32 $0x4000, s31;
	s1 =	sadd.s32 s1, s30  }
0xc2: {  	s0 =	sor.u32 s3, s0;
	s1 =	sshll.u32 s1, $0x11  }
0xc3: {  	s0 =	sor.u32 s1, s0  }
0xc4: {  	s0 =	sadd.s32 $0x8F2B, s0  }
0xc5: {  	[sflag:s0] =	ssyncadd.remote.s32 $0x1  }
0xc6: {  	_ =	sfence.sel $0xFFFF  }
0xc7: {  	[dreg:$0x0] =	wrdreg $0xFFFFFFFF;
	(pc) =	sbr.abs _section_cstart, $3  }
0xc8: {  	[dreg:$0x1] =	wrdreg $0xFFFFFFFF  }
0xc9: {  	_ =	task.clear_ibuf [dreg:s11], $0x2FFFF;
	_ =	strace $0x9FFFFFFF  }
0xca: {  	(tm) =	ssettm $0x7FFFFFFF  }
0xcb: {  	_ =	shalt  }
tec
execute0_lowered:
.L_overlay_start_1:
0x0: {  	(tag) =	ssettag $0x1  }
0x1: {  	s1 =	rddreg [dreg:$0x0]  }
0x2: {  	s0 =	rddreg [dreg:$0x1];
	s2 =	srdreg.scid  }
0x3: {  	s3 =	stileid.u32;
	s6 =	rddreg [dreg:$0x5]  }
0x4: {  	s7 =	simm.s32 $0x0;
	s18 =	simm.s32 $0x64;
	s21 =	simm.s32 $0x9A00  }
0x5: {  	s22 =	simm.s32 $0xCC00;
	s23 =	simm.s32 $0x1;
	s24 =	simm.s32 $0xFE00  }
0x6: {  	s28 =	simm.s32 $0x3;
	s2 =	sand.u32 $0x1, s2;
	s3 =	sshll.u32 s3, $0x1  }
0x7: {  	s29 =	simm.s32 $0x6;
	s30 =	simm.s32 $0x4;
	s3 =	sor.u32 s2, s3  }
0x8: {  	[smem:$0x7FF] =	sst s7;
	s2 =	ssub.s32 $0x2, s2;
	s4 =	smul.u32 $0xD00, s3  }
0x9: {  	_ =	strace $0x80000047;
	s8 =	smul.u32 $0x320000, s3;
	s26 =	sshrl.u32 s2, $0x1  }
0xa: {  	s3 =	simm.s32 $0x0;
	s25 =	sadd.s32 s4, s1;
	s1 =	sadd.s32 $0x400, s1  }
0xb: {  	[dreg:$0x7] =	wrdreg s1;
	s1 =	ssub.s32 s2, s26;
	s31 =	sadd.s32 $0x1200, s25  }
0xc: {  	s11 =	sor.u32 $0x3200, s8;
	[dreg:$0x8] =	wrdreg s31;
	s1 =	smax.u32 s1, $0x1  }
0xd: {  	s25 =	simm.s32 $0x2;
	s26 =	simm.s32 $0x5;
	[dreg:$0x9] =	wrdreg s1  }
.LBB2_1:
0xe: {  	[dreg:$0xa] =	wrdreg s3  }
0xf: {  	s1 =	rddreg [dreg:$0x8];
	s2 =	simm.s32 $0x9  }
0x10: {  	[tilespmem:s7], [sflag:$0x9] =	stream.linear.gather [hbm4b:s1+s7], $0x6800, $0x38;
	[tilespmem:$0x19580] =	vst v63  }
0x11: {  	_ =	swait.ge [sflag:s2], $0x6800  }
0x12: {  	[sflag:s2] =	ssyncset.done $0x0  }
0x13: {  	s14 =	simm.s32 $0x13000;
	s13 =	rddreg [dreg:$0x7];
	[sflag:s2] =	ssyncadd.s32 $0xFFFF9800  }
0x14: {  	[tilespmem:s14], [sflag:$0x9] =	stream.linear.gather [hbm4b:s13+s7], $0x6400, $0x38;
	[tilespmem:$0x19580] =	vst v63  }
0x15: {  	_ =	swait.ge [sflag:s2], $0x6400  }
0x16: {  	[sflag:s2] =	ssyncset.done $0x0  }
0x17: {  	[sflag:s2] =	ssyncadd.s32 $0xFFFF9C00  }
0x18: {  	s16 =	simm.s32 $0x19500;
	s15 =	rddreg [dreg:$0x2]  }
0x19: {  	[tilespmem:s16], [sflag:$0x9] =	stream.linear.gather [hbm4b:s15+s7], $0x80, $0x38;
	[tilespmem:$0x19580] =	vst v63  }
0x1a: {  	_ =	swait.ge [sflag:s2], $0x80  }
0x1b: {  	[sflag:s2] =	ssyncset.done $0x0  }
0x1c: {  	[sflag:s2] =	ssyncadd.s32 $0xFFFFFF80  }
0x1d: {  	s19 =	simm.s32 $0x19400;
	s17 =	rddreg [dreg:$0x3]  }
0x1e: {  	[tilespmem:s19], [sflag:$0x9] =	stream.linear.gather [hbm4b:s17+s7], $0x80, $0x38;
	[tilespmem:$0x19580] =	vst v63  }
0x1f: {  	_ =	swait.ge [sflag:s2], $0x80  }
0x20: {  	[sflag:s2] =	ssyncset.done $0x0  }
0x21: {  	[sflag:s2] =	ssyncadd.s32 $0xFFFFFF80  }
0x22: {  	s31 =	simm.s32 $0x19480;
	s20 =	rddreg [dreg:$0x4]  }
0x23: {  	[tilespmem:s31], [sflag:$0x9] =	stream.linear.gather [hbm4b:s20+s7], $0x80, $0x38;
	[tilespmem:$0x19580] =	vst v63  }
0x24: {  	_ =	swait.ge [sflag:s2], $0x80  }
0x25: {  	[sflag:s2] =	ssyncset.done $0x0  }
0x26: {  	[sflag:s2] =	ssyncadd.s32 $0xFFFFFF80  }
0x27: {  	v0 =	vld [tilespmem:$0x19500]  }
0x28: {  	v5 =	vld [tilespmem:$0x19510]  }
0x29: {  	v6 =	vld [tilespmem:$0x19520]  }
0x2a: {  	v4 =	vld [tilespmem:$0x19530]  }
0x2b: {  	v3 =	vld [tilespmem:$0x19540]  }
0x2c: {  	v2 =	vld [tilespmem:$0x19550]  }
0x2d: {  	v1 =	vld [tilespmem:$0x19560]  }
0x2e: {  	s2 =	simm.s32 $0x13080;
	v7 =	vld [tilespmem:$0x19570]  }
0x2f: {  	v8 =	vld [tilespmem:s2+$0x70]  }
0x30: {  	v9 =	vld [tilespmem:s2+$0xFFFFFF90]  }
0x31: {  	v10 =	vld [tilespmem:s2+$0xFFFFFFA0]  }
0x32: {  	v11 =	vld [tilespmem:s2+$0xFFFFFFB0]  }
0x33: {  	v12 =	vld [tilespmem:s2+$0xFFFFFFC0]  }
0x34: {  	v13 =	vld [tilespmem:s2+$0xFFFFFFD0];
	v8 =	vadd.f32 v8, v7  }
0x35: {  	v14 =	vld [tilespmem:s2+$0xFFFFFFE0];
	v9 =	vadd.f32 v9, v5  }
0x36: {  	v15 =	vld [tilespmem:s2+$0xFFFFFFF0];
	v10 =	vadd.f32 v10, v6;
	[tilespmem:s2+$0x70] =	vst v8  }
0x37: {  	[tilespmem:s2+$0xFFFFFF90] =	vst v9;
	v8 =	vadd.f32 v11, v4;
	v11 =	vld [tilespmem:s2+$0x0]  }
0x38: {  	[tilespmem:s2+$0xFFFFFFA0] =	vst v10;
	v9 =	vadd.f32 v12, v3;
	v12 =	vld [tilespmem:s2+$0x10]  }
0x39: {  	v16 =	vld [tilespmem:s2+$0x20];
	v10 =	vadd.f32 v13, v2;
	[tilespmem:s2+$0xFFFFFFB0] =	vst v8  }
0x3a: {  	v13 =	vadd.f32 v14, v1;
	[tilespmem:s2+$0xFFFFFFC0] =	vst v9;
	v8 =	vld [tilespmem:s2+$0x30]  }
0x3b: {  	v14 =	vadd.f32 v15, v7;
	[tilespmem:s2+$0xFFFFFFD0] =	vst v10;
	v9 =	vld [tilespmem:s2+$0x40]  }
0x3c: {  	[tilespmem:s2+$0xFFFFFFE0] =	vst v13;
	v10 =	vld [tilespmem:s2+$0x50];
	v15 =	vadd.f32 v11, v0  }
0x3d: {  	[tilespmem:s2+$0xFFFFFFF0] =	vst v14;
	v11 =	vld [tilespmem:s2+$0x60];
	v13 =	vadd.f32 v12, v5  }
0x3e: {  	s3 =	simm.s32 $0x0;
	s5 =	simm.s32 $0x13180;
	v14 =	vadd.f32 v16, v6;
	v12 =	vld [tilespmem:s2+$0xFFFFFF80];
	[tilespmem:s2+$0x0] =	vst v15  }
.LBB2_2:
0x3f: {  	v15 =	vld [tilespmem:s5+$0x70];
	s3 =	sadd.s32 $0x2, s3;
	[tilespmem:s2+$0x10] =	vst v13;
	v8 =	vadd.f32 v8, v4  }
0x40: {  	v13 =	vld [tilespmem:s5+$0xFFFFFF90];
	p0 =	slt.u32 s3, $0xC6;
	[tilespmem:s2+$0x20] =	vst v14;
	v9 =	vadd.f32 v9, v3  }
0x41: {  	v14 =	vld [tilespmem:s5+$0xFFFFFFA0];
	[tilespmem:s2+$0x30] =	vst v8;
	v8 =	vadd.f32 v10, v2  }
0x42: {  	v10 =	vld [tilespmem:s5+$0xFFFFFFB0];
	[tilespmem:s2+$0x40] =	vst v9;
	v9 =	vadd.f32 v11, v1  }
0x43: {  	v11 =	vld [tilespmem:s5+$0xFFFFFFC0];
	v12 =	vadd.f32 v12, v0;
	[tilespmem:s2+$0x50] =	vst v8  }
0x44: {  	v8 =	vld [tilespmem:s5+$0xFFFFFFD0];
	v15 =	vadd.f32 v15, v7;
	[tilespmem:s2+$0x60] =	vst v9  }
0x45: {  	v9 =	vadd.f32 v13, v5;
	v13 =	vld [tilespmem:s5+$0xFFFFFFE0];
	[tilespmem:s2+$0xFFFFFF80] =	vst v12;
	s2 =	smov.u32 s5  }
0x46: {  	v12 =	vadd.f32 v14, v6;
	v14 =	vld [tilespmem:s5+$0xFFFFFFF0];
	[tilespmem:s5+$0x70] =	vst v15  }
0x47: {  	[tilespmem:s5+$0xFFFFFF90] =	vst v9;
	v9 =	vadd.f32 v10, v4;
	v10 =	vld [tilespmem:s5+$0x0]  }
0x48: {  	[tilespmem:s5+$0xFFFFFFA0] =	vst v12;
	v11 =	vadd.f32 v11, v3;
	v12 =	vld [tilespmem:s5+$0x10]  }
0x49: {  	[tilespmem:s5+$0xFFFFFFB0] =	vst v9;
	v9 =	vadd.f32 v8, v2;
	v15 =	vld [tilespmem:s5+$0x20]  }
.Ltmp0:
0x4a: {  	[tilespmem:s5+$0xFFFFFFC0] =	vst v11;
	v11 =	vadd.f32 v13, v1;
	v8 =	vld [tilespmem:s5+$0x30];
	(pc) =	sbr.rel @p0 .LBB2_2-.Ltmp0, $4  }
0x4b: {  	[tilespmem:s5+$0xFFFFFFD0] =	vst v9;
	v13 =	vadd.f32 v14, v7;
	v9 =	vld [tilespmem:s5+$0x40]  }
0x4c: {  	[tilespmem:s5+$0xFFFFFFE0] =	vst v11;
	v14 =	vadd.f32 v10, v0;
	v10 =	vld [tilespmem:s5+$0x50]  }
0x4d: {  	[tilespmem:s5+$0xFFFFFFF0] =	vst v13;
	v13 =	vadd.f32 v12, v5;
	v11 =	vld [tilespmem:s5+$0x60]  }
0x4e: {  	s5 =	sadd.s32 $0x100, s5;
	v12 =	vld [tilespmem:s2+$0xFFFFFF80];
	[tilespmem:s2+$0x0] =	vst v14;
	v14 =	vadd.f32 v15, v6  }
0x4f: {  	[tilespmem:s2+$0x10] =	vst v13;
	v4 =	vadd.f32 v8, v4  }
0x50: {  	[tilespmem:s2+$0x20] =	vst v14;
	v3 =	vadd.f32 v9, v3  }
0x51: {  	[tilespmem:s2+$0x30] =	vst v4;
	v2 =	vadd.f32 v10, v2  }
0x52: {  	[tilespmem:s2+$0x40] =	vst v3;
	v1 =	vadd.f32 v11, v1  }
0x53: {  	v0 =	vadd.f32 v12, v0;
	[tilespmem:s2+$0x50] =	vst v2  }
0x54: {  	[tilespmem:s2+$0x60] =	vst v1  }
0x55: {  	[tilespmem:s2+$0xFFFFFF80] =	vst v0  }
0x56: {  	v0 =	vld [tilespmem:$0x19400]  }
0x57: {  	v1 =	vld [tilespmem:$0x19410]  }
0x58: {  	v2 =	vld [tilespmem:$0x19420]  }
0x59: {  	v3 =	vld [tilespmem:$0x19430]  }
0x5a: {  	v4 =	vld [tilespmem:$0x19440]  }
0x5b: {  	v5 =	vld [tilespmem:$0x19450]  }
0x5c: {  	v6 =	vld [tilespmem:$0x19460]  }
0x5d: {  	v7 =	vld [tilespmem:$0x19470]  }
0x5e: {  	v8 =	vld [tilespmem:$0x19480]  }
0x5f: {  	v9 =	vld [tilespmem:$0x19490]  }
0x60: {  	v10 =	vld [tilespmem:$0x194A0]  }
0x61: {  	v11 =	vld [tilespmem:$0x194B0]  }
0x62: {  	v12 =	vld [tilespmem:$0x194C0]  }
0x63: {  	v13 =	vld [tilespmem:$0x194D0]  }
0x64: {  	s1 =	simm.s32 $0x6800;
	s2 =	simm.s32 $0x0;
	v14 =	vld [tilespmem:$0x194E0]  }
0x65: {  	v15 =	vld [tilespmem:$0x194F0];
	[tilespmem:s1], [sflag:$0x1] =	stream.indirect.gather [hbm4b:s0+s18], $0x80, s2, s18, $0xb8  }
0x66: {  	s31 =	simm.s32 $0x68  }
0x67: {  	[tilespmem:s21], [sflag:$0x2] =	stream.indirect.gather [hbm4b:s0+s18], $0x80, s31, s18, $0xb8;
	[tilespmem:$0x19580] =	vst v63  }
.LBB2_4:
0x68: {  	s5 =	sshll.u32 s2, $0x2;
	p0 =	seq.s32 s2, $0x0  }
0x69: {  	s4 =	simm.s32 @!p0 $0x7;
	s3 =	sor.u32 $0x2, s5  }
0x6a: {  	_ =	swait.ge @!p0 [sflag:s4], $0x3200;
	s9 =	smul.u32 $0x1A0, s3  }
0x6b: {  	[sflag:s4] =	ssyncset.done @!p0 $0x0  }
0x6c: {  	[sflag:s4] =	ssyncadd.s32 @!p0 $0xFFFFCE00;
	s10 =	sshra.s32 s9, $0x2  }
0x6d: {  	[tilespmem:s22], [sflag:$0x3] =	stream.indirect.gather [hbm4b:s0+s18], $0x80, s10, s18, $0xb8;
	[tilespmem:$0x19580] =	vst v63  }
0x6e: {  	_ =	swait.ge [sflag:s23], $0x3200  }
0x6f: {  	[sflag:s23] =	ssyncset.done $0x0  }
0x70: {  	s14 =	simm.s32 $0x6880;
	[sflag:s23] =	ssyncadd.s32 $0xFFFFCE00  }
0x71: {  	s12 =	simm.s32 $0x13080;
	v16 =	vld [tilespmem:s14+$0x0]  }
0x72: {  	v17 =	vld [tilespmem:s12+$0x0]  }
0x73: {  	v18 =	vld [tilespmem:s14+$0x10]  }
0x74: {  	v19 =	vld [tilespmem:s12+$0x10]  }
0x75: {  	v20 =	vld [tilespmem:s14+$0x20]  }
0x76: {  	v21 =	vld [tilespmem:s12+$0x20]  }
0x77: {  	v22 =	vld [tilespmem:s14+$0x30]  }
0x78: {  	v23 =	vld [tilespmem:s12+$0x30]  }
0x79: {  	v24 =	vld [tilespmem:s14+$0x40]  }
0x7a: {  	v25 =	vld [tilespmem:s12+$0x40]  }
0x7b: {  	v26 =	vld [tilespmem:s14+$0x50]  }
0x7c: {  	v27 =	vld [tilespmem:s12+$0x50]  }
0x7d: {  	v28 =	vld [tilespmem:s14+$0x60]  }
0x7e: {  	v29 =	vld [tilespmem:s12+$0x60]  }
0x7f: {  	v30 =	vld [tilespmem:s14+$0x70]  }
0x80: {  	v31 =	vld [tilespmem:s12+$0x70];
	_ =	sdelay $0x1  }
0x81: {  	v32 =	vld [tilespmem:s12+$0xFFFFFF80];
	v46 =	vadd.f32 v17, v16;
	v45 =	vadd.f32 v19, v18  }
0x82: {  	v33 =	vld [tilespmem:s14+$0xFFFFFF90];
	v44 =	vadd.f32 v21, v20;
	v43 =	vadd.f32 v23, v22  }
0x83: {  	v34 =	vld [tilespmem:s12+$0xFFFFFFC0];
	v42 =	vadd.f32 v25, v24;
	v41 =	vadd.f32 v27, v26  }
0x84: {  	v37 =	vld [tilespmem:s14+$0xFFFFFFD0];
	v40 =	vadd.f32 v29, v28;
	v47 =	vadd.f32 v31, v30  }
0x85: {  	v16 =	vld [tilespmem:s12+$0xFFFFFF90];
	v18 =	vadd.f32 v45, v46;
	v21 =	vmul.f32 v46, v46;
	v22 =	vmul.f32 v45, v45  }
0x86: {  	v17 =	vld [tilespmem:s14+$0xFFFFFFA0];
	v23 =	vadd.f32 v43, v44;
	v25 =	vmul.f32 v44, v44;
	v26 =	vmul.f32 v43, v43  }
0x87: {  	v19 =	vld [tilespmem:s12+$0xFFFFFFA0];
	v27 =	vadd.f32 v41, v42;
	v29 =	vmul.f32 v42, v42;
	v30 =	vmul.f32 v41, v41  }
0x88: {  	v20 =	vld [tilespmem:s14+$0xFFFFFFB0];
	v31 =	vadd.f32 v47, v40;
	v35 =	vmul.f32 v40, v40;
	v36 =	vmul.f32 v47, v47  }
0x89: {  	v24 =	vld [tilespmem:s12+$0xFFFFFFB0];
	v21 =	vadd.f32 v22, v21;
	v22 =	vadd.f32 v26, v25  }
0x8a: {  	v28 =	vld [tilespmem:s14+$0xFFFFFFC0];
	v26 =	vadd.f32 v30, v29;
	v29 =	vadd.f32 v36, v35  }
0x8b: {  	v25 =	vld [tilespmem:s12+$0xFFFFFFD0];
	v18 =	vadd.f32 v23, v18;
	v23 =	vadd.f32 v31, v27  }
0x8c: {  	v27 =	vld [tilespmem:s14+$0xFFFFFFE0];
	v21 =	vadd.f32 v22, v21;
	v22 =	vadd.f32 v29, v26  }
0x8d: {  	v30 =	vld [tilespmem:s12+$0xFFFFFFE0];
	v23 =	vadd.f32 v23, v18  }
0x8e: {  	v21 =	vadd.f32 v22, v21;
	v22 =	vld [tilespmem:s14+$0xFFFFFF80]  }
0x8f: {  	v26 =	vld [tilespmem:s14+$0xFFFFFFF0];
	(xrf2) =	vadd.scan.msk.f32 $0xffff, v23  }
0x90: {  	v19 =	vadd.f32 v19, v17;
	v20 =	vadd.f32 v24, v20;
	v29 =	vld [tilespmem:s12+$0xFFFFFFF0]  }
0x91: {  	v18 =	vadd.f32 v16, v33;
	v16 =	vadd.f32 v34, v28;
	(xrf2) =	vadd.scan.msk.f32 $0xffff, v21  }
0x92: {  	v24 =	vmul.f32 v19, v19;
	v28 =	vmul.f32 v20, v20;
	v17 =	vadd.f32 v25, v37  }
0x93: {  	v21 =	vadd.f32 v30, v27;
	v30 =	vadd.f32 v32, v22  }
0x94: {  	v25 =	vadd.f32 v20, v19;
	v24 =	vadd.f32 v28, v24  }
0x95: {  	v31 =	vmul.f32 v18, v18;
	v23 =	vadd.f32 v29, v26;
	v32 =	vadd.f32 v18, v30  }
0x96: {  	v27 =	vmul.f32 v16, v16;
	v26 =	vmul.f32 v17, v17;
	v22 =	vadd.f32 v17, v16  }
0x97: {  	v29 =	vadd.f32 v23, v21;
	v54 =	vmul.f32 v30, v30;
	v25 =	vadd.f32 v25, v32  }
0x98: {  	v28 =	vmul.f32 v21, v21;
	v26 =	vadd.f32 v26, v27;
	v27 =	vmul.f32 v23, v23  }
0x99: {  	v22 =	vadd.f32 v29, v22;
	v29 =	vadd.f32 v31, v54;
	v31, _, _ =	vpop (xrf2)  }
0x9a: {  	v27 =	vadd.f32 v27, v28;
	(v2sf) =	vpush v31, $0xF  }
0x9b: {  	v22 =	vadd.f32 v22, v25;
	v24 =	vadd.f32 v24, v29;
	v25, _, _ =	vpop (xrf2)  }
0x9c: {  	(v2sf) =	vpush v25, $0xF;
	v25 =	vadd.f32 v27, v26  }
0x9d: {  	s16 =	simm.s32 $0x13180;
	(xrf2) =	vadd.scan.msk.f32 $0xffff, v22  }
0x9e: {  	s15 =	simm.s32 $0x6980;
	v55 =	vld [tilespmem:s16+$0x30];
	v22 =	vadd.f32 v25, v24  }
0x9f: {  	v56 =	vld [tilespmem:s15+$0x40]  }
0xa0: {  	v57 =	vld [tilespmem:s16+$0x40];
	(xrf2) =	vadd.scan.msk.f32 $0xffff, v22  }
0xa1: {  	v58 =	vld [tilespmem:s15+$0x50]  }
0xa2: {  	v59 =	vld [tilespmem:s16+$0x50]  }
0xa3: {  	v60 =	vld [tilespmem:s15+$0x60]  }
0xa4: {  	v39 =	vld [tilespmem:s15+$0x70]  }
0xa5: {  	v48 =	vld [tilespmem:s16+$0x70]  }
0xa6: {  	v50 =	vld [tilespmem:s15+$0xFFFFFF90]  }
0xa7: {  	v52 =	vld [tilespmem:s15+$0xFFFFFFA0];
	v27, _, _ =	vpop (xrf2)  }
0xa8: {  	v33 =	vld [tilespmem:s16+$0xFFFFFFA0];
	(v2sf) =	vpush v27, $0xF  }
0xa9: {  	v28 =	vld [tilespmem:s15+$0x20];
	s13 =	spop (v2sf)  }
0xaa: {  	v29 =	vld [tilespmem:s16+$0x20];
	s10 =	smul.f32 $7.812500000e-03, s13;
	v27, _, _ =	vpop (xrf2)  }
0xab: {  	v26 =	vld [tilespmem:s16+$0x10];
	s17 =	spop (v2sf);
	(v2sf) =	vpush v27, $0xF  }
0xac: {  	v25 =	vld [tilespmem:s15+$0x10];
	s19 =	smul.f32 s10, s10  }
0xad: {  	v31 =	vld [tilespmem:s15+$0x30];
	s4 =	smul.f32 $7.812500000e-03, s17  }
0xae: {  	v51 =	vld [tilespmem:s16+$0xFFFFFF90]  }
0xaf: {  	v24 =	vld [tilespmem:s16+$0x0];
	s4 =	ssub.f32 s4, s19  }
0xb0: {  	v22 =	vld [tilespmem:s15+$0x0]  }
0xb1: {  	v38 =	vld [tilespmem:s16+$0x60];
	v33 =	vadd.f32 v33, v52;
	v25 =	vadd.f32 v26, v25;
	s4 =	sadd.f32 $9.999999960e-13, s4  }
0xb2: {  	v49 =	vld [tilespmem:s16+$0xFFFFFF80];
	v26 =	vadd.f32 v29, v28;
	v29 =	vadd.f32 v55, v31  }
0xb3: {  	v62 =	vld [tilespmem:s16+$0xFFFFFFE0];
	v32 =	vadd.f32 v51, v50;
	v28 =	vadd.f32 v57, v56;
	s20 =	sshra.s32 s4, $0x1;
	s4 =	smul.f32 $-5.000000000e-01, s4  }
0xb4: {  	v34 =	vld [tilespmem:s15+$0xFFFFFFB0];
	v31 =	vadd.f32 v48, v39;
	v36 =	vadd.f32 v29, v26;
	v39 =	vmul.f32 v25, v25;
	s12 =	ssub.s32 $0x5F3759DF, s20  }
0xb5: {  	v52 =	vld [tilespmem:s16+$0xFFFFFFF0];
	v53 =	vmul.f32 v26, v26;
	v55 =	vmul.f32 v29, v29;
	v27 =	vadd.f32 v24, v22;
	s9 =	smul.f32 s12, s4  }
0xb6: {  	v54 =	vld [tilespmem:s15+$0xFFFFFFC0];
	v57 =	vmul.f32 v28, v28;
	v24 =	vadd.f32 v59, v58;
	v22 =	vadd.f32 v38, v60  }
0xb7: {  	v51 =	vld [tilespmem:s15+$0xFFFFFFD0];
	v53 =	vadd.f32 v55, v53;
	v35 =	vadd.f32 v25, v27;
	v37 =	vmul.f32 v27, v27;
	s17 =	spop (v2sf);
	s20 =	smul.f32 s12, s9  }
0xb8: {  	v55 =	vld [tilespmem:s15+$0xFFFFFFE0];
	v60 =	vmul.f32 v31, v31;
	v48 =	vadd.f32 v24, v28;
	v56 =	vadd.f32 v31, v22;
	s9 =	smul.f32 $7.812500000e-03, s17  }
0xb9: {  	v38 =	vld [tilespmem:s16+$0xFFFFFFB0];
	v59 =	vmul.f32 v24, v24;
	v50 =	vmul.f32 v22, v22;
	v37 =	vadd.f32 v39, v37;
	s1 =	sadd.f32 $1.500000000e+00, s20  }
0xba: {  	v58 =	vld [tilespmem:s16+$0xFFFFFFC0];
	v35 =	vadd.f32 v36, v35;
	v61 =	vadd.f32 v56, v48;
	s13 =	smul.f32 s9, s9;
	s31 =	spop (v2sf)  }
0xbb: {  	v39 =	vld [tilespmem:s16+$0xFFFFFFD0];
	v57 =	vadd.f32 v59, v57;
	v50 =	vadd.f32 v60, v50;
	s19 =	smul.f32 $7.812500000e-03, s31  }
0xbc: {  	v56 =	vld [tilespmem:s15+$0xFFFFFFF0];
	v36 =	vadd.f32 v61, v35;
	s12 =	smul.f32 s12, s1  }
0xbd: {  	v37 =	vadd.f32 v53, v37;
	v50 =	vadd.f32 v50, v57;
	v53 =	vld [tilespmem:s15+$0xFFFFFF80];
	s17 =	ssub.f32 s19, s13  }
0xbe: {  	v35 =	vadd.f32 v38, v34;
	(xrf2) =	vadd.scan.msk.f32 $0xffff, v36;
	s4 =	smul.f32 s12, s4  }
0xbf: {  	v63 =	vmul.f32 v33, v33;
	v34 =	vadd.f32 v58, v54;
	v37 =	vadd.f32 v50, v37;
	s17 =	sadd.f32 $9.999999960e-13, s17  }
0xc0: {  	v60 =	vmul.f32 v35, v35;
	v36 =	vadd.f32 v39, v51;
	v51 =	vadd.f32 v35, v33;
	s4 =	smul.f32 s4, s12  }
0xc1: {  	v61 =	vmul.f32 v34, v34;
	v38 =	vadd.f32 v52, v56;
	(xrf2) =	vadd.scan.msk.f32 $0xffff, v37;
	v37 =	vadd.f32 v62, v55;
	s1 =	sshra.s32 s17, $0x1;
	s17 =	smul.f32 $-5.000000000e-01, s17  }
0xc2: {  	v52 =	vadd.f32 v60, v63;
	v62 =	vmul.f32 v36, v36;
	v39 =	vadd.f32 v49, v53;
	s4 =	sadd.f32 $1.500000000e+00, s4;
	s20 =	ssub.s32 $0x5F3759DF, s1  }
0xc3: {  	v50 =	vmul.f32 v32, v32;
	v48 =	vadd.f32 v36, v34;
	v63 =	vadd.f32 v38, v37;
	s13 =	smul.f32 s20, s17  }
0xc4: {  	v49 =	vadd.f32 v62, v61;
	v60 =	vadd.f32 v32, v39;
	v61 =	vmul.f32 v39, v39;
	s4 =	smul.f32 s4, s12  }
0xc5: {  	v54 =	vmul.f32 v37, v37;
	v62 =	vmul.f32 v38, v38;
	v48 =	vadd.f32 v63, v48;
	s12 =	smul.f32 s20, s13  }
0xc6: {  	v51 =	vadd.f32 v51, v60;
	v50 =	vadd.f32 v50, v61  }
0xc7: {  	v63 =	vadd.f32 v62, v54;
	s10 =	smul.f32 s4, s10;
	s19 =	sadd.f32 $1.500000000e+00, s12  }
0xc8: {  	v48 =	vadd.f32 v48, v51;
	v50 =	vadd.f32 v52, v50;
	v58, _, _ =	vpop (xrf2);
	v47 =	vmul.f32 s4, v47  }
0xc9: {  	v61 =	vadd.f32 v63, v49;
	(v2sf) =	vpush v58, $0xF;
	v57 =	vmov s10;
	s12 =	smul.f32 s20, s19  }
0xca: {  	v46 =	vmul.f32 s4, v46;
	v45 =	vmul.f32 s4, v45;
	v47 =	vsub.f32 v47, v57  }
0xcb: {  	v63 =	vadd.f32 v61, v50;
	v59, _, _ =	vpop (xrf2);
	v44 =	vmul.f32 s4, v44;
	v43 =	vmul.f32 s4, v43;
	s10 =	smul.f32 s12, s17  }
0xcc: {  	(xrf2) =	vadd.scan.msk.f32 $0xffff, v48;
	(v2sf) =	vpush v59, $0xF;
	v60 =	vmul.f32 s4, v42;
	v47 =	vmul.f32 v47, v7  }
0xcd: {  	v41 =	vmul.f32 s4, v41;
	v46 =	vsub.f32 v46, v57;
	v62 =	vsub.f32 v45, v57;
	s20 =	smul.f32 s10, s12  }
0xce: {  	v40 =	vmul.f32 s4, v40;
	v42 =	vsub.f32 v44, v57;
	v47 =	vadd.f32 v47, v15  }
0xcf: {  	(xrf2) =	vadd.scan.msk.f32 $0xffff, v63;
	v44 =	vsub.f32 v43, v57;
	v43 =	vsub.f32 v60, v57;
	v45 =	vmul.f32 v46, v0;
	s31 =	sadd.f32 $1.500000000e+00, s20  }
0xd0: {  	v41 =	vsub.f32 v41, v57;
	v40 =	vsub.f32 v40, v57;
	v46 =	vmul.f32 v62, v1;
	s17 =	simm.s32 $0x2;
	[tilespmem:s14+$0x70] =	vst v47;
	s20 =	simm.s32 $0x6A80  }
.LBB2_5:
0xd1: {  	v47 =	vld [tilespmem:s20+$0x0];
	s16 =	sadd.s32 $0x100, s16;
	s4 =	smul.f32 s31, s12;
	v45 =	vadd.f32 v45, v8;
	v42 =	vmul.f32 v42, v2;
	v44 =	vmul.f32 v44, v3  }
0xd2: {  	v43 =	vmul.f32 v43, v4;
	v48 =	vld [tilespmem:s16+$0x0];
	v46 =	vadd.f32 v46, v9;
	v41 =	vmul.f32 v41, v5  }
0xd3: {  	v49 =	vld [tilespmem:s20+$0x10];
	s9 =	smul.f32 s4, s9;
	v50 =	vmul.f32 s4, v30;
	v51 =	vmul.f32 s4, v18;
	[tilespmem:s14+$0x0] =	vst v45;
	v42 =	vadd.f32 v42, v10;
	v18 =	vmovc v32;
	v30 =	vmovc v39  }
0xd4: {  	v39 =	vmul.f32 s4, v19;
	v45 =	vmul.f32 s4, v20;
	v44 =	vadd.f32 v44, v11;
	v19 =	vmovc v33;
	v20 =	vmovc v35;
	v32 =	vld [tilespmem:s16+$0x10];
	[tilespmem:s14+$0x10] =	vst v46  }
0xd5: {  	v52 =	vmul.f32 s4, v17;
	v17 =	vmovc v36;
	v46 =	vmul.f32 s4, v16;
	v16 =	vmovc v34;
	v33 =	vld [tilespmem:s20+$0x20];
	v35 =	vmov s9;
	[tilespmem:s14+$0x20] =	vst v42  }
0xd6: {  	v53 =	vmul.f32 s4, v23;
	v34 =	vld [tilespmem:s16+$0x20];
	v36, _, _ =	vpop (xrf2);
	v42 =	vsub.f32 v50, v35;
	v50 =	vmul.f32 s4, v21;
	[tilespmem:s14+$0x30] =	vst v44  }
0xd7: {  	v40 =	vmul.f32 v40, v6;
	v23 =	vmovc v38;
	v21 =	vmovc v37;
	v54 =	vld [tilespmem:s20+$0x30];
	(v2sf) =	vpush v36, $0xF;
	v36 =	vsub.f32 v51, v35  }
0xd8: {  	v39 =	vsub.f32 v39, v35;
	v37 =	vld [tilespmem:s16+$0x30];
	v38 =	vmul.f32 v42, v0;
	v42 =	vsub.f32 v45, v35  }
0xd9: {  	v44 =	vsub.f32 v46, v35;
	v46 =	vsub.f32 v52, v35;
	v45 =	vld [tilespmem:s20+$0x40];
	v36 =	vmul.f32 v36, v1  }
0xda: {  	v39 =	vmul.f32 v39, v2;
	v50 =	vsub.f32 v50, v35;
	v35 =	vsub.f32 v53, v35;
	v51 =	vld [tilespmem:s16+$0x40];
	v52, _, _ =	vpop (xrf2);
	s4 =	spop (v2sf)  }
0xdb: {  	v44 =	vmul.f32 v44, v4;
	v42 =	vmul.f32 v42, v3;
	v53 =	vld [tilespmem:s20+$0x50];
	s10 =	smul.f32 $7.812500000e-03, s4;
	(v2sf) =	vpush v52, $0xF;
	s4 =	spop (v2sf)  }
0xdc: {  	v46 =	vmul.f32 v46, v5;
	v38 =	vadd.f32 v38, v8;
	v50 =	vmul.f32 v50, v6;
	v52 =	vld [tilespmem:s16+$0x50];
	s4 =	smul.f32 $7.812500000e-03, s4  }
0xdd: {  	v39 =	vadd.f32 v39, v10;
	v35 =	vmul.f32 v35, v7;
	v36 =	vadd.f32 v36, v9;
	v55 =	vld [tilespmem:s20+$0x60];
	s9 =	smul.f32 s10, s10  }
0xde: {  	v56 =	vld [tilespmem:s16+$0x60];
	[tilespmem:s14+$0xFFFFFF80] =	vst v38;
	v38 =	vadd.f32 v42, v11;
	v42 =	vadd.f32 v44, v12  }
0xdf: {  	v57 =	vld [tilespmem:s20+$0x70];
	s4 =	ssub.f32 s4, s9;
	[tilespmem:s14+$0xFFFFFF90] =	vst v36;
	v36 =	vadd.f32 v46, v13;
	v46 =	vadd.f32 v50, v14  }
0xe0: {  	v35 =	vadd.f32 v35, v15;
	v50 =	vld [tilespmem:s16+$0x70];
	[tilespmem:s14+$0xFFFFFFA0] =	vst v39;
	v39 =	vadd.f32 v43, v12  }
0xe1: {  	v59 =	vadd.f32 v40, v14;
	v58 =	vld [tilespmem:s16+$0xFFFFFF80];
	s4 =	sadd.f32 $9.999999960e-13, s4;
	[tilespmem:s14+$0xFFFFFFB0] =	vst v38;
	v38 =	vadd.f32 v41, v13  }
0xe2: {  	v47 =	vadd.f32 v48, v47;
	v48 =	vadd.f32 v32, v49;
	v60 =	vld [tilespmem:s20+$0xFFFFFF90];
	[tilespmem:s14+$0xFFFFFFC0] =	vst v42  }
0xe3: {  	v44 =	vadd.f32 v34, v33;
	v41 =	vadd.f32 v37, v54;
	v32 =	vld [tilespmem:s16+$0xFFFFFF90];
	s9 =	sshra.s32 s4, $0x1;
	s12 =	smul.f32 $-5.000000000e-01, s4;
	[tilespmem:s14+$0xFFFFFFD0] =	vst v36  }
0xe4: {  	s17 =	sadd.s32 $0x2, s17;
	v43 =	vadd.f32 v51, v45;
	v42 =	vadd.f32 v52, v53;
	v33 =	vld [tilespmem:s20+$0xFFFFFFA0];
	s4 =	ssub.s32 $0x5F3759DF, s9;
	[tilespmem:s14+$0xFFFFFFE0] =	vst v46  }
0xe5: {  	p1 =	slt.u32 s17, $0x62;
	v40 =	vadd.f32 v56, v55;
	v34 =	vld [tilespmem:s16+$0xFFFFFFA0];
	v45 =	vadd.f32 v50, v57;
	s9 =	smul.f32 s4, s12;
	[tilespmem:s14+$0xFFFFFFF0] =	vst v35  }
0xe6: {  	v36 =	vadd.f32 v48, v47;
	v37 =	vadd.f32 v41, v44;
	v46 =	vmul.f32 v47, v47;
	v35 =	vld [tilespmem:s20+$0xFFFFFFB0];
	s31 =	spop (v2sf);
	[tilespmem:s14+$0x40] =	vst v39  }
0xe7: {  	v51 =	vmul.f32 v44, v44;
	v49 =	vadd.f32 v42, v43;
	v50 =	vmul.f32 v48, v48;
	v39 =	vld [tilespmem:s16+$0xFFFFFFB0];
	s1 =	smul.f32 s4, s9;
	[tilespmem:s14+$0x50] =	vst v38  }
0xe8: {  	v54 =	vmul.f32 v43, v43;
	v53 =	vmul.f32 v41, v41;
	v52 =	vadd.f32 v45, v40;
	s9 =	smul.f32 $7.812500000e-03, s31;
	v38 =	vld [tilespmem:s20+$0xFFFFFFC0];
	[tilespmem:s14+$0x60] =	vst v59;
	s14 =	smov.u32 s15;
	s15 =	smov.u32 s20  }
0xe9: {  	v56 =	vmul.f32 v42, v42;
	v57 =	vmul.f32 v40, v40;
	v32 =	vadd.f32 v32, v60;
	v55 =	vld [tilespmem:s16+$0xFFFFFFC0];
	s1 =	sadd.f32 $1.500000000e+00, s1  }
0xea: {  	v36 =	vadd.f32 v37, v36;
	v37 =	vadd.f32 v52, v49;
	v49 =	vmul.f32 v45, v45;
	s31 =	smul.f32 s9, s9;
	v59 =	vld [tilespmem:s20+$0xFFFFFFD0];
	s13 =	spop (v2sf)  }
0xeb: {  	v46 =	vadd.f32 v50, v46;
	v50 =	vadd.f32 v53, v51;
	v60 =	vmul.f32 v32, v32;
	v52 =	vld [tilespmem:s16+$0xFFFFFFD0];
	s1 =	smul.f32 s4, s1  }
0xec: {  	v53 =	vadd.f32 v56, v54;
	v49 =	vadd.f32 v49, v57;
	s4 =	smul.f32 $7.812500000e-03, s13;
	v51 =	vld [tilespmem:s20+$0xFFFFFFE0]  }
0xed: {  	v33 =	vadd.f32 v34, v33;
	v36 =	vadd.f32 v37, v36;
	v54 =	vld [tilespmem:s16+$0xFFFFFFE0];
	s12 =	smul.f32 s1, s12  }
0xee: {  	v37 =	vadd.f32 v50, v46;
	v46 =	vadd.f32 v49, v53;
	s4 =	ssub.f32 s4, s31;
	v56 =	vld [tilespmem:s20+$0xFFFFFFF0]  }
0xef: {  	v35 =	vadd.f32 v39, v35;
	v39 =	vmul.f32 v33, v33;
	v34 =	vadd.f32 v55, v38;
	v38 =	vld [tilespmem:s16+$0xFFFFFFF0];
	(xrf2) =	vadd.scan.msk.f32 $0xffff, v36;
	s12 =	smul.f32 s12, s1  }
0xf0: {  	v46 =	vadd.f32 v46, v37;
	s4 =	sadd.f32 $9.999999960e-13, s4;
	v49 =	vld [tilespmem:s20+$0xFFFFFF80];
	v36 =	vadd.f32 v52, v59  }
0xf1: {  	v50 =	vadd.f32 v35, v33;
	v52 =	vmul.f32 v35, v35;
	v53 =	vmul.f32 v34, v34;
	s12 =	sadd.f32 $1.500000000e+00, s12  }
0xf2: {  	s13 =	sshra.s32 s4, $0x1;
	s4 =	smul.f32 $-5.000000000e-01, s4;
	v37 =	vadd.f32 v54, v51;
	v51 =	vadd.f32 v36, v34;
	v54 =	vmul.f32 v36, v36;
	(xrf2) =	vadd.scan.msk.f32 $0xffff, v46  }
0xf3: {  	v46 =	vadd.f32 v52, v39;
	s13 =	ssub.s32 $0x5F3759DF, s13;
	s1 =	smul.f32 s12, s1  }
0xf4: {  	s12 =	smul.f32 s13, s4;
	v38 =	vadd.f32 v38, v56;
	v52 =	vmul.f32 v37, v37;
	v53 =	vadd.f32 v54, v53  }
0xf5: {  	v39 =	vadd.f32 v58, v49;
	s10 =	smul.f32 s1, s10;
	v49 =	vmul.f32 s1, v27;
	v54 =	vmul.f32 s1, v25;
	v27 =	vmovc v47;
	v25 =	vmovc v48  }
0xf6: {  	s12 =	smul.f32 s13, s12;
	v55 =	vmul.f32 s1, v31;
	v31 =	vmovc v45;
	v47 =	vadd.f32 v38, v37;
	v48 =	vmul.f32 v38, v38  }
0xf7: {  	v45 =	vadd.f32 v32, v39;
	v56 =	vmul.f32 v39, v39;
	v57 =	vmov s10  }
0xf8: {  	s10 =	sadd.f32 $1.500000000e+00, s12;
	v47 =	vadd.f32 v47, v51;
	v51 =	vmul.f32 s1, v26;
	v55 =	vsub.f32 v55, v57;
	v26 =	vmovc v44  }
0xf9: {  	v44 =	vadd.f32 v50, v45;
	v45 =	vadd.f32 v60, v56;
	v50, _, _ =	vpop (xrf2);
	v56 =	vmul.f32 s1, v29  }
0xfa: {  	v48 =	vadd.f32 v48, v52;
	v52 =	vmul.f32 s1, v28;
	v28 =	vmovc v43;
	s12 =	smul.f32 s13, s10;
	v29 =	vmovc v41;
	v55 =	vmul.f32 v55, v7  }
0xfb: {  	v41 =	vadd.f32 v47, v44;
	v43 =	vadd.f32 v46, v45;
	v47 =	vmul.f32 s1, v24;
	v24 =	vmovc v42  }
0xfc: {  	s4 =	smul.f32 s12, s4;
	(v2sf) =	vpush v50, $0xF;
	v42, _, _ =	vpop (xrf2);
	v50 =	vmul.f32 s1, v22;
	v44 =	vadd.f32 v55, v15  }
.Ltmp1:
0xfd: {  	v45 =	vadd.f32 v48, v53;
	v22 =	vmovc v40;
	(xrf2) =	vadd.scan.msk.f32 $0xffff, v41;
	(v2sf) =	vpush v42, $0xF;
	(pc) =	sbr.rel @p1 .LBB2_5-.Ltmp1, $4  }
0xfe: {  	v40 =	vsub.f32 v49, v57;
	s1 =	smul.f32 s4, s12;
	v41 =	vsub.f32 v54, v57;
	[tilespmem:s14+$0x70] =	vst v44  }
0xff: {  	v46 =	vadd.f32 v45, v43;
	v42 =	vsub.f32 v51, v57  }
0x100: {  	v43 =	vsub.f32 v52, v57;
	v45 =	vmul.f32 v40, v0;
	v44 =	vsub.f32 v56, v57;
	s31 =	sadd.f32 $1.500000000e+00, s1  }
0x101: {  	s20 =	sadd.s32 $0x100, s20;
	v40 =	vsub.f32 v50, v57;
	(xrf2) =	vadd.scan.msk.f32 $0xffff, v46;
	v46 =	vmul.f32 v41, v1;
	v41 =	vsub.f32 v47, v57  }
0x102: {  	_ =	sdelay $0x5  }
0x103: {  	v47, _, _ =	vpop (xrf2)  }
0x104: {  	(v2sf) =	vpush v47, $0xF;
	_ =	sdelay $0x1  }
0x105: {  	v51, _, _ =	vpop (xrf2)  }
0x106: {  	(v2sf) =	vpush v51, $0xF;
	_ =	sdelay $0x2  }
0x107: {  	s1 =	spop (v2sf)  }
0x108: {  	s16 =	smul.f32 $7.812500000e-03, s1;
	s17 =	spop (v2sf)  }
0x109: {  	s1 =	smul.f32 $7.812500000e-03, s17  }
0x10a: {  	s4 =	smul.f32 s16, s16;
	_ =	sdelay $0x1  }
0x10b: {  	s1 =	ssub.f32 s1, s4;
	_ =	sdelay $0x1  }
0x10c: {  	s1 =	sadd.f32 $9.999999960e-13, s1;
	_ =	sdelay $0x1  }
0x10d: {  	s19 =	sshra.s32 s1, $0x1;
	s1 =	smul.f32 $-5.000000000e-01, s1;
	s10 =	spop (v2sf)  }
0x10e: {  	s4 =	ssub.s32 $0x5F3759DF, s19;
	s10 =	smul.f32 $7.812500000e-03, s10  }
0x10f: {  	s13 =	smul.f32 s4, s1  }
0x110: {  	s17 =	smul.f32 s10, s10;
	s20 =	spop (v2sf)  }
0x111: {  	s20 =	smul.f32 $7.812500000e-03, s20  }
0x112: {  	s13 =	smul.f32 s4, s13  }
0x113: {  	s12 =	smul.f32 s31, s12;
	s17 =	ssub.f32 s20, s17  }
0x114: {  	v45 =	vadd.f32 v45, v8;
	v42 =	vmul.f32 v42, v2;
	v44 =	vmul.f32 v44, v3;
	s13 =	sadd.f32 $1.500000000e+00, s13  }
0x115: {  	v43 =	vmul.f32 v43, v4;
	v46 =	vadd.f32 v46, v9;
	v41 =	vmul.f32 v41, v5;
	s9 =	smul.f32 s12, s9;
	s17 =	sadd.f32 $9.999999960e-13, s17  }
0x116: {  	v30 =	vmul.f32 s12, v30;
	v18 =	vmul.f32 s12, v18;
	v42 =	vadd.f32 v42, v10;
	s4 =	smul.f32 s4, s13  }
0x117: {  	v19 =	vmul.f32 s12, v19;
	v20 =	vmul.f32 s12, v20;
	v44 =	vadd.f32 v44, v11;
	s20 =	sshra.s32 s17, $0x1;
	s13 =	smul.f32 $-5.000000000e-01, s17  }
0x118: {  	v16 =	vmul.f32 s12, v16;
	v41 =	vadd.f32 v41, v13;
	v52 =	vmov s9;
	s9 =	ssub.s32 $0x5F3759DF, s20  }
0x119: {  	v17 =	vmul.f32 s12, v17;
	v30 =	vsub.f32 v30, v52;
	v18 =	vsub.f32 v18, v52;
	s17 =	smul.f32 s9, s13  }
0x11a: {  	v21 =	vmul.f32 s12, v21;
	v19 =	vsub.f32 v19, v52;
	v20 =	vsub.f32 v20, v52;
	s1 =	smul.f32 s4, s1  }
0x11b: {  	v23 =	vmul.f32 s12, v23;
	v16 =	vsub.f32 v16, v52;
	v17 =	vsub.f32 v17, v52;
	s12 =	smul.f32 s9, s17  }
0x11c: {  	v21 =	vsub.f32 v21, v52;
	v30 =	vmul.f32 v30, v0;
	v18 =	vmul.f32 v18, v1;
	s1 =	smul.f32 s1, s4  }
0x11d: {  	v23 =	vsub.f32 v23, v52;
	v19 =	vmul.f32 v19, v2;
	v20 =	vmul.f32 v20, v3;
	s12 =	sadd.f32 $1.500000000e+00, s12  }
0x11e: {  	[tilespmem:s14+$0x0] =	vst v45;
	v16 =	vmul.f32 v16, v4;
	v17 =	vmul.f32 v17, v5;
	v30 =	vadd.f32 v30, v8;
	s1 =	sadd.f32 $1.500000000e+00, s1  }
0x11f: {  	[tilespmem:s14+$0x10] =	vst v46;
	v21 =	vmul.f32 v21, v6;
	v18 =	vadd.f32 v18, v9;
	v19 =	vadd.f32 v19, v10;
	s19 =	smul.f32 s9, s12  }
0x120: {  	[tilespmem:s14+$0x20] =	vst v42;
	v23 =	vmul.f32 v23, v7;
	v20 =	vadd.f32 v20, v11;
	v16 =	vadd.f32 v16, v12;
	s1 =	smul.f32 s1, s4  }
0x121: {  	v40 =	vmul.f32 v40, v6;
	[tilespmem:s14+$0x30] =	vst v44;
	v17 =	vadd.f32 v17, v13;
	v21 =	vadd.f32 v21, v14;
	s12 =	smul.f32 s19, s13  }
0x122: {  	v23 =	vadd.f32 v23, v15;
	[tilespmem:s14+$0xFFFFFF80] =	vst v30;
	s20 =	smul.f32 s1, s16;
	v31 =	vmul.f32 s1, v31;
	v27 =	vmul.f32 s1, v27  }
0x123: {  	v30 =	vadd.f32 v43, v12;
	[tilespmem:s14+$0xFFFFFFA0] =	vst v19;
	v19 =	vmul.f32 s1, v25;
	v25 =	vmul.f32 s1, v26;
	s16 =	smul.f32 s12, s19  }
0x124: {  	[tilespmem:s14+$0xFFFFFFB0] =	vst v20;
	v20 =	vmul.f32 s1, v29;
	v28 =	vmul.f32 s1, v28;
	v53 =	vmov s20  }
0x125: {  	[tilespmem:s14+$0xFFFFFFD0] =	vst v17;
	v24 =	vmul.f32 s1, v24;
	v26 =	vsub.f32 v31, v53;
	v27 =	vsub.f32 v27, v53;
	s9 =	sadd.f32 $1.500000000e+00, s16  }
0x126: {  	[tilespmem:s14+$0xFFFFFFE0] =	vst v21;
	v21 =	vmul.f32 s1, v22;
	v19 =	vsub.f32 v19, v53;
	v17 =	vsub.f32 v25, v53  }
0x127: {  	[tilespmem:s14+$0xFFFFFFC0] =	vst v16;
	v20 =	vsub.f32 v20, v53;
	v16 =	vmul.f32 v26, v7;
	v25 =	vmul.f32 v27, v0;
	s4 =	smul.f32 s9, s19  }
0x128: {  	[tilespmem:s14+$0xFFFFFF90] =	vst v18;
	v18 =	vadd.f32 v40, v14;
	v19 =	vmul.f32 v19, v1;
	v17 =	vmul.f32 v17, v2  }
0x129: {  	[tilespmem:s14+$0x50] =	vst v41;
	v20 =	vmul.f32 v20, v3;
	v16 =	vadd.f32 v16, v15;
	v22 =	vadd.f32 v25, v8;
	s17 =	smul.f32 s4, s10  }
0x12a: {  	[tilespmem:s14+$0xFFFFFFF0] =	vst v23;
	v19 =	vadd.f32 v19, v9;
	v17 =	vadd.f32 v17, v10;
	v23 =	vmul.f32 s4, v39  }
0x12b: {  	[tilespmem:s14+$0x40] =	vst v30;
	v20 =	vadd.f32 v20, v11;
	v25 =	vmul.f32 s4, v32;
	v27 =	vmov s17  }
0x12c: {  	[tilespmem:s14+$0x60] =	vst v18;
	v26 =	vmul.f32 s4, v33;
	v18 =	vmul.f32 s4, v35;
	v23 =	vsub.f32 v23, v27  }
0x12d: {  	[tilespmem:s15+$0x70] =	vst v16;
	v16 =	vmul.f32 s4, v34;
	v29 =	vmul.f32 s4, v36;
	v25 =	vsub.f32 v25, v27  }
0x12e: {  	[tilespmem:s15+$0x0] =	vst v22;
	v22 =	vmul.f32 s4, v37;
	v26 =	vsub.f32 v26, v27;
	v23 =	vmul.f32 v23, v0  }
0x12f: {  	[tilespmem:s15+$0x10] =	vst v19;
	v19 =	vmul.f32 s4, v38;
	v18 =	vsub.f32 v18, v27;
	v25 =	vmul.f32 v25, v1  }
0x130: {  	[tilespmem:s15+$0x20] =	vst v17;
	v16 =	vsub.f32 v16, v27;
	v17 =	vmul.f32 v26, v2;
	v23 =	vadd.f32 v23, v8  }
0x131: {  	[tilespmem:s15+$0x30] =	vst v20;
	v20 =	vsub.f32 v29, v27;
	v18 =	vmul.f32 v18, v3;
	v25 =	vadd.f32 v25, v9  }
0x132: {  	v22 =	vsub.f32 v22, v27;
	v16 =	vmul.f32 v16, v4;
	v17 =	vadd.f32 v17, v10;
	[tilespmem:s15+$0xFFFFFF80] =	vst v23  }
0x133: {  	v19 =	vsub.f32 v19, v27;
	v20 =	vmul.f32 v20, v5;
	v18 =	vadd.f32 v18, v11;
	[tilespmem:s15+$0xFFFFFF90] =	vst v25  }
0x134: {  	v22 =	vmul.f32 v22, v6;
	v16 =	vadd.f32 v16, v12;
	v23 =	vsub.f32 v28, v53;
	[tilespmem:s15+$0xFFFFFFA0] =	vst v17  }
0x135: {  	v19 =	vmul.f32 v19, v7;
	v20 =	vadd.f32 v20, v13;
	v17 =	vsub.f32 v24, v53;
	[tilespmem:s15+$0xFFFFFFB0] =	vst v18  }
0x136: {  	v22 =	vadd.f32 v22, v14;
	v18 =	vsub.f32 v21, v53;
	[tilespmem:s15+$0xFFFFFFC0] =	vst v16;
	v21 =	vmul.f32 v23, v4  }
0x137: {  	[tilespmem:s15+$0xFFFFFFD0] =	vst v20;
	v16 =	vmul.f32 v17, v5;
	v17 =	vadd.f32 v19, v15  }
0x138: {  	s14 =	smul.u32 $0xC800, s2;
	[tilespmem:s15+$0xFFFFFFE0] =	vst v22;
	v18 =	vmul.f32 v18, v6;
	v19 =	vadd.f32 v21, v12  }
0x139: {  	v16 =	vadd.f32 v16, v13;
	[tilespmem:s15+$0xFFFFFFF0] =	vst v17  }
0x13a: {  	s19 =	sadd.s32 s8, s14;
	v17 =	vadd.f32 v18, v14;
	[tilespmem:s15+$0x40] =	vst v19  }
0x13b: {  	s1 =	sshrl.u32 s19, $0x3;
	[tilespmem:s15+$0x50] =	vst v16  }
0x13c: {  	s20 =	simm.s32 $0x6800;
	s1 =	sadd.s32 s6, s1;
	[tilespmem:s15+$0x60] =	vst v17  }
0x13d: {  	[hbm4b:s1+s7] =	stream.linear.scatter [tilespmem:s20], [sflag:$0x5], $0x3200, $0x38;
	[tilespmem:$0x19580] =	vst v63  }
0x13e: {  	s5 =	sor.u32 $0x3, s5;
	s1 =	simm.s32 @!p0 $0x8  }
0x13f: {  	s9 =	smul.u32 $0x1A0, s5;
	_ =	swait.ge @!p0 [sflag:s1], $0x3200  }
0x140: {  	[sflag:s1] =	ssyncset.done @!p0 $0x0  }
0x141: {  	s10 =	sshra.s32 s9, $0x2;
	[sflag:s1] =	ssyncadd.s32 @!p0 $0xFFFFCE00  }
0x142: {  	[tilespmem:s24], [sflag:$0x4] =	stream.indirect.gather [hbm4b:s0+s18], $0x80, s10, s18, $0xb8;
	[tilespmem:$0x19580] =	vst v63  }
0x143: {  	_ =	swait.ge [sflag:s25], $0x3200  }
0x144: {  	[sflag:s25] =	ssyncset.done $0x0  }
0x145: {  	s15 =	simm.s32 $0x9AF0;
	[sflag:s25] =	ssyncadd.s32 $0xFFFFCE00  }
0x146: {  	s12 =	simm.s32 $0x162F0;
	v16 =	vld [tilespmem:s15+$0xFFFFFF90]  }
0x147: {  	v17 =	vld [tilespmem:s12+$0xFFFFFF90]  }
0x148: {  	v18 =	vld [tilespmem:s15+$0xFFFFFFA0]  }
0x149: {  	v19 =	vld [tilespmem:s12+$0xFFFFFFA0]  }
0x14a: {  	v20 =	vld [tilespmem:s15+$0xFFFFFFB0]  }
0x14b: {  	v21 =	vld [tilespmem:s12+$0xFFFFFFB0]  }
0x14c: {  	v22 =	vld [tilespmem:s15+$0xFFFFFFC0]  }
0x14d: {  	v23 =	vld [tilespmem:s12+$0xFFFFFFC0]  }
0x14e: {  	v24 =	vld [tilespmem:s15+$0xFFFFFFD0]  }
0x14f: {  	v25 =	vld [tilespmem:s12+$0xFFFFFFD0]  }
0x150: {  	v26 =	vld [tilespmem:s15+$0xFFFFFFE0]  }
0x151: {  	v27 =	vld [tilespmem:s12+$0xFFFFFFE0]  }
0x152: {  	v28 =	vld [tilespmem:s15+$0xFFFFFFF0]  }
0x153: {  	v29 =	vld [tilespmem:s12+$0xFFFFFFF0]  }
0x154: {  	v30 =	vld [tilespmem:s15+$0x0]  }
0x155: {  	v31 =	vld [tilespmem:s12+$0x0];
	_ =	sdelay $0x1  }
0x156: {  	v54 =	vld [tilespmem:s12+$0xFFFFFF10];
	v46 =	vadd.f32 v17, v16;
	v45 =	vadd.f32 v19, v18  }
0x157: {  	v55 =	vld [tilespmem:s15+$0xFFFFFF20];
	v44 =	vadd.f32 v21, v20;
	v43 =	vadd.f32 v23, v22  }
0x158: {  	v56 =	vld [tilespmem:s12+$0xFFFFFF50];
	v42 =	vadd.f32 v25, v24;
	v41 =	vadd.f32 v27, v26  }
0x159: {  	v59 =	vld [tilespmem:s15+$0xFFFFFF60];
	v40 =	vadd.f32 v29, v28;
	v47 =	vadd.f32 v31, v30  }
0x15a: {  	v16 =	vld [tilespmem:s12+$0xFFFFFF20];
	v17 =	vadd.f32 v45, v46;
	v21 =	vmul.f32 v46, v46;
	v22 =	vmul.f32 v45, v45  }
0x15b: {  	v18 =	vld [tilespmem:s15+$0xFFFFFF30];
	v23 =	vadd.f32 v43, v44;
	v25 =	vmul.f32 v44, v44;
	v26 =	vmul.f32 v43, v43  }
0x15c: {  	v19 =	vld [tilespmem:s12+$0xFFFFFF30];
	v27 =	vadd.f32 v41, v42;
	v29 =	vmul.f32 v42, v42;
	v30 =	vmul.f32 v41, v41  }
0x15d: {  	v20 =	vld [tilespmem:s15+$0xFFFFFF40];
	v31 =	vadd.f32 v47, v40;
	v57 =	vmul.f32 v40, v40;
	v58 =	vmul.f32 v47, v47  }
0x15e: {  	v24 =	vld [tilespmem:s12+$0xFFFFFF40];
	v21 =	vadd.f32 v22, v21;
	v22 =	vadd.f32 v26, v25  }
0x15f: {  	v28 =	vld [tilespmem:s15+$0xFFFFFF50];
	v26 =	vadd.f32 v30, v29;
	v29 =	vadd.f32 v58, v57  }
0x160: {  	v25 =	vld [tilespmem:s12+$0xFFFFFF60];
	v17 =	vadd.f32 v23, v17;
	v23 =	vadd.f32 v31, v27  }
0x161: {  	v27 =	vld [tilespmem:s15+$0xFFFFFF70];
	v21 =	vadd.f32 v22, v21  }
0x162: {  	v30 =	vld [tilespmem:s12+$0xFFFFFF70];
	v22 =	vadd.f32 v29, v26;
	v23 =	vadd.f32 v23, v17  }
0x163: {  	v26 =	vld [tilespmem:s15+$0xFFFFFF80]  }
0x164: {  	v21 =	vadd.f32 v22, v21;
	(xrf2) =	vadd.scan.msk.f32 $0xffff, v23;
	v22 =	vld [tilespmem:s15+$0xFFFFFF10]  }
0x165: {  	v19 =	vadd.f32 v19, v18;
	v29 =	vld [tilespmem:s12+$0xFFFFFF80]  }
0x166: {  	v20 =	vadd.f32 v24, v20  }
0x167: {  	v17 =	vadd.f32 v16, v55;
	v16 =	vadd.f32 v56, v28;
	v24 =	vmul.f32 v19, v19;
	(xrf2) =	vadd.scan.msk.f32 $0xffff, v21  }
0x168: {  	v28 =	vmul.f32 v20, v20;
	v18 =	vadd.f32 v25, v59;
	v25 =	vadd.f32 v20, v19  }
0x169: {  	v21 =	vadd.f32 v30, v27;
	v30 =	vadd.f32 v54, v22  }
0x16a: {  	v31 =	vmul.f32 v17, v17;
	v24 =	vadd.f32 v28, v24;
	v23 =	vadd.f32 v29, v26  }
0x16b: {  	v27 =	vmul.f32 v16, v16;
	v26 =	vmul.f32 v18, v18;
	v32 =	vadd.f32 v17, v30  }
0x16c: {  	v22 =	vadd.f32 v18, v16;
	v29 =	vadd.f32 v23, v21;
	v60 =	vmul.f32 v30, v30  }
0x16d: {  	v28 =	vmul.f32 v21, v21;
	v26 =	vadd.f32 v26, v27;
	v25 =	vadd.f32 v25, v32  }
0x16e: {  	v27 =	vmul.f32 v23, v23;
	v22 =	vadd.f32 v29, v22;
	v29 =	vadd.f32 v31, v60;
	v31, _, _ =	vpop (xrf2)  }
0x16f: {  	(v2sf) =	vpush v31, $0xF  }
0x170: {  	v27 =	vadd.f32 v27, v28;
	v22 =	vadd.f32 v22, v25  }
0x171: {  	v24 =	vadd.f32 v24, v29;
	v25, _, _ =	vpop (xrf2)  }
0x172: {  	(xrf2) =	vadd.scan.msk.f32 $0xffff, v22;
	(v2sf) =	vpush v25, $0xF;
	v25 =	vadd.f32 v27, v26  }
0x173: {  	s17 =	simm.s32 $0x163F0  }
0x174: {  	s16 =	simm.s32 $0x9BF0;
	v61 =	vld [tilespmem:s17+$0xFFFFFFC0];
	v22 =	vadd.f32 v25, v24  }
0x175: {  	v62 =	vld [tilespmem:s16+$0xFFFFFFD0]  }
0x176: {  	v63 =	vld [tilespmem:s17+$0xFFFFFFD0];
	(xrf2) =	vadd.scan.msk.f32 $0xffff, v22  }
0x177: {  	v48 =	vld [tilespmem:s17+$0x0]  }
0x178: {  	v50 =	vld [tilespmem:s16+$0xFFFFFF20]  }
0x179: {  	v51 =	vld [tilespmem:s17+$0xFFFFFF20]  }
0x17a: {  	v52 =	vld [tilespmem:s16+$0xFFFFFF30]  }
0x17b: {  	v33 =	vld [tilespmem:s17+$0xFFFFFF30]  }
0x17c: {  	v57 =	vld [tilespmem:s17+$0xFFFFFFE0];
	v27, _, _ =	vpop (xrf2)  }
0x17d: {  	v58 =	vld [tilespmem:s16+$0xFFFFFFF0];
	(v2sf) =	vpush v27, $0xF  }
0x17e: {  	v56 =	vld [tilespmem:s16+$0xFFFFFFE0];
	s13 =	spop (v2sf)  }
0x17f: {  	v28 =	vld [tilespmem:s16+$0xFFFFFFB0];
	s9 =	smul.f32 $7.812500000e-03, s13  }
0x180: {  	v29 =	vld [tilespmem:s17+$0xFFFFFFB0];
	v27, _, _ =	vpop (xrf2)  }
0x181: {  	v26 =	vld [tilespmem:s17+$0xFFFFFFA0];
	s19 =	spop (v2sf);
	(v2sf) =	vpush v27, $0xF;
	s20 =	smul.f32 s9, s9  }
0x182: {  	v25 =	vld [tilespmem:s16+$0xFFFFFFA0];
	s1 =	smul.f32 $7.812500000e-03, s19  }
0x183: {  	v31 =	vld [tilespmem:s16+$0xFFFFFFC0]  }
0x184: {  	v60 =	vld [tilespmem:s16+$0x0];
	s1 =	ssub.f32 s1, s20  }
0x185: {  	v24 =	vld [tilespmem:s17+$0xFFFFFF90]  }
0x186: {  	v22 =	vld [tilespmem:s16+$0xFFFFFF90];
	s1 =	sadd.f32 $9.999999960e-13, s1  }
0x187: {  	v33 =	vadd.f32 v33, v52;
	v59 =	vld [tilespmem:s17+$0xFFFFFFF0];
	v25 =	vadd.f32 v26, v25  }
0x188: {  	v49 =	vld [tilespmem:s17+$0xFFFFFF10];
	v26 =	vadd.f32 v29, v28;
	v29 =	vadd.f32 v61, v31;
	s10 =	sshra.s32 s1, $0x1;
	s1 =	smul.f32 $-5.000000000e-01, s1  }
0x189: {  	v34 =	vld [tilespmem:s16+$0xFFFFFF40];
	v32 =	vadd.f32 v51, v50;
	v28 =	vadd.f32 v63, v62;
	s4 =	ssub.s32 $0x5F3759DF, s10  }
0x18a: {  	v38 =	vld [tilespmem:s17+$0xFFFFFF40];
	v31 =	vadd.f32 v48, v60;
	v36 =	vadd.f32 v29, v26;
	v39 =	vmul.f32 v25, v25;
	s12 =	smul.f32 s4, s1  }
0x18b: {  	v52 =	vld [tilespmem:s17+$0xFFFFFF80];
	v53 =	vmul.f32 v26, v26;
	v55 =	vmul.f32 v29, v29;
	v27 =	vadd.f32 v24, v22  }
0x18c: {  	v54 =	vld [tilespmem:s16+$0xFFFFFF50];
	v60 =	vmul.f32 v31, v31;
	v24 =	vadd.f32 v57, v56;
	v22 =	vadd.f32 v59, v58;
	s13 =	spop (v2sf);
	s19 =	smul.f32 s4, s12  }
0x18d: {  	v51 =	vld [tilespmem:s16+$0xFFFFFF60];
	v53 =	vadd.f32 v55, v53;
	v35 =	vadd.f32 v25, v27;
	v37 =	vmul.f32 v27, v27;
	s10 =	smul.f32 $7.812500000e-03, s13  }
0x18e: {  	v62 =	vld [tilespmem:s17+$0xFFFFFF70];
	v57 =	vmul.f32 v28, v28;
	v48 =	vadd.f32 v24, v28;
	v56 =	vadd.f32 v31, v22;
	s20 =	sadd.f32 $1.500000000e+00, s19  }
0x18f: {  	v55 =	vld [tilespmem:s16+$0xFFFFFF70];
	v59 =	vmul.f32 v24, v24;
	v50 =	vmul.f32 v22, v22;
	v37 =	vadd.f32 v39, v37;
	s13 =	smul.f32 s10, s10  }
0x190: {  	v58 =	vld [tilespmem:s17+$0xFFFFFF50];
	v35 =	vadd.f32 v36, v35;
	v61 =	vadd.f32 v56, v48;
	s19 =	spop (v2sf);
	s4 =	smul.f32 s4, s20  }
0x191: {  	v39 =	vld [tilespmem:s17+$0xFFFFFF60];
	v57 =	vadd.f32 v59, v57;
	v50 =	vadd.f32 v60, v50;
	s20 =	smul.f32 $7.812500000e-03, s19  }
0x192: {  	v56 =	vld [tilespmem:s16+$0xFFFFFF80];
	v36 =	vadd.f32 v61, v35  }
0x193: {  	v37 =	vadd.f32 v53, v37;
	v50 =	vadd.f32 v50, v57;
	v53 =	vld [tilespmem:s16+$0xFFFFFF10];
	s12 =	ssub.f32 s20, s13  }
0x194: {  	v35 =	vadd.f32 v38, v34;
	(xrf2) =	vadd.scan.msk.f32 $0xffff, v36;
	s1 =	smul.f32 s4, s1  }
0x195: {  	v63 =	vmul.f32 v33, v33;
	v34 =	vadd.f32 v58, v54;
	v37 =	vadd.f32 v50, v37;
	s12 =	sadd.f32 $9.999999960e-13, s12  }
0x196: {  	v60 =	vmul.f32 v35, v35;
	v36 =	vadd.f32 v39, v51;
	v51 =	vadd.f32 v35, v33;
	s1 =	smul.f32 s1, s4  }
0x197: {  	v61 =	vmul.f32 v34, v34;
	v38 =	vadd.f32 v52, v56;
	(xrf2) =	vadd.scan.msk.f32 $0xffff, v37;
	v37 =	vadd.f32 v62, v55;
	s19 =	sshra.s32 s12, $0x1;
	s20 =	smul.f32 $-5.000000000e-01, s12  }
0x198: {  	v52 =	vadd.f32 v60, v63;
	v62 =	vmul.f32 v36, v36;
	v39 =	vadd.f32 v49, v53;
	s1 =	sadd.f32 $1.500000000e+00, s1;
	s19 =	ssub.s32 $0x5F3759DF, s19  }
0x199: {  	v50 =	vmul.f32 v32, v32;
	v48 =	vadd.f32 v36, v34;
	v63 =	vadd.f32 v38, v37;
	s13 =	smul.f32 s19, s20  }
0x19a: {  	v49 =	vadd.f32 v62, v61;
	v60 =	vadd.f32 v32, v39;
	v61 =	vmul.f32 v39, v39;
	s1 =	smul.f32 s1, s4  }
0x19b: {  	v54 =	vmul.f32 v37, v37;
	v62 =	vmul.f32 v38, v38;
	v48 =	vadd.f32 v63, v48;
	s4 =	smul.f32 s19, s13  }
0x19c: {  	v51 =	vadd.f32 v51, v60;
	v50 =	vadd.f32 v50, v61  }
0x19d: {  	v63 =	vadd.f32 v62, v54;
	s9 =	smul.f32 s1, s9;
	s4 =	sadd.f32 $1.500000000e+00, s4  }
0x19e: {  	v48 =	vadd.f32 v48, v51;
	v50 =	vadd.f32 v52, v50;
	v58, _, _ =	vpop (xrf2);
	v47 =	vmul.f32 s1, v47  }
0x19f: {  	v61 =	vadd.f32 v63, v49;
	(v2sf) =	vpush v58, $0xF;
	v57 =	vmov s9;
	s12 =	smul.f32 s19, s4  }
0x1a0: {  	v46 =	vmul.f32 s1, v46;
	v45 =	vmul.f32 s1, v45;
	v47 =	vsub.f32 v47, v57  }
0x1a1: {  	v63 =	vadd.f32 v61, v50;
	v59, _, _ =	vpop (xrf2);
	v44 =	vmul.f32 s1, v44;
	v43 =	vmul.f32 s1, v43;
	s4 =	smul.f32 s12, s20  }
0x1a2: {  	(xrf2) =	vadd.scan.msk.f32 $0xffff, v48;
	(v2sf) =	vpush v59, $0xF;
	v60 =	vmul.f32 s1, v42;
	v47 =	vmul.f32 v47, v7  }
0x1a3: {  	v41 =	vmul.f32 s1, v41;
	v46 =	vsub.f32 v46, v57;
	v62 =	vsub.f32 v45, v57;
	s19 =	smul.f32 s4, s12  }
0x1a4: {  	v40 =	vmul.f32 s1, v40;
	v42 =	vsub.f32 v44, v57;
	v47 =	vadd.f32 v47, v15  }
0x1a5: {  	(xrf2) =	vadd.scan.msk.f32 $0xffff, v63;
	v44 =	vsub.f32 v43, v57;
	v43 =	vsub.f32 v60, v57;
	v45 =	vmul.f32 v46, v0;
	s31 =	sadd.f32 $1.500000000e+00, s19  }
0x1a6: {  	s9 =	simm.s32 $0x9CF0;
	v41 =	vsub.f32 v41, v57;
	v40 =	vsub.f32 v40, v57;
	v46 =	vmul.f32 v62, v1;
	s20 =	simm.s32 $0x2;
	[tilespmem:s15+$0x0] =	vst v47  }
.LBB2_7:
0x1a7: {  	v47 =	vld [tilespmem:s9+$0xFFFFFF90];
	s17 =	sadd.s32 $0x100, s17;
	s1 =	smul.f32 s31, s12;
	v45 =	vadd.f32 v45, v8;
	v42 =	vmul.f32 v42, v2;
	v44 =	vmul.f32 v44, v3  }
0x1a8: {  	v43 =	vmul.f32 v43, v4;
	v48 =	vld [tilespmem:s17+$0xFFFFFF90];
	v46 =	vadd.f32 v46, v9;
	v41 =	vmul.f32 v41, v5  }
0x1a9: {  	v49 =	vld [tilespmem:s9+$0xFFFFFFA0];
	s4 =	smul.f32 s1, s10;
	v50 =	vmul.f32 s1, v30;
	v51 =	vmul.f32 s1, v17;
	[tilespmem:s15+$0xFFFFFF90] =	vst v45;
	v42 =	vadd.f32 v42, v10;
	v17 =	vmovc v32;
	v30 =	vmovc v39  }
0x1aa: {  	v39 =	vmul.f32 s1, v19;
	v45 =	vmul.f32 s1, v20;
	v44 =	vadd.f32 v44, v11;
	v19 =	vmovc v33;
	v20 =	vmovc v35;
	v32 =	vld [tilespmem:s17+$0xFFFFFFA0];
	[tilespmem:s15+$0xFFFFFFA0] =	vst v46  }
0x1ab: {  	v52 =	vmul.f32 s1, v18;
	v18 =	vmovc v36;
	v46 =	vmul.f32 s1, v16;
	v16 =	vmovc v34;
	v33 =	vld [tilespmem:s9+$0xFFFFFFB0];
	v35 =	vmov s4;
	[tilespmem:s15+$0xFFFFFFB0] =	vst v42  }
0x1ac: {  	v53 =	vmul.f32 s1, v23;
	v34 =	vld [tilespmem:s17+$0xFFFFFFB0];
	v36, _, _ =	vpop (xrf2);
	v42 =	vsub.f32 v50, v35;
	v50 =	vmul.f32 s1, v21;
	[tilespmem:s15+$0xFFFFFFC0] =	vst v44  }
0x1ad: {  	v40 =	vmul.f32 v40, v6;
	v23 =	vmovc v38;
	v21 =	vmovc v37;
	v54 =	vld [tilespmem:s9+$0xFFFFFFC0];
	(v2sf) =	vpush v36, $0xF;
	v36 =	vsub.f32 v51, v35  }
0x1ae: {  	v39 =	vsub.f32 v39, v35;
	v37 =	vld [tilespmem:s17+$0xFFFFFFC0];
	v38 =	vmul.f32 v42, v0;
	v42 =	vsub.f32 v45, v35  }
0x1af: {  	v44 =	vsub.f32 v46, v35;
	v46 =	vsub.f32 v52, v35;
	v45 =	vld [tilespmem:s9+$0xFFFFFFD0];
	v36 =	vmul.f32 v36, v1  }
0x1b0: {  	v39 =	vmul.f32 v39, v2;
	v50 =	vsub.f32 v50, v35;
	v35 =	vsub.f32 v53, v35;
	v51 =	vld [tilespmem:s17+$0xFFFFFFD0];
	v52, _, _ =	vpop (xrf2);
	s1 =	spop (v2sf)  }
0x1b1: {  	v44 =	vmul.f32 v44, v4;
	v42 =	vmul.f32 v42, v3;
	v53 =	vld [tilespmem:s9+$0xFFFFFFE0];
	s12 =	smul.f32 $7.812500000e-03, s1;
	(v2sf) =	vpush v52, $0xF;
	s1 =	spop (v2sf)  }
0x1b2: {  	v46 =	vmul.f32 v46, v5;
	v38 =	vadd.f32 v38, v8;
	v50 =	vmul.f32 v50, v6;
	v52 =	vld [tilespmem:s17+$0xFFFFFFE0];
	s1 =	smul.f32 $7.812500000e-03, s1  }
0x1b3: {  	v39 =	vadd.f32 v39, v10;
	v35 =	vmul.f32 v35, v7;
	v36 =	vadd.f32 v36, v9;
	v55 =	vld [tilespmem:s9+$0xFFFFFFF0];
	s4 =	smul.f32 s12, s12  }
0x1b4: {  	v56 =	vld [tilespmem:s17+$0xFFFFFFF0];
	[tilespmem:s15+$0xFFFFFF10] =	vst v38;
	v38 =	vadd.f32 v42, v11;
	v42 =	vadd.f32 v44, v12  }
0x1b5: {  	v57 =	vld [tilespmem:s9+$0x0];
	s1 =	ssub.f32 s1, s4;
	[tilespmem:s15+$0xFFFFFF20] =	vst v36;
	v36 =	vadd.f32 v46, v13;
	v46 =	vadd.f32 v50, v14  }
0x1b6: {  	v35 =	vadd.f32 v35, v15;
	v50 =	vld [tilespmem:s17+$0x0];
	[tilespmem:s15+$0xFFFFFF30] =	vst v39;
	v39 =	vadd.f32 v43, v12  }
0x1b7: {  	v59 =	vadd.f32 v40, v14;
	v58 =	vld [tilespmem:s17+$0xFFFFFF10];
	s1 =	sadd.f32 $9.999999960e-13, s1;
	[tilespmem:s15+$0xFFFFFF40] =	vst v38;
	v38 =	vadd.f32 v41, v13  }
0x1b8: {  	v47 =	vadd.f32 v48, v47;
	v48 =	vadd.f32 v32, v49;
	v60 =	vld [tilespmem:s9+$0xFFFFFF20];
	[tilespmem:s15+$0xFFFFFF50] =	vst v42  }
0x1b9: {  	v44 =	vadd.f32 v34, v33;
	v41 =	vadd.f32 v37, v54;
	v32 =	vld [tilespmem:s17+$0xFFFFFF20];
	s4 =	sshra.s32 s1, $0x1;
	s31 =	smul.f32 $-5.000000000e-01, s1;
	[tilespmem:s15+$0xFFFFFF60] =	vst v36  }
0x1ba: {  	s20 =	sadd.s32 $0x2, s20;
	v43 =	vadd.f32 v51, v45;
	v42 =	vadd.f32 v52, v53;
	v33 =	vld [tilespmem:s9+$0xFFFFFF30];
	s1 =	ssub.s32 $0x5F3759DF, s4;
	[tilespmem:s15+$0xFFFFFF70] =	vst v46  }
0x1bb: {  	p0 =	slt.u32 s20, $0x62;
	v40 =	vadd.f32 v56, v55;
	v34 =	vld [tilespmem:s17+$0xFFFFFF30];
	v45 =	vadd.f32 v50, v57;
	s4 =	smul.f32 s1, s31;
	[tilespmem:s15+$0xFFFFFF80] =	vst v35  }
0x1bc: {  	v36 =	vadd.f32 v48, v47;
	v37 =	vadd.f32 v41, v44;
	v46 =	vmul.f32 v47, v47;
	v35 =	vld [tilespmem:s9+$0xFFFFFF40];
	s10 =	spop (v2sf);
	[tilespmem:s15+$0xFFFFFFD0] =	vst v39  }
0x1bd: {  	v51 =	vmul.f32 v44, v44;
	v49 =	vadd.f32 v42, v43;
	v50 =	vmul.f32 v48, v48;
	v39 =	vld [tilespmem:s17+$0xFFFFFF40];
	s4 =	smul.f32 s1, s4;
	[tilespmem:s15+$0xFFFFFFE0] =	vst v38  }
0x1be: {  	v54 =	vmul.f32 v43, v43;
	v53 =	vmul.f32 v41, v41;
	v52 =	vadd.f32 v45, v40;
	s10 =	smul.f32 $7.812500000e-03, s10;
	v38 =	vld [tilespmem:s9+$0xFFFFFF50];
	[tilespmem:s15+$0xFFFFFFF0] =	vst v59;
	s15 =	smov.u32 s16;
	s16 =	smov.u32 s9  }
0x1bf: {  	v56 =	vmul.f32 v42, v42;
	v57 =	vmul.f32 v40, v40;
	v32 =	vadd.f32 v32, v60;
	v55 =	vld [tilespmem:s17+$0xFFFFFF50];
	s4 =	sadd.f32 $1.500000000e+00, s4  }
0x1c0: {  	v36 =	vadd.f32 v37, v36;
	v37 =	vadd.f32 v52, v49;
	v49 =	vmul.f32 v45, v45;
	s13 =	smul.f32 s10, s10;
	v59 =	vld [tilespmem:s9+$0xFFFFFF60];
	s19 =	spop (v2sf)  }
0x1c1: {  	v46 =	vadd.f32 v50, v46;
	v50 =	vadd.f32 v53, v51;
	v60 =	vmul.f32 v32, v32;
	v52 =	vld [tilespmem:s17+$0xFFFFFF60];
	s1 =	smul.f32 s1, s4  }
0x1c2: {  	v53 =	vadd.f32 v56, v54;
	v49 =	vadd.f32 v49, v57;
	s4 =	smul.f32 $7.812500000e-03, s19;
	v51 =	vld [tilespmem:s9+$0xFFFFFF70]  }
0x1c3: {  	v33 =	vadd.f32 v34, v33;
	v36 =	vadd.f32 v37, v36;
	v54 =	vld [tilespmem:s17+$0xFFFFFF70];
	s19 =	smul.f32 s1, s31  }
0x1c4: {  	v37 =	vadd.f32 v50, v46;
	v46 =	vadd.f32 v49, v53;
	s4 =	ssub.f32 s4, s13;
	v56 =	vld [tilespmem:s9+$0xFFFFFF80]  }
0x1c5: {  	v35 =	vadd.f32 v39, v35;
	v39 =	vmul.f32 v33, v33;
	v34 =	vadd.f32 v55, v38;
	v38 =	vld [tilespmem:s17+$0xFFFFFF80];
	(xrf2) =	vadd.scan.msk.f32 $0xffff, v36;
	s13 =	smul.f32 s19, s1  }
0x1c6: {  	v46 =	vadd.f32 v46, v37;
	s4 =	sadd.f32 $9.999999960e-13, s4;
	v49 =	vld [tilespmem:s9+$0xFFFFFF10];
	v36 =	vadd.f32 v52, v59  }
0x1c7: {  	v50 =	vadd.f32 v35, v33;
	v52 =	vmul.f32 v35, v35;
	v53 =	vmul.f32 v34, v34;
	s13 =	sadd.f32 $1.500000000e+00, s13  }
0x1c8: {  	s19 =	sshra.s32 s4, $0x1;
	s4 =	smul.f32 $-5.000000000e-01, s4;
	v37 =	vadd.f32 v54, v51;
	v51 =	vadd.f32 v36, v34;
	v54 =	vmul.f32 v36, v36;
	(xrf2) =	vadd.scan.msk.f32 $0xffff, v46  }
0x1c9: {  	v46 =	vadd.f32 v52, v39;
	s19 =	ssub.s32 $0x5F3759DF, s19;
	s1 =	smul.f32 s13, s1  }
0x1ca: {  	s13 =	smul.f32 s19, s4;
	v38 =	vadd.f32 v38, v56;
	v52 =	vmul.f32 v37, v37;
	v53 =	vadd.f32 v54, v53  }
0x1cb: {  	v39 =	vadd.f32 v58, v49;
	s12 =	smul.f32 s1, s12;
	v49 =	vmul.f32 s1, v27;
	v54 =	vmul.f32 s1, v25;
	v27 =	vmovc v47;
	v25 =	vmovc v48  }
0x1cc: {  	s13 =	smul.f32 s19, s13;
	v55 =	vmul.f32 s1, v31;
	v31 =	vmovc v45;
	v47 =	vadd.f32 v38, v37;
	v48 =	vmul.f32 v38, v38  }
0x1cd: {  	v45 =	vadd.f32 v32, v39;
	v56 =	vmul.f32 v39, v39;
	v57 =	vmov s12  }
0x1ce: {  	s12 =	sadd.f32 $1.500000000e+00, s13;
	v47 =	vadd.f32 v47, v51;
	v51 =	vmul.f32 s1, v26;
	v55 =	vsub.f32 v55, v57;
	v26 =	vmovc v44  }
0x1cf: {  	v44 =	vadd.f32 v50, v45;
	v45 =	vadd.f32 v60, v56;
	v50, _, _ =	vpop (xrf2);
	v56 =	vmul.f32 s1, v29  }
0x1d0: {  	v48 =	vadd.f32 v48, v52;
	v52 =	vmul.f32 s1, v28;
	v28 =	vmovc v43;
	s12 =	smul.f32 s19, s12;
	v29 =	vmovc v41;
	v55 =	vmul.f32 v55, v7  }
0x1d1: {  	v41 =	vadd.f32 v47, v44;
	v43 =	vadd.f32 v46, v45;
	v47 =	vmul.f32 s1, v24;
	v24 =	vmovc v42  }
0x1d2: {  	s4 =	smul.f32 s12, s4;
	(v2sf) =	vpush v50, $0xF;
	v42, _, _ =	vpop (xrf2);
	v50 =	vmul.f32 s1, v22;
	v44 =	vadd.f32 v55, v15  }
.Ltmp2:
0x1d3: {  	v45 =	vadd.f32 v48, v53;
	v22 =	vmovc v40;
	(xrf2) =	vadd.scan.msk.f32 $0xffff, v41;
	(v2sf) =	vpush v42, $0xF;
	(pc) =	sbr.rel @p0 .LBB2_7-.Ltmp2, $4  }
0x1d4: {  	v40 =	vsub.f32 v49, v57;
	s1 =	smul.f32 s4, s12;
	v41 =	vsub.f32 v54, v57;
	[tilespmem:s15+$0x0] =	vst v44  }
0x1d5: {  	v46 =	vadd.f32 v45, v43;
	v42 =	vsub.f32 v51, v57  }
0x1d6: {  	v43 =	vsub.f32 v52, v57;
	v45 =	vmul.f32 v40, v0;
	v44 =	vsub.f32 v56, v57;
	s31 =	sadd.f32 $1.500000000e+00, s1  }
0x1d7: {  	s9 =	sadd.s32 $0x100, s9;
	v40 =	vsub.f32 v50, v57;
	(xrf2) =	vadd.scan.msk.f32 $0xffff, v46;
	v46 =	vmul.f32 v41, v1;
	v41 =	vsub.f32 v47, v57  }
0x1d8: {  	_ =	sdelay $0x5  }
0x1d9: {  	v47, _, _ =	vpop (xrf2)  }
0x1da: {  	(v2sf) =	vpush v47, $0xF;
	_ =	sdelay $0x1  }
0x1db: {  	v59, _, _ =	vpop (xrf2)  }
0x1dc: {  	(v2sf) =	vpush v59, $0xF;
	_ =	sdelay $0x2  }
0x1dd: {  	s1 =	spop (v2sf)  }
0x1de: {  	s17 =	smul.f32 $7.812500000e-03, s1;
	s13 =	spop (v2sf)  }
0x1df: {  	s1 =	smul.f32 $7.812500000e-03, s13  }
0x1e0: {  	s4 =	smul.f32 s17, s17;
	_ =	sdelay $0x1  }
0x1e1: {  	s1 =	ssub.f32 s1, s4;
	_ =	sdelay $0x1  }
0x1e2: {  	s1 =	sadd.f32 $9.999999960e-13, s1;
	_ =	sdelay $0x1  }
0x1e3: {  	s19 =	sshra.s32 s1, $0x1;
	s1 =	smul.f32 $-5.000000000e-01, s1;
	s9 =	spop (v2sf)  }
0x1e4: {  	s4 =	ssub.s32 $0x5F3759DF, s19;
	s9 =	smul.f32 $7.812500000e-03, s9  }
0x1e5: {  	s13 =	smul.f32 s4, s1  }
0x1e6: {  	s19 =	smul.f32 s9, s9;
	s20 =	spop (v2sf)  }
0x1e7: {  	s20 =	smul.f32 $7.812500000e-03, s20  }
0x1e8: {  	s13 =	smul.f32 s4, s13  }
0x1e9: {  	s12 =	smul.f32 s31, s12;
	s19 =	ssub.f32 s20, s19  }
0x1ea: {  	v45 =	vadd.f32 v45, v8;
	v42 =	vmul.f32 v42, v2;
	v44 =	vmul.f32 v44, v3;
	s13 =	sadd.f32 $1.500000000e+00, s13  }
0x1eb: {  	v43 =	vmul.f32 v43, v4;
	v46 =	vadd.f32 v46, v9;
	v41 =	vmul.f32 v41, v5;
	s10 =	smul.f32 s12, s10;
	s19 =	sadd.f32 $9.999999960e-13, s19  }
0x1ec: {  	v30 =	vmul.f32 s12, v30;
	v17 =	vmul.f32 s12, v17;
	v42 =	vadd.f32 v42, v10;
	s4 =	smul.f32 s4, s13  }
0x1ed: {  	v19 =	vmul.f32 s12, v19;
	v20 =	vmul.f32 s12, v20;
	v44 =	vadd.f32 v44, v11;
	s20 =	sshra.s32 s19, $0x1;
	s13 =	smul.f32 $-5.000000000e-01, s19  }
0x1ee: {  	v16 =	vmul.f32 s12, v16;
	v41 =	vadd.f32 v41, v13;
	v60 =	vmov s10;
	s10 =	ssub.s32 $0x5F3759DF, s20  }
0x1ef: {  	v18 =	vmul.f32 s12, v18;
	v30 =	vsub.f32 v30, v60;
	v17 =	vsub.f32 v17, v60;
	s20 =	smul.f32 s10, s13  }
0x1f0: {  	v21 =	vmul.f32 s12, v21;
	v19 =	vsub.f32 v19, v60;
	v20 =	vsub.f32 v20, v60;
	s1 =	smul.f32 s4, s1  }
0x1f1: {  	v23 =	vmul.f32 s12, v23;
	v16 =	vsub.f32 v16, v60;
	v18 =	vsub.f32 v18, v60;
	s12 =	smul.f32 s10, s20  }
0x1f2: {  	v21 =	vsub.f32 v21, v60;
	v30 =	vmul.f32 v30, v0;
	v17 =	vmul.f32 v17, v1;
	s1 =	smul.f32 s1, s4  }
0x1f3: {  	v23 =	vsub.f32 v23, v60;
	v19 =	vmul.f32 v19, v2;
	v20 =	vmul.f32 v20, v3;
	s12 =	sadd.f32 $1.500000000e+00, s12  }
0x1f4: {  	[tilespmem:s15+$0xFFFFFF90] =	vst v45;
	v16 =	vmul.f32 v16, v4;
	v18 =	vmul.f32 v18, v5;
	v30 =	vadd.f32 v30, v8;
	s1 =	sadd.f32 $1.500000000e+00, s1  }
0x1f5: {  	[tilespmem:s15+$0xFFFFFFA0] =	vst v46;
	v21 =	vmul.f32 v21, v6;
	v17 =	vadd.f32 v17, v9;
	v19 =	vadd.f32 v19, v10;
	s19 =	smul.f32 s10, s12  }
0x1f6: {  	[tilespmem:s15+$0xFFFFFFB0] =	vst v42;
	v23 =	vmul.f32 v23, v7;
	v20 =	vadd.f32 v20, v11;
	v16 =	vadd.f32 v16, v12;
	s1 =	smul.f32 s1, s4  }
0x1f7: {  	v40 =	vmul.f32 v40, v6;
	[tilespmem:s15+$0xFFFFFFC0] =	vst v44;
	v18 =	vadd.f32 v18, v13;
	v21 =	vadd.f32 v21, v14;
	s12 =	smul.f32 s19, s13  }
0x1f8: {  	v23 =	vadd.f32 v23, v15;
	[tilespmem:s15+$0xFFFFFF10] =	vst v30;
	s20 =	smul.f32 s1, s17;
	v31 =	vmul.f32 s1, v31;
	v27 =	vmul.f32 s1, v27  }
0x1f9: {  	v30 =	vadd.f32 v43, v12;
	[tilespmem:s15+$0xFFFFFF30] =	vst v19;
	v19 =	vmul.f32 s1, v25;
	v25 =	vmul.f32 s1, v26;
	s13 =	smul.f32 s12, s19  }
0x1fa: {  	[tilespmem:s15+$0xFFFFFF40] =	vst v20;
	v20 =	vmul.f32 s1, v29;
	v28 =	vmul.f32 s1, v28;
	v61 =	vmov s20  }
0x1fb: {  	[tilespmem:s15+$0xFFFFFF60] =	vst v18;
	v24 =	vmul.f32 s1, v24;
	v26 =	vsub.f32 v31, v61;
	v27 =	vsub.f32 v27, v61;
	s10 =	sadd.f32 $1.500000000e+00, s13  }
0x1fc: {  	[tilespmem:s15+$0xFFFFFF70] =	vst v21;
	v21 =	vmul.f32 s1, v22;
	v19 =	vsub.f32 v19, v61;
	v18 =	vsub.f32 v25, v61  }
0x1fd: {  	[tilespmem:s15+$0xFFFFFF50] =	vst v16;
	v20 =	vsub.f32 v20, v61;
	v16 =	vmul.f32 v26, v7;
	v25 =	vmul.f32 v27, v0;
	s4 =	smul.f32 s10, s19  }
0x1fe: {  	[tilespmem:s15+$0xFFFFFF20] =	vst v17;
	v17 =	vadd.f32 v40, v14;
	v19 =	vmul.f32 v19, v1;
	v18 =	vmul.f32 v18, v2  }
0x1ff: {  	[tilespmem:s15+$0xFFFFFFE0] =	vst v41;
	v20 =	vmul.f32 v20, v3;
	v16 =	vadd.f32 v16, v15;
	v22 =	vadd.f32 v25, v8;
	s17 =	smul.f32 s4, s9  }
0x200: {  	[tilespmem:s15+$0xFFFFFF80] =	vst v23;
	v19 =	vadd.f32 v19, v9;
	v18 =	vadd.f32 v18, v10;
	v23 =	vmul.f32 s4, v39  }
0x201: {  	[tilespmem:s15+$0xFFFFFFD0] =	vst v30;
	v20 =	vadd.f32 v20, v11;
	v25 =	vmul.f32 s4, v32;
	v27 =	vmov s17  }
0x202: {  	[tilespmem:s15+$0xFFFFFFF0] =	vst v17;
	v26 =	vmul.f32 s4, v33;
	v17 =	vmul.f32 s4, v35;
	v23 =	vsub.f32 v23, v27  }
0x203: {  	[tilespmem:s16+$0x0] =	vst v16;
	v16 =	vmul.f32 s4, v34;
	v29 =	vmul.f32 s4, v36;
	v25 =	vsub.f32 v25, v27  }
0x204: {  	[tilespmem:s16+$0xFFFFFF90] =	vst v22;
	v22 =	vmul.f32 s4, v37;
	v26 =	vsub.f32 v26, v27;
	v23 =	vmul.f32 v23, v0  }
0x205: {  	[tilespmem:s16+$0xFFFFFFA0] =	vst v19;
	v19 =	vmul.f32 s4, v38;
	v17 =	vsub.f32 v17, v27;
	v25 =	vmul.f32 v25, v1  }
0x206: {  	[tilespmem:s16+$0xFFFFFFB0] =	vst v18;
	v16 =	vsub.f32 v16, v27;
	v18 =	vmul.f32 v26, v2;
	v23 =	vadd.f32 v23, v8  }
0x207: {  	[tilespmem:s16+$0xFFFFFFC0] =	vst v20;
	v20 =	vsub.f32 v29, v27;
	v17 =	vmul.f32 v17, v3;
	v25 =	vadd.f32 v25, v9  }
0x208: {  	v22 =	vsub.f32 v22, v27;
	v16 =	vmul.f32 v16, v4;
	v18 =	vadd.f32 v18, v10;
	[tilespmem:s16+$0xFFFFFF10] =	vst v23  }
0x209: {  	v19 =	vsub.f32 v19, v27;
	v20 =	vmul.f32 v20, v5;
	v17 =	vadd.f32 v17, v11;
	[tilespmem:s16+$0xFFFFFF20] =	vst v25  }
0x20a: {  	v22 =	vmul.f32 v22, v6;
	v16 =	vadd.f32 v16, v12;
	v23 =	vsub.f32 v28, v61;
	[tilespmem:s16+$0xFFFFFF30] =	vst v18  }
0x20b: {  	v19 =	vmul.f32 v19, v7;
	v20 =	vadd.f32 v20, v13;
	v18 =	vsub.f32 v24, v61;
	[tilespmem:s16+$0xFFFFFF40] =	vst v17  }
0x20c: {  	v22 =	vadd.f32 v22, v14;
	v17 =	vsub.f32 v21, v61;
	[tilespmem:s16+$0xFFFFFF50] =	vst v16;
	v21 =	vmul.f32 v23, v4  }
0x20d: {  	[tilespmem:s16+$0xFFFFFF60] =	vst v20;
	v16 =	vmul.f32 v18, v5;
	v18 =	vadd.f32 v19, v15  }
0x20e: {  	[tilespmem:s16+$0xFFFFFF70] =	vst v22;
	v17 =	vmul.f32 v17, v6;
	v19 =	vadd.f32 v21, v12  }
0x20f: {  	v16 =	vadd.f32 v16, v13;
	[tilespmem:s16+$0xFFFFFF80] =	vst v18  }
0x210: {  	s19 =	sadd.s32 s11, s14;
	v17 =	vadd.f32 v17, v14;
	[tilespmem:s16+$0xFFFFFFD0] =	vst v19  }
0x211: {  	s1 =	sshrl.u32 s19, $0x3;
	[tilespmem:s16+$0xFFFFFFE0] =	vst v16  }
0x212: {  	p0 =	seq.s32 s2, $0x3F;
	s1 =	sadd.s32 s6, s1;
	[tilespmem:s16+$0xFFFFFFF0] =	vst v17  }
0x213: {  	[hbm4b:s1+s7] =	stream.linear.scatter [tilespmem:s21], [sflag:$0x6], $0x3200, $0x38;
	[tilespmem:$0x19580] =	vst v63  }
0x214: {  	s1 =	smul.u32 @!p0 $0x680, s2  }
0x215: {  	_ =	swait.ge [sflag:s26], $0x3200  }
0x216: {  	s4 =	simm.s32 @!p0 $0x64;
	[sflag:s26] =	ssyncset.done $0x0;
	s14 =	sshra.s32 @!p0 s1, $0x2  }
0x217: {  	s9 =	simm.s32 @!p0 $0x6800;
	[sflag:s26] =	ssyncadd.s32 $0xFFFFCE00;
	s1 =	sadd.s32 @!p0 $0x1A0, s14  }
0x218: {  	[tilespmem:s9], [sflag:$0x1] =	stream.indirect.gather @!p0 [hbm4b:s0+s4], $0x80, s1, s4, $0xb8;
	[tilespmem:$0x19580] =	vst v63  }
0x219: {  	_ =	swait.ge [sflag:s28], $0x3200  }
0x21a: {  	[sflag:s28] =	ssyncset.done $0x0  }
0x21b: {  	s15 =	simm.s32 $0x0;
	[sflag:s28] =	ssyncadd.s32 $0xFFFFCE00  }
0x21c: {  	v16 =	vld [tilespmem:s15+$0xCC80]  }
0x21d: {  	v17 =	vld [tilespmem:s15+$0x13080]  }
0x21e: {  	v18 =	vld [tilespmem:s15+$0xCC90]  }
0x21f: {  	v19 =	vld [tilespmem:s15+$0x13090]  }
0x220: {  	v20 =	vld [tilespmem:s15+$0xCCA0]  }
0x221: {  	v21 =	vld [tilespmem:s15+$0x130A0]  }
0x222: {  	v22 =	vld [tilespmem:s15+$0xCCB0]  }
0x223: {  	v23 =	vld [tilespmem:s15+$0x130B0]  }
0x224: {  	v24 =	vld [tilespmem:s15+$0xCCC0]  }
0x225: {  	v25 =	vld [tilespmem:s15+$0x130C0]  }
0x226: {  	v26 =	vld [tilespmem:s15+$0xCCD0]  }
0x227: {  	v27 =	vld [tilespmem:s15+$0x130D0]  }
0x228: {  	v28 =	vld [tilespmem:s15+$0xCCE0]  }
0x229: {  	v29 =	vld [tilespmem:s15+$0x130E0]  }
0x22a: {  	v30 =	vld [tilespmem:s15+$0xCCF0]  }
0x22b: {  	v31 =	vld [tilespmem:s15+$0x130F0]  }
0x22c: {  	v62 =	vld [tilespmem:s15+$0xCC00]  }
0x22d: {  	v63 =	vld [tilespmem:s15+$0x13000]  }
0x22e: {  	v50 =	vld [tilespmem:s15+$0x13040];
	v46 =	vadd.f32 v17, v16;
	v45 =	vadd.f32 v19, v18  }
0x22f: {  	v52 =	vld [tilespmem:s15+$0xCC50];
	v44 =	vadd.f32 v21, v20;
	v43 =	vadd.f32 v23, v22  }
0x230: {  	v16 =	vld [tilespmem:s15+$0xCC10];
	v42 =	vadd.f32 v25, v24;
	v41 =	vadd.f32 v27, v26  }
0x231: {  	v17 =	vld [tilespmem:s15+$0x13010];
	v40 =	vadd.f32 v29, v28;
	v47 =	vadd.f32 v31, v30  }
0x232: {  	v18 =	vld [tilespmem:s15+$0xCC20];
	v20 =	vadd.f32 v45, v46;
	v21 =	vmul.f32 v46, v46;
	v23 =	vmul.f32 v45, v45  }
0x233: {  	v19 =	vld [tilespmem:s15+$0x13020];
	v24 =	vadd.f32 v43, v44;
	v25 =	vmul.f32 v44, v44;
	v27 =	vmul.f32 v43, v43  }
0x234: {  	v22 =	vld [tilespmem:s15+$0xCC30];
	v28 =	vadd.f32 v41, v42;
	v29 =	vmul.f32 v42, v42;
	v31 =	vmul.f32 v41, v41  }
0x235: {  	v26 =	vld [tilespmem:s15+$0x13030];
	v48 =	vadd.f32 v47, v40;
	v49 =	vmul.f32 v40, v40;
	v51 =	vmul.f32 v47, v47  }
0x236: {  	v30 =	vld [tilespmem:s15+$0xCC40];
	v21 =	vadd.f32 v23, v21;
	v23 =	vadd.f32 v27, v25  }
0x237: {  	v25 =	vld [tilespmem:s15+$0x13050];
	v27 =	vadd.f32 v31, v29;
	v29 =	vadd.f32 v51, v49  }
0x238: {  	v20 =	vadd.f32 v24, v20;
	v24 =	vadd.f32 v48, v28;
	v28 =	vld [tilespmem:s15+$0xCC60]  }
0x239: {  	v31 =	vld [tilespmem:s15+$0x13060];
	v21 =	vadd.f32 v23, v21;
	v23 =	vadd.f32 v29, v27  }
0x23a: {  	v24 =	vadd.f32 v24, v20;
	v27 =	vld [tilespmem:s15+$0xCC70]  }
0x23b: {  	v18 =	vadd.f32 v19, v18;
	v29 =	vld [tilespmem:s15+$0x13070];
	v23 =	vadd.f32 v23, v21  }
0x23c: {  	v19 =	vadd.f32 v26, v22;
	v20 =	vadd.f32 v63, v62;
	(xrf2) =	vadd.scan.msk.f32 $0xffff, v24  }
0x23d: {  	v53 =	vmul.f32 v18, v18;
	v21 =	vadd.f32 v17, v16;
	v17 =	vadd.f32 v50, v30;
	(xrf2) =	vadd.scan.msk.f32 $0xffff, v23  }
0x23e: {  	v24 =	vmul.f32 v20, v20;
	v30 =	vadd.f32 v19, v18;
	v16 =	vadd.f32 v25, v52  }
0x23f: {  	v25 =	vmul.f32 v21, v21;
	v26 =	vadd.f32 v21, v20;
	v23 =	vadd.f32 v31, v28  }
0x240: {  	v28 =	vmul.f32 v17, v17;
	v22 =	vadd.f32 v29, v27;
	v27 =	vmul.f32 v19, v19  }
0x241: {  	v29 =	vadd.f32 v16, v17;
	v31 =	vmul.f32 v16, v16;
	v24 =	vadd.f32 v25, v24  }
0x242: {  	v25 =	vmul.f32 v23, v23;
	v54 =	vmul.f32 v22, v22;
	v27 =	vadd.f32 v27, v53  }
0x243: {  	v26 =	vadd.f32 v30, v26;
	v30 =	vadd.f32 v22, v23  }
0x244: {  	s16 =	simm.s32 $0x100;
	v28 =	vadd.f32 v31, v28;
	v25 =	vadd.f32 v54, v25  }
0x245: {  	v55 =	vld [tilespmem:s16+$0x130B0];
	v29 =	vadd.f32 v30, v29  }
0x246: {  	v56 =	vld [tilespmem:s16+$0xCCC0];
	v24 =	vadd.f32 v27, v24;
	v25 =	vadd.f32 v25, v28;
	v27, _, _ =	vpop (xrf2)  }
0x247: {  	v57 =	vld [tilespmem:s16+$0x130C0];
	v26 =	vadd.f32 v29, v26;
	(v2sf) =	vpush v27, $0xF;
	v27, _, _ =	vpop (xrf2)  }
0x248: {  	v58 =	vld [tilespmem:s16+$0xCCD0];
	v24 =	vadd.f32 v25, v24;
	(v2sf) =	vpush v27, $0xF  }
0x249: {  	v59 =	vld [tilespmem:s16+$0x130D0];
	(xrf2) =	vadd.scan.msk.f32 $0xffff, v26  }
0x24a: {  	v60 =	vld [tilespmem:s16+$0xCCE0];
	(xrf2) =	vadd.scan.msk.f32 $0xffff, v24  }
0x24b: {  	v61 =	vld [tilespmem:s16+$0x130E0]  }
0x24c: {  	v34 =	vld [tilespmem:s16+$0xCC20]  }
0x24d: {  	v35 =	vld [tilespmem:s16+$0x13020]  }
0x24e: {  	v38 =	vld [tilespmem:s16+$0xCC30]  }
0x24f: {  	v49 =	vld [tilespmem:s16+$0xCC00]  }
0x250: {  	v50 =	vld [tilespmem:s16+$0x13000]  }
0x251: {  	v31 =	vld [tilespmem:s16+$0xCCB0]  }
0x252: {  	v30 =	vld [tilespmem:s16+$0x130A0]  }
0x253: {  	v54 =	vld [tilespmem:s16+$0x13030];
	v27, _, _ =	vpop (xrf2)  }
0x254: {  	v28 =	vld [tilespmem:s16+$0x13090];
	(v2sf) =	vpush v27, $0xF;
	v27, _, _ =	vpop (xrf2)  }
0x255: {  	v29 =	vld [tilespmem:s16+$0xCCA0];
	(v2sf) =	vpush v27, $0xF  }
0x256: {  	v25 =	vld [tilespmem:s16+$0x13080];
	s20 =	spop (v2sf)  }
0x257: {  	v24 =	vld [tilespmem:s16+$0xCC80];
	s10 =	smul.f32 $7.812500000e-03, s20;
	s4 =	spop (v2sf)  }
0x258: {  	v26 =	vld [tilespmem:s16+$0xCC90];
	s1 =	smul.f32 $7.812500000e-03, s4  }
0x259: {  	v48 =	vld [tilespmem:s16+$0x130F0];
	s9 =	smul.f32 s10, s10  }
0x25a: {  	v34 =	vadd.f32 v35, v34;
	v62 =	vld [tilespmem:s16+$0xCCF0];
	v32 =	vadd.f32 v50, v49  }
0x25b: {  	v35 =	vadd.f32 v54, v38;
	v29 =	vadd.f32 v30, v29;
	s1 =	ssub.f32 s1, s9  }
0x25c: {  	v30 =	vadd.f32 v61, v60;
	v27 =	vadd.f32 v25, v24  }
0x25d: {  	v25 =	vadd.f32 v28, v26;
	v26 =	vadd.f32 v55, v31;
	s1 =	sadd.f32 $9.999999960e-13, s1  }
0x25e: {  	v51 =	vld [tilespmem:s16+$0xCC10];
	v53 =	vmul.f32 v29, v29;
	v24 =	vadd.f32 v57, v56;
	v28 =	vadd.f32 v59, v58  }
0x25f: {  	v52 =	vld [tilespmem:s16+$0x13010];
	v31 =	vadd.f32 v48, v62;
	v58 =	vmul.f32 v30, v30;
	v63 =	vadd.f32 v25, v27;
	s12 =	sshra.s32 s1, $0x1;
	s1 =	smul.f32 $-5.000000000e-01, s1  }
0x260: {  	v49 =	vld [tilespmem:s16+$0xCC40];
	v60 =	vadd.f32 v26, v29;
	v37 =	vmul.f32 v27, v27;
	v39 =	vadd.f32 v28, v24;
	s4 =	ssub.s32 $0x5F3759DF, s12  }
0x261: {  	v54 =	vld [tilespmem:s16+$0x13070];
	v48 =	vmul.f32 v25, v25;
	v55 =	vadd.f32 v31, v30;
	v56 =	vmul.f32 v26, v26;
	s13 =	smul.f32 s4, s1  }
0x262: {  	v59 =	vld [tilespmem:s16+$0x13040];
	v57 =	vmul.f32 v24, v24;
	v50 =	vmul.f32 v28, v28;
	v36 =	vadd.f32 v60, v63  }
0x263: {  	v62 =	vld [tilespmem:s16+$0x13050];
	v33 =	vmul.f32 v31, v31;
	v37 =	vadd.f32 v48, v37;
	v61 =	vadd.f32 v56, v53;
	s17 =	spop (v2sf);
	s19 =	smul.f32 s4, s13  }
0x264: {  	v60 =	vld [tilespmem:s16+$0xCC50];
	v50 =	vadd.f32 v50, v57;
	v39 =	vadd.f32 v55, v39;
	s9 =	smul.f32 $7.812500000e-03, s17;
	s17 =	spop (v2sf)  }
0x265: {  	v63 =	vadd.f32 v33, v58;
	v33 =	vadd.f32 v52, v51;
	v51 =	vld [tilespmem:s16+$0xCC60];
	s13 =	smul.f32 $7.812500000e-03, s17;
	s20 =	sadd.f32 $1.500000000e+00, s19  }
0x266: {  	v52 =	vld [tilespmem:s16+$0x13060];
	v53 =	vmul.f32 v34, v34;
	v36 =	vadd.f32 v39, v36;
	s19 =	smul.f32 s9, s9  }
0x267: {  	v56 =	vmul.f32 v35, v35;
	v37 =	vadd.f32 v61, v37;
	v58 =	vadd.f32 v63, v50;
	v39 =	vld [tilespmem:s16+$0xCC70];
	s4 =	smul.f32 s4, s20  }
0x268: {  	(xrf2) =	vadd.scan.msk.f32 $0xffff, v36;
	s12 =	ssub.f32 s13, s19  }
0x269: {  	v53 =	vadd.f32 v56, v53;
	v61 =	vadd.f32 v58, v37;
	s1 =	smul.f32 s4, s1  }
0x26a: {  	v36 =	vadd.f32 v59, v49;
	v49 =	vadd.f32 v33, v32;
	s12 =	sadd.f32 $9.999999960e-13, s12  }
0x26b: {  	v37 =	vadd.f32 v62, v60;
	v62 =	vadd.f32 v35, v34;
	(xrf2) =	vadd.scan.msk.f32 $0xffff, v61;
	s1 =	smul.f32 s1, s4  }
0x26c: {  	v50 =	vmul.f32 v32, v32;
	v38 =	vadd.f32 v52, v51;
	v39 =	vadd.f32 v54, v39;
	s20 =	sshra.s32 s12, $0x1;
	s12 =	smul.f32 $-5.000000000e-01, s12  }
0x26d: {  	v63 =	vmul.f32 v36, v36;
	v60 =	vadd.f32 v37, v36;
	v61 =	vmul.f32 v37, v37;
	s13 =	ssub.s32 $0x5F3759DF, s20;
	s1 =	sadd.f32 $1.500000000e+00, s1  }
0x26e: {  	v48 =	vmul.f32 v33, v33;
	v49 =	vadd.f32 v62, v49;
	v54 =	vadd.f32 v39, v38;
	s17 =	smul.f32 s13, s12  }
0x26f: {  	v62 =	vmul.f32 v38, v38;
	v52 =	vadd.f32 v61, v63;
	v63 =	vmul.f32 v39, v39;
	s1 =	smul.f32 s1, s4  }
0x270: {  	v48 =	vadd.f32 v48, v50;
	v51 =	vadd.f32 v54, v60;
	s4 =	smul.f32 s13, s17  }
0x271: {  	v50 =	vadd.f32 v63, v62;
	s10 =	smul.f32 s1, s10  }
0x272: {  	v48 =	vadd.f32 v53, v48;
	v59 =	vadd.f32 v51, v49;
	v57, _, _ =	vpop (xrf2);
	v47 =	vmul.f32 s1, v47;
	s4 =	sadd.f32 $1.500000000e+00, s4  }
0x273: {  	v60 =	vadd.f32 v50, v52;
	(v2sf) =	vpush v57, $0xF;
	v56 =	vmov s10  }
0x274: {  	v46 =	vmul.f32 s1, v46;
	v45 =	vmul.f32 s1, v45;
	s31 =	smul.f32 s13, s4;
	v47 =	vsub.f32 v47, v56  }
0x275: {  	v48 =	vadd.f32 v60, v48;
	v62, _, _ =	vpop (xrf2);
	v44 =	vmul.f32 s1, v44;
	v58 =	vmul.f32 s1, v43  }
0x276: {  	(v2sf) =	vpush v62, $0xF;
	v61 =	vmul.f32 s1, v42;
	s4 =	smul.f32 s31, s12;
	v47 =	vmul.f32 v47, v7  }
0x277: {  	(xrf2) =	vadd.scan.msk.f32 $0xffff, v59;
	v63 =	vmul.f32 s1, v41;
	v46 =	vsub.f32 v46, v56;
	v45 =	vsub.f32 v45, v56  }
0x278: {  	v40 =	vmul.f32 s1, v40;
	v42 =	vsub.f32 v44, v56;
	s19 =	smul.f32 s4, s31;
	v47 =	vadd.f32 v47, v15  }
0x279: {  	(xrf2) =	vadd.scan.msk.f32 $0xffff, v48;
	v44 =	vsub.f32 v58, v56;
	v41 =	vsub.f32 v61, v56;
	v43 =	vmul.f32 v46, v0  }
0x27a: {  	s20 =	simm.s32 $0x800;
	s17 =	simm.s32 $0x2;
	v40 =	vsub.f32 v40, v56;
	v46 =	vmul.f32 v45, v1;
	v45 =	vsub.f32 v63, v56;
	s4 =	sadd.f32 $1.500000000e+00, s19;
	[tilespmem:s15+$0xCCF0] =	vst v47  }
.LBB2_9:
0x27b: {  	s12 =	sshra.s32 s20, $0x2;
	v43 =	vadd.f32 v43, v8;
	v42 =	vmul.f32 v42, v2;
	v44 =	vmul.f32 v44, v3  }
0x27c: {  	v41 =	vmul.f32 v41, v4;
	v47 =	vld [tilespmem:s12+$0xCC80];
	s1 =	smul.f32 s4, s31;
	v46 =	vadd.f32 v46, v9;
	v45 =	vmul.f32 v45, v5  }
0x27d: {  	v40 =	vmul.f32 v40, v6;
	v48 =	vld [tilespmem:s12+$0x13080];
	[tilespmem:s15+$0xCC80] =	vst v43;
	v42 =	vadd.f32 v42, v10;
	v43 =	vadd.f32 v44, v11  }
0x27e: {  	v41 =	vadd.f32 v41, v12;
	v44 =	vld [tilespmem:s12+$0xCC90];
	s4 =	smul.f32 s1, s9;
	v49 =	vmul.f32 s1, v20;
	v50 =	vmul.f32 s1, v21;
	[tilespmem:s15+$0xCC90] =	vst v46;
	v20 =	vmovc v32;
	v21 =	vmovc v33  }
0x27f: {  	v33 =	vmul.f32 s1, v18;
	v46 =	vmul.f32 s1, v19;
	v18 =	vmovc v34;
	v19 =	vmovc v35;
	v32 =	vld [tilespmem:s12+$0x13090];
	[tilespmem:s15+$0xCCA0] =	vst v42;
	v42 =	vadd.f32 v45, v13  }
0x280: {  	v51 =	vmul.f32 s1, v16;
	v16 =	vmovc v37;
	v45 =	vmul.f32 s1, v17;
	v17 =	vmovc v36;
	v34 =	vld [tilespmem:s12+$0xCCA0];
	v35 =	vmov s4;
	[tilespmem:s15+$0xCCB0] =	vst v43  }
0x281: {  	v52 =	vmul.f32 s1, v22;
	v36 =	vld [tilespmem:s12+$0x130A0];
	v37, _, _ =	vpop (xrf2);
	v53 =	vsub.f32 v49, v35;
	v49 =	vmul.f32 s1, v23;
	[tilespmem:s15+$0xCCC0] =	vst v41  }
0x282: {  	v22 =	vmovc v39;
	v23 =	vmov v38;
	v41 =	vld [tilespmem:s12+$0xCCB0];
	(v2sf) =	vpush v37, $0xF;
	v37 =	vsub.f32 v50, v35;
	[tilespmem:s15+$0xCCD0] =	vst v42  }
0x283: {  	v33 =	vsub.f32 v33, v35;
	v42 =	vsub.f32 v46, v35;
	v38 =	vld [tilespmem:s12+$0x130B0];
	v39 =	vmul.f32 v53, v0  }
0x284: {  	v45 =	vsub.f32 v45, v35;
	v50 =	vsub.f32 v51, v35;
	v46 =	vld [tilespmem:s12+$0xCCC0];
	v43, _, _ =	vpop (xrf2);
	v37 =	vmul.f32 v37, v1  }
0x285: {  	v33 =	vmul.f32 v33, v2;
	v51 =	vld [tilespmem:s12+$0x130C0];
	(v2sf) =	vpush v43, $0xF;
	s1 =	spop (v2sf);
	v43 =	vsub.f32 v49, v35  }
0x286: {  	v45 =	vmul.f32 v45, v4;
	v42 =	vmul.f32 v42, v3;
	v35 =	vsub.f32 v52, v35;
	v49 =	vld [tilespmem:s12+$0xCCD0];
	s10 =	smul.f32 $7.812500000e-03, s1;
	s1 =	spop (v2sf)  }
0x287: {  	v50 =	vmul.f32 v50, v5;
	v39 =	vadd.f32 v39, v8;
	v52 =	vld [tilespmem:s12+$0x130D0];
	s1 =	smul.f32 $7.812500000e-03, s1;
	v43 =	vmul.f32 v43, v6  }
0x288: {  	v33 =	vadd.f32 v33, v10;
	v37 =	vadd.f32 v37, v9;
	v35 =	vmul.f32 v35, v7;
	v53 =	vld [tilespmem:s12+$0xCCE0];
	s4 =	smul.f32 s10, s10  }
0x289: {  	v54 =	vld [tilespmem:s12+$0x130E0];
	[tilespmem:s15+$0xCC00] =	vst v39;
	v39 =	vadd.f32 v42, v11;
	v42 =	vadd.f32 v45, v12  }
0x28a: {  	v55 =	vld [tilespmem:s12+$0xCCF0];
	s1 =	ssub.f32 s1, s4;
	[tilespmem:s15+$0xCC10] =	vst v37;
	v37 =	vadd.f32 v50, v13;
	v50 =	vadd.f32 v43, v14  }
0x28b: {  	v56 =	vld [tilespmem:s12+$0x130F0];
	[tilespmem:s15+$0xCC20] =	vst v33;
	v33 =	vadd.f32 v35, v15;
	v35 =	vadd.f32 v40, v14  }
0x28c: {  	v57 =	vld [tilespmem:s12+$0xCC00];
	s1 =	sadd.f32 $9.999999960e-13, s1;
	[tilespmem:s15+$0xCC30] =	vst v39  }
0x28d: {  	v47 =	vadd.f32 v48, v47;
	v45 =	vadd.f32 v32, v44;
	v39 =	vld [tilespmem:s12+$0x13000];
	[tilespmem:s15+$0xCC40] =	vst v42  }
0x28e: {  	s17 =	sadd.s32 $0x2, s17;
	v43 =	vadd.f32 v38, v41;
	v42 =	vadd.f32 v36, v34;
	v48 =	vld [tilespmem:s12+$0xCC10];
	s4 =	sshra.s32 s1, $0x1;
	s31 =	smul.f32 $-5.000000000e-01, s1;
	[tilespmem:s15+$0xCC50] =	vst v37  }
0x28f: {  	p1 =	slt.u32 s17, $0x62;
	v44 =	vadd.f32 v51, v46;
	v41 =	vadd.f32 v52, v49;
	v34 =	vld [tilespmem:s12+$0x13010];
	s1 =	ssub.s32 $0x5F3759DF, s4;
	[tilespmem:s15+$0xCC60] =	vst v50  }
0x290: {  	v40 =	vadd.f32 v54, v53;
	v36 =	vld [tilespmem:s12+$0xCC20];
	v46 =	vadd.f32 v56, v55;
	s4 =	smul.f32 s1, s31;
	[tilespmem:s15+$0xCC70] =	vst v33  }
0x291: {  	v49 =	vmul.f32 v47, v47;
	v38 =	vadd.f32 v43, v42;
	v33 =	vadd.f32 v45, v47;
	v37 =	vld [tilespmem:s12+$0x13020];
	s9 =	spop (v2sf);
	[tilespmem:s15+$0xCCE0] =	vst v35;
	s15 =	smov.u32 s16;
	s16 =	smov.u32 s12  }
0x292: {  	v51 =	vmul.f32 v45, v45;
	v50 =	vadd.f32 v41, v44;
	v52 =	vmul.f32 v42, v42;
	v35 =	vld [tilespmem:s16+$0xCC30];
	s4 =	smul.f32 s1, s4  }
0x293: {  	v55 =	vmul.f32 v43, v43;
	v56 =	vmul.f32 v44, v44;
	v54 =	vadd.f32 v46, v40;
	s9 =	smul.f32 $7.812500000e-03, s9;
	v53 =	vld [tilespmem:s16+$0x13030]  }
0x294: {  	s4 =	sadd.f32 $1.500000000e+00, s4;
	s12 =	spop (v2sf)  }
0x295: {  	v58 =	vmul.f32 v40, v40;
	v32 =	vadd.f32 v39, v57;
	v57 =	vmul.f32 v41, v41;
	v39 =	vld [tilespmem:s16+$0xCC40];
	s12 =	smul.f32 $7.812500000e-03, s12  }
0x296: {  	v38 =	vadd.f32 v38, v33;
	v33 =	vmul.f32 v46, v46;
	v50 =	vadd.f32 v54, v50;
	v59 =	vld [tilespmem:s16+$0x13040];
	s1 =	smul.f32 s1, s4  }
0x297: {  	v49 =	vadd.f32 v51, v49;
	v51 =	vadd.f32 v55, v52;
	v60 =	vmul.f32 v32, v32;
	v54 =	vld [tilespmem:s16+$0xCC50];
	s4 =	smul.f32 s9, s9  }
0x298: {  	v55 =	vadd.f32 v57, v56;
	v56 =	vadd.f32 v33, v58;
	v52 =	vld [tilespmem:s16+$0x13050];
	s13 =	smul.f32 s1, s31  }
0x299: {  	v33 =	vadd.f32 v34, v48;
	v38 =	vadd.f32 v50, v38;
	v48 =	vld [tilespmem:s16+$0xCC60];
	s4 =	ssub.f32 s12, s4  }
0x29a: {  	v49 =	vadd.f32 v51, v49;
	v51 =	vadd.f32 v56, v55;
	v50 =	vld [tilespmem:s16+$0x13060];
	s12 =	smul.f32 s13, s1  }
0x29b: {  	v34 =	vadd.f32 v37, v36;
	v55 =	vmul.f32 v33, v33;
	v35 =	vadd.f32 v53, v35;
	v53 =	vld [tilespmem:s16+$0xCC70];
	(xrf2) =	vadd.scan.msk.f32 $0xffff, v38;
	s4 =	sadd.f32 $9.999999960e-13, s4  }
0x29c: {  	v36 =	vadd.f32 v59, v39;
	v38 =	vadd.f32 v51, v49;
	v39 =	vld [tilespmem:s16+$0x13070];
	s12 =	sadd.f32 $1.500000000e+00, s12  }
0x29d: {  	v49 =	vadd.f32 v33, v32;
	v51 =	vmul.f32 v34, v34;
	v37 =	vadd.f32 v52, v54;
	s13 =	sshra.s32 s4, $0x1;
	s4 =	smul.f32 $-5.000000000e-01, s4  }
0x29e: {  	v52 =	vadd.f32 v35, v34;
	v54 =	vmul.f32 v35, v35;
	v56 =	vmul.f32 v36, v36;
	(xrf2) =	vadd.scan.msk.f32 $0xffff, v38;
	s13 =	ssub.s32 $0x5F3759DF, s13;
	s1 =	smul.f32 s12, s1  }
0x29f: {  	v38 =	vadd.f32 v50, v48;
	v48 =	vadd.f32 v37, v36;
	v50 =	vmul.f32 v37, v37;
	s12 =	smul.f32 s13, s4  }
0x2a0: {  	v49 =	vadd.f32 v52, v49;
	v52 =	vadd.f32 v55, v60;
	s10 =	smul.f32 s1, s10  }
0x2a1: {  	v51 =	vadd.f32 v54, v51;
	v39 =	vadd.f32 v39, v53;
	v53 =	vmul.f32 v38, v38;
	s12 =	smul.f32 s13, s12  }
0x2a2: {  	v50 =	vadd.f32 v50, v56;
	v54 =	vmul.f32 s1, v27;
	v55 =	vmul.f32 s1, v31;
	v27 =	vmovc v47;
	v31 =	vmovc v46  }
0x2a3: {  	v46 =	vadd.f32 v39, v38;
	v57 =	vmul.f32 v39, v39;
	v56 =	vmov s10;
	s10 =	sadd.f32 $1.500000000e+00, s12  }
0x2a4: {  	v51 =	vadd.f32 v51, v52;
	v52 =	vmul.f32 s1, v25;
	v25 =	vmovc v45;
	v55 =	vsub.f32 v55, v56  }
0x2a5: {  	v45 =	vadd.f32 v46, v48;
	v46 =	vadd.f32 v57, v53;
	v47, _, _ =	vpop (xrf2);
	v48 =	vmul.f32 s1, v29;
	s31 =	smul.f32 s13, s10  }
0x2a6: {  	v53 =	vsub.f32 v54, v56;
	v54 =	vmul.f32 s1, v26;
	v29 =	vmovc v42;
	v26 =	vmovc v43;
	v55 =	vmul.f32 v55, v7  }
0x2a7: {  	v42 =	vadd.f32 v45, v49;
	v43 =	vadd.f32 v46, v50;
	v45 =	vmul.f32 s1, v24;
	v24 =	vmovc v44;
	s4 =	smul.f32 s31, s4  }
.Ltmp3:
0x2a8: {  	(v2sf) =	vpush v47, $0xF;
	v44, _, _ =	vpop (xrf2);
	v47 =	vmul.f32 s1, v28;
	v46 =	vadd.f32 v55, v15;
	(pc) =	sbr.rel @p1 .LBB2_9-.Ltmp3, $4  }
0x2a9: {  	v50 =	vmul.f32 s1, v30;
	v28 =	vmovc v41;
	v49 =	vadd.f32 v43, v51;
	(xrf2) =	vadd.scan.msk.f32 $0xffff, v42;
	(v2sf) =	vpush v44, $0xF  }
0x2aa: {  	s1 =	smul.f32 s4, s31;
	v43 =	vmul.f32 v53, v0;
	v51 =	vsub.f32 v52, v56;
	v42 =	vsub.f32 v48, v56;
	[tilespmem:s15+$0xCCF0] =	vst v46  }
0x2ab: {  	v30 =	vmov v40;
	v44 =	vsub.f32 v54, v56;
	v41 =	vsub.f32 v45, v56  }
0x2ac: {  	s20 =	sadd.s32 $0x400, s20;
	v40 =	vsub.f32 v50, v56;
	v45 =	vsub.f32 v47, v56;
	s4 =	sadd.f32 $1.500000000e+00, s1;
	v46 =	vmul.f32 v51, v1;
	(xrf2) =	vadd.scan.msk.f32 $0xffff, v49  }
0x2ad: {  	_ =	sdelay $0x7  }
0x2ae: {  	v47, _, _ =	vpop (xrf2)  }
0x2af: {  	(v2sf) =	vpush v47, $0xF;
	v59, _, _ =	vpop (xrf2)  }
0x2b0: {  	(v2sf) =	vpush v59, $0xF  }
0x2b1: {  	s1 =	spop (v2sf)  }
0x2b2: {  	s12 =	smul.f32 $7.812500000e-03, s1;
	s17 =	spop (v2sf)  }
0x2b3: {  	s1 =	smul.f32 $7.812500000e-03, s17  }
0x2b4: {  	s10 =	smul.f32 s12, s12;
	_ =	sdelay $0x1  }
0x2b5: {  	s1 =	ssub.f32 s1, s10;
	_ =	sdelay $0x1  }
0x2b6: {  	s1 =	sadd.f32 $9.999999960e-13, s1;
	_ =	sdelay $0x1  }
0x2b7: {  	s19 =	sshra.s32 s1, $0x1;
	s1 =	smul.f32 $-5.000000000e-01, s1  }
0x2b8: {  	s13 =	ssub.s32 $0x5F3759DF, s19  }
0x2b9: {  	s10 =	smul.f32 s13, s1;
	_ =	sdelay $0x1  }
0x2ba: {  	s17 =	spop (v2sf);
	s19 =	smul.f32 s13, s10  }
0x2bb: {  	s10 =	smul.f32 $7.812500000e-03, s17;
	s20 =	spop (v2sf)  }
0x2bc: {  	s17 =	smul.f32 $7.812500000e-03, s20  }
0x2bd: {  	s20 =	smul.f32 s10, s10  }
0x2be: {  	v43 =	vadd.f32 v43, v8;
	v42 =	vmul.f32 v42, v2;
	v44 =	vmul.f32 v44, v3;
	s4 =	smul.f32 s4, s31  }
0x2bf: {  	v41 =	vmul.f32 v41, v4;
	v46 =	vadd.f32 v46, v9;
	v45 =	vmul.f32 v45, v5;
	s17 =	ssub.f32 s17, s20  }
0x2c0: {  	v42 =	vadd.f32 v42, v10;
	v44 =	vadd.f32 v44, v11;
	s9 =	smul.f32 s4, s9;
	v20 =	vmul.f32 s4, v20;
	s19 =	sadd.f32 $1.500000000e+00, s19  }
0x2c1: {  	v41 =	vadd.f32 v41, v12;
	v21 =	vmul.f32 s4, v21;
	v18 =	vmul.f32 s4, v18;
	s17 =	sadd.f32 $9.999999960e-13, s17  }
0x2c2: {  	v19 =	vmul.f32 s4, v19;
	v45 =	vadd.f32 v45, v13;
	v60 =	vmov s9;
	s13 =	smul.f32 s13, s19  }
0x2c3: {  	v17 =	vmul.f32 s4, v17;
	v16 =	vmul.f32 s4, v16;
	v20 =	vsub.f32 v20, v60;
	s20 =	sshra.s32 s17, $0x1;
	s17 =	smul.f32 $-5.000000000e-01, s17  }
0x2c4: {  	v23 =	vmul.f32 s4, v23;
	v21 =	vsub.f32 v21, v60;
	v18 =	vsub.f32 v18, v60;
	s1 =	smul.f32 s13, s1;
	s9 =	ssub.s32 $0x5F3759DF, s20  }
0x2c5: {  	v22 =	vmul.f32 s4, v22;
	v19 =	vsub.f32 v19, v60;
	v17 =	vsub.f32 v17, v60;
	s31 =	smul.f32 s9, s17  }
0x2c6: {  	v16 =	vsub.f32 v16, v60;
	v20 =	vmul.f32 v20, v0;
	v21 =	vmul.f32 v21, v1;
	s1 =	smul.f32 s1, s13  }
0x2c7: {  	v23 =	vsub.f32 v23, v60;
	v18 =	vmul.f32 v18, v2;
	v19 =	vmul.f32 v19, v3;
	s4 =	smul.f32 s9, s31  }
0x2c8: {  	[tilespmem:s15+$0xCC80] =	vst v43;
	v22 =	vsub.f32 v22, v60;
	v17 =	vmul.f32 v17, v4;
	v16 =	vmul.f32 v16, v5;
	s1 =	sadd.f32 $1.500000000e+00, s1  }
0x2c9: {  	[tilespmem:s15+$0xCC90] =	vst v46;
	v23 =	vmul.f32 v23, v6;
	v20 =	vadd.f32 v20, v8;
	v21 =	vadd.f32 v21, v9;
	s4 =	sadd.f32 $1.500000000e+00, s4  }
0x2ca: {  	[tilespmem:s15+$0xCCA0] =	vst v42;
	v22 =	vmul.f32 v22, v7;
	v18 =	vadd.f32 v18, v10;
	v19 =	vadd.f32 v19, v11;
	s1 =	smul.f32 s1, s13  }
0x2cb: {  	v40 =	vmul.f32 v40, v6;
	[tilespmem:s15+$0xCCB0] =	vst v44;
	v17 =	vadd.f32 v17, v12;
	v16 =	vadd.f32 v16, v13;
	s4 =	smul.f32 s9, s4  }
0x2cc: {  	[tilespmem:s15+$0xCCC0] =	vst v41;
	v23 =	vadd.f32 v23, v14;
	v22 =	vadd.f32 v22, v15;
	s12 =	smul.f32 s1, s12;
	v31 =	vmul.f32 s1, v31  }
0x2cd: {  	[tilespmem:s15+$0xCC00] =	vst v20;
	v20 =	vadd.f32 v40, v14;
	v27 =	vmul.f32 s1, v27;
	v25 =	vmul.f32 s1, v25;
	s9 =	smul.f32 s4, s17  }
0x2ce: {  	[tilespmem:s15+$0xCC20] =	vst v18;
	v29 =	vmul.f32 s1, v29;
	v18 =	vmul.f32 s1, v24;
	v61 =	vmov s12  }
0x2cf: {  	[tilespmem:s15+$0xCC10] =	vst v21;
	v24 =	vmul.f32 s1, v28;
	v31 =	vsub.f32 v31, v61;
	v21 =	vsub.f32 v27, v61;
	s9 =	smul.f32 s9, s4  }
0x2d0: {  	[tilespmem:s15+$0xCCD0] =	vst v45;
	v26 =	vmul.f32 s1, v26;
	v25 =	vsub.f32 v25, v61;
	v28 =	vsub.f32 v29, v61  }
0x2d1: {  	[tilespmem:s15+$0xCC50] =	vst v16;
	v16 =	vsub.f32 v18, v61;
	v18 =	vsub.f32 v24, v61;
	v27 =	vmul.f32 v31, v7;
	s9 =	sadd.f32 $1.500000000e+00, s9  }
0x2d2: {  	[tilespmem:s15+$0xCC40] =	vst v17;
	v17 =	vmul.f32 v21, v0;
	v21 =	vsub.f32 v26, v61;
	v25 =	vmul.f32 v25, v1  }
0x2d3: {  	[tilespmem:s15+$0xCC30] =	vst v19;
	v24 =	vmul.f32 v28, v2;
	v19 =	vadd.f32 v27, v15;
	v27 =	vmul.f32 s1, v30;
	s1 =	smul.f32 s9, s4  }
0x2d4: {  	[tilespmem:s15+$0xCC60] =	vst v23;
	v16 =	vmul.f32 v16, v4;
	v17 =	vadd.f32 v17, v8;
	v21 =	vmul.f32 v21, v3  }
0x2d5: {  	[tilespmem:s15+$0xCC70] =	vst v22;
	v18 =	vmul.f32 v18, v5;
	v23 =	vadd.f32 v25, v9;
	v22 =	vadd.f32 v24, v10;
	s4 =	smul.f32 s1, s10  }
0x2d6: {  	[tilespmem:s15+$0xCCE0] =	vst v20;
	v16 =	vadd.f32 v16, v12;
	v20 =	vadd.f32 v21, v11;
	v21 =	vmul.f32 s1, v32  }
0x2d7: {  	v18 =	vadd.f32 v18, v13;
	[tilespmem:s16+$0xCCF0] =	vst v19;
	v24 =	vmul.f32 s1, v33;
	v25 =	vmov s4  }
0x2d8: {  	[tilespmem:s16+$0xCC80] =	vst v17;
	v19 =	vmul.f32 s1, v34;
	v17 =	vmul.f32 s1, v35;
	v21 =	vsub.f32 v21, v25  }
0x2d9: {  	[tilespmem:s16+$0xCC90] =	vst v23;
	v23 =	vmul.f32 s1, v36;
	v26 =	vmul.f32 s1, v37;
	v24 =	vsub.f32 v24, v25  }
0x2da: {  	[tilespmem:s16+$0xCCA0] =	vst v22;
	v22 =	vmul.f32 s1, v38;
	v19 =	vsub.f32 v19, v25;
	v21 =	vmul.f32 v21, v0  }
0x2db: {  	[tilespmem:s16+$0xCCB0] =	vst v20;
	v20 =	vmul.f32 s1, v39;
	v17 =	vsub.f32 v17, v25;
	v24 =	vmul.f32 v24, v1  }
0x2dc: {  	[tilespmem:s16+$0xCCC0] =	vst v16;
	v16 =	vsub.f32 v23, v25;
	v19 =	vmul.f32 v19, v2;
	v21 =	vadd.f32 v21, v8  }
0x2dd: {  	[tilespmem:s16+$0xCCD0] =	vst v18;
	v18 =	vsub.f32 v26, v25;
	v17 =	vmul.f32 v17, v3;
	v23 =	vadd.f32 v24, v9  }
0x2de: {  	v22 =	vsub.f32 v22, v25;
	v16 =	vmul.f32 v16, v4;
	v19 =	vadd.f32 v19, v10;
	[tilespmem:s16+$0xCC00] =	vst v21  }
0x2df: {  	v20 =	vsub.f32 v20, v25;
	v18 =	vmul.f32 v18, v5;
	v17 =	vadd.f32 v17, v11;
	[tilespmem:s16+$0xCC10] =	vst v23  }
0x2e0: {  	v22 =	vmul.f32 v22, v6;
	v16 =	vadd.f32 v16, v12;
	v21 =	vsub.f32 v27, v61;
	[tilespmem:s16+$0xCC20] =	vst v19  }
0x2e1: {  	v18 =	vadd.f32 v18, v13;
	v19 =	vmul.f32 v20, v7;
	[tilespmem:s16+$0xCC30] =	vst v17  }
0x2e2: {  	s12 =	smul.u32 $0x3200, s3;
	v20 =	vadd.f32 v22, v14;
	[tilespmem:s16+$0xCC40] =	vst v16;
	v17 =	vmul.f32 v21, v6  }
0x2e3: {  	[tilespmem:s16+$0xCC50] =	vst v18;
	v16 =	vadd.f32 v19, v15  }
0x2e4: {  	s1 =	sadd.s32 s8, s12;
	[tilespmem:s16+$0xCC60] =	vst v20;
	v17 =	vadd.f32 v17, v14  }
0x2e5: {  	s1 =	sshrl.u32 s1, $0x3;
	[tilespmem:s16+$0xCC70] =	vst v16  }
0x2e6: {  	s1 =	sadd.s32 s6, s1;
	[tilespmem:s16+$0xCCE0] =	vst v17  }
0x2e7: {  	[hbm4b:s1+s7] =	stream.linear.scatter [tilespmem:s22], [sflag:$0x7], $0x3200, $0x38;
	[tilespmem:$0x19580] =	vst v63  }
0x2e8: {  	_ =	swait.ge [sflag:s29], $0x3200  }
0x2e9: {  	s3 =	simm.s32 @!p0 $0x64;
	[sflag:s29] =	ssyncset.done $0x0  }
0x2ea: {  	s4 =	simm.s32 @!p0 $0x9A00;
	s1 =	sadd.s32 @!p0 $0x208, s14;
	[sflag:s29] =	ssyncadd.s32 $0xFFFFCE00  }
0x2eb: {  	[tilespmem:s4], [sflag:$0x2] =	stream.indirect.gather @!p0 [hbm4b:s0+s3], $0x80, s1, s3, $0xb8;
	[tilespmem:$0x19580] =	vst v63  }
0x2ec: {  	_ =	swait.ge [sflag:s30], $0x3200  }
0x2ed: {  	[sflag:s30] =	ssyncset.done $0x0  }
0x2ee: {  	s3 =	simm.s32 $0x0;
	[sflag:s30] =	ssyncadd.s32 $0xFFFFCE00  }
0x2ef: {  	v16 =	vld [tilespmem:s3+$0xFE80]  }
0x2f0: {  	v17 =	vld [tilespmem:s3+$0x16280]  }
0x2f1: {  	v18 =	vld [tilespmem:s3+$0xFE90]  }
0x2f2: {  	v19 =	vld [tilespmem:s3+$0x16290]  }
0x2f3: {  	v20 =	vld [tilespmem:s3+$0xFEA0]  }
0x2f4: {  	v21 =	vld [tilespmem:s3+$0x162A0]  }
0x2f5: {  	v22 =	vld [tilespmem:s3+$0xFEB0]  }
0x2f6: {  	v23 =	vld [tilespmem:s3+$0x162B0]  }
0x2f7: {  	v24 =	vld [tilespmem:s3+$0xFEC0]  }
0x2f8: {  	v25 =	vld [tilespmem:s3+$0x162C0]  }
0x2f9: {  	v26 =	vld [tilespmem:s3+$0xFED0]  }
0x2fa: {  	v27 =	vld [tilespmem:s3+$0x162D0]  }
0x2fb: {  	v28 =	vld [tilespmem:s3+$0xFEE0]  }
0x2fc: {  	v29 =	vld [tilespmem:s3+$0x162E0]  }
0x2fd: {  	v30 =	vld [tilespmem:s3+$0xFEF0]  }
0x2fe: {  	v31 =	vld [tilespmem:s3+$0x162F0]  }
0x2ff: {  	v62 =	vld [tilespmem:s3+$0xFE00]  }
0x300: {  	v63 =	vld [tilespmem:s3+$0x16200]  }
0x301: {  	v50 =	vld [tilespmem:s3+$0x16240];
	v46 =	vadd.f32 v17, v16;
	v45 =	vadd.f32 v19, v18  }
0x302: {  	v52 =	vld [tilespmem:s3+$0xFE50];
	v44 =	vadd.f32 v21, v20;
	v43 =	vadd.f32 v23, v22  }
0x303: {  	v16 =	vld [tilespmem:s3+$0xFE10];
	v42 =	vadd.f32 v25, v24;
	v41 =	vadd.f32 v27, v26  }
0x304: {  	v17 =	vld [tilespmem:s3+$0x16210];
	v40 =	vadd.f32 v29, v28;
	v47 =	vadd.f32 v31, v30  }
0x305: {  	v18 =	vld [tilespmem:s3+$0xFE20];
	v20 =	vadd.f32 v45, v46;
	v21 =	vmul.f32 v46, v46;
	v23 =	vmul.f32 v45, v45  }
0x306: {  	v19 =	vld [tilespmem:s3+$0x16220];
	v24 =	vadd.f32 v43, v44;
	v25 =	vmul.f32 v44, v44;
	v27 =	vmul.f32 v43, v43  }
0x307: {  	v22 =	vld [tilespmem:s3+$0xFE30];
	v28 =	vadd.f32 v41, v42;
	v29 =	vmul.f32 v42, v42;
	v31 =	vmul.f32 v41, v41  }
0x308: {  	v26 =	vld [tilespmem:s3+$0x16230];
	v48 =	vadd.f32 v47, v40;
	v49 =	vmul.f32 v40, v40;
	v51 =	vmul.f32 v47, v47  }
0x309: {  	v30 =	vld [tilespmem:s3+$0xFE40];
	v21 =	vadd.f32 v23, v21;
	v23 =	vadd.f32 v27, v25  }
0x30a: {  	v25 =	vld [tilespmem:s3+$0x16250];
	v27 =	vadd.f32 v31, v29;
	v29 =	vadd.f32 v51, v49  }
0x30b: {  	v20 =	vadd.f32 v24, v20;
	v24 =	vadd.f32 v48, v28;
	v28 =	vld [tilespmem:s3+$0xFE60]  }
0x30c: {  	v31 =	vld [tilespmem:s3+$0x16260];
	v21 =	vadd.f32 v23, v21;
	v23 =	vadd.f32 v29, v27  }
0x30d: {  	v24 =	vadd.f32 v24, v20;
	v27 =	vld [tilespmem:s3+$0xFE70]  }
0x30e: {  	v18 =	vadd.f32 v19, v18;
	v29 =	vld [tilespmem:s3+$0x16270];
	v23 =	vadd.f32 v23, v21  }
0x30f: {  	v19 =	vadd.f32 v26, v22;
	v20 =	vadd.f32 v63, v62;
	(xrf2) =	vadd.scan.msk.f32 $0xffff, v24  }
0x310: {  	v53 =	vmul.f32 v18, v18;
	v21 =	vadd.f32 v17, v16;
	v17 =	vadd.f32 v50, v30;
	(xrf2) =	vadd.scan.msk.f32 $0xffff, v23  }
0x311: {  	v24 =	vmul.f32 v20, v20;
	v30 =	vadd.f32 v19, v18;
	v16 =	vadd.f32 v25, v52  }
0x312: {  	v25 =	vmul.f32 v21, v21;
	v26 =	vadd.f32 v21, v20;
	v23 =	vadd.f32 v31, v28  }
0x313: {  	v28 =	vmul.f32 v17, v17;
	v22 =	vadd.f32 v29, v27;
	v27 =	vmul.f32 v19, v19  }
0x314: {  	v29 =	vadd.f32 v16, v17;
	v31 =	vmul.f32 v16, v16;
	v24 =	vadd.f32 v25, v24  }
0x315: {  	v25 =	vmul.f32 v23, v23;
	v54 =	vmul.f32 v22, v22;
	v27 =	vadd.f32 v27, v53  }
0x316: {  	v26 =	vadd.f32 v30, v26;
	v30 =	vadd.f32 v22, v23  }
0x317: {  	s14 =	simm.s32 $0x100;
	v28 =	vadd.f32 v31, v28;
	v25 =	vadd.f32 v54, v25  }
0x318: {  	v55 =	vld [tilespmem:s14+$0x162B0];
	v29 =	vadd.f32 v30, v29  }
0x319: {  	v56 =	vld [tilespmem:s14+$0xFEC0];
	v24 =	vadd.f32 v27, v24;
	v25 =	vadd.f32 v25, v28;
	v27, _, _ =	vpop (xrf2)  }
0x31a: {  	v57 =	vld [tilespmem:s14+$0x162C0];
	v26 =	vadd.f32 v29, v26;
	(v2sf) =	vpush v27, $0xF;
	v27, _, _ =	vpop (xrf2)  }
0x31b: {  	v58 =	vld [tilespmem:s14+$0xFED0];
	v24 =	vadd.f32 v25, v24;
	(v2sf) =	vpush v27, $0xF  }
0x31c: {  	v59 =	vld [tilespmem:s14+$0x162D0];
	(xrf2) =	vadd.scan.msk.f32 $0xffff, v26  }
0x31d: {  	v60 =	vld [tilespmem:s14+$0xFEE0];
	(xrf2) =	vadd.scan.msk.f32 $0xffff, v24  }
0x31e: {  	v61 =	vld [tilespmem:s14+$0x162E0]  }
0x31f: {  	v34 =	vld [tilespmem:s14+$0xFE20]  }
0x320: {  	v35 =	vld [tilespmem:s14+$0x16220]  }
0x321: {  	v38 =	vld [tilespmem:s14+$0xFE30]  }
0x322: {  	v49 =	vld [tilespmem:s14+$0xFE00]  }
0x323: {  	v50 =	vld [tilespmem:s14+$0x16200]  }
0x324: {  	v31 =	vld [tilespmem:s14+$0xFEB0]  }
0x325: {  	v30 =	vld [tilespmem:s14+$0x162A0]  }
0x326: {  	v54 =	vld [tilespmem:s14+$0x16230];
	v27, _, _ =	vpop (xrf2)  }
0x327: {  	v28 =	vld [tilespmem:s14+$0x16290];
	(v2sf) =	vpush v27, $0xF;
	v27, _, _ =	vpop (xrf2)  }
0x328: {  	v29 =	vld [tilespmem:s14+$0xFEA0];
	(v2sf) =	vpush v27, $0xF  }
0x329: {  	v25 =	vld [tilespmem:s14+$0x16280];
	s13 =	spop (v2sf)  }
0x32a: {  	v24 =	vld [tilespmem:s14+$0xFE80];
	s10 =	smul.f32 $7.812500000e-03, s13;
	s15 =	spop (v2sf)  }
0x32b: {  	v26 =	vld [tilespmem:s14+$0xFE90];
	s1 =	smul.f32 $7.812500000e-03, s15  }
0x32c: {  	v48 =	vld [tilespmem:s14+$0x162F0];
	s16 =	smul.f32 s10, s10  }
0x32d: {  	v34 =	vadd.f32 v35, v34;
	v62 =	vld [tilespmem:s14+$0xFEF0];
	v32 =	vadd.f32 v50, v49  }
0x32e: {  	v35 =	vadd.f32 v54, v38;
	v29 =	vadd.f32 v30, v29;
	s1 =	ssub.f32 s1, s16  }
0x32f: {  	v30 =	vadd.f32 v61, v60;
	v27 =	vadd.f32 v25, v24  }
0x330: {  	v25 =	vadd.f32 v28, v26;
	v26 =	vadd.f32 v55, v31;
	s1 =	sadd.f32 $9.999999960e-13, s1  }
0x331: {  	v51 =	vld [tilespmem:s14+$0xFE10];
	v53 =	vmul.f32 v29, v29;
	v24 =	vadd.f32 v57, v56;
	v28 =	vadd.f32 v59, v58  }
0x332: {  	v52 =	vld [tilespmem:s14+$0x16210];
	v31 =	vadd.f32 v48, v62;
	v58 =	vmul.f32 v30, v30;
	v63 =	vadd.f32 v25, v27;
	s17 =	sshra.s32 s1, $0x1;
	s1 =	smul.f32 $-5.000000000e-01, s1  }
0x333: {  	v49 =	vld [tilespmem:s14+$0xFE40];
	v60 =	vadd.f32 v26, v29;
	v37 =	vmul.f32 v27, v27;
	v39 =	vadd.f32 v28, v24;
	s4 =	ssub.s32 $0x5F3759DF, s17  }
0x334: {  	v54 =	vld [tilespmem:s14+$0x16270];
	v48 =	vmul.f32 v25, v25;
	v55 =	vadd.f32 v31, v30;
	v56 =	vmul.f32 v26, v26;
	s19 =	smul.f32 s4, s1  }
0x335: {  	v59 =	vld [tilespmem:s14+$0x16240];
	v57 =	vmul.f32 v24, v24;
	v50 =	vmul.f32 v28, v28;
	v36 =	vadd.f32 v60, v63  }
0x336: {  	v62 =	vld [tilespmem:s14+$0x16250];
	v33 =	vmul.f32 v31, v31;
	v37 =	vadd.f32 v48, v37;
	v61 =	vadd.f32 v56, v53;
	s20 =	spop (v2sf);
	s31 =	smul.f32 s4, s19  }
0x337: {  	v60 =	vld [tilespmem:s14+$0xFE50];
	v50 =	vadd.f32 v50, v57;
	v39 =	vadd.f32 v55, v39;
	s9 =	smul.f32 $7.812500000e-03, s20;
	s16 =	spop (v2sf)  }
0x338: {  	v63 =	vadd.f32 v33, v58;
	v33 =	vadd.f32 v52, v51;
	v51 =	vld [tilespmem:s14+$0xFE60];
	s13 =	smul.f32 $7.812500000e-03, s16;
	s15 =	sadd.f32 $1.500000000e+00, s31  }
0x339: {  	v52 =	vld [tilespmem:s14+$0x16260];
	v53 =	vmul.f32 v34, v34;
	v36 =	vadd.f32 v39, v36;
	s17 =	smul.f32 s9, s9  }
0x33a: {  	v56 =	vmul.f32 v35, v35;
	v37 =	vadd.f32 v61, v37;
	v58 =	vadd.f32 v63, v50;
	v39 =	vld [tilespmem:s14+$0xFE70];
	s4 =	smul.f32 s4, s15  }
0x33b: {  	(xrf2) =	vadd.scan.msk.f32 $0xffff, v36;
	s12 =	ssub.f32 s13, s17  }
0x33c: {  	v53 =	vadd.f32 v56, v53;
	v61 =	vadd.f32 v58, v37;
	s1 =	smul.f32 s4, s1  }
0x33d: {  	v36 =	vadd.f32 v59, v49;
	v49 =	vadd.f32 v33, v32;
	s12 =	sadd.f32 $9.999999960e-13, s12  }
0x33e: {  	v37 =	vadd.f32 v62, v60;
	v62 =	vadd.f32 v35, v34;
	(xrf2) =	vadd.scan.msk.f32 $0xffff, v61;
	s1 =	smul.f32 s1, s4  }
0x33f: {  	v50 =	vmul.f32 v32, v32;
	v38 =	vadd.f32 v52, v51;
	v39 =	vadd.f32 v54, v39;
	s19 =	sshra.s32 s12, $0x1;
	s12 =	smul.f32 $-5.000000000e-01, s12  }
0x340: {  	v63 =	vmul.f32 v36, v36;
	v60 =	vadd.f32 v37, v36;
	v61 =	vmul.f32 v37, v37;
	s13 =	ssub.s32 $0x5F3759DF, s19;
	s1 =	sadd.f32 $1.500000000e+00, s1  }
0x341: {  	v48 =	vmul.f32 v33, v33;
	v49 =	vadd.f32 v62, v49;
	v54 =	vadd.f32 v39, v38;
	s20 =	smul.f32 s13, s12  }
0x342: {  	v62 =	vmul.f32 v38, v38;
	v52 =	vadd.f32 v61, v63;
	v63 =	vmul.f32 v39, v39;
	s1 =	smul.f32 s1, s4  }
0x343: {  	v48 =	vadd.f32 v48, v50;
	v51 =	vadd.f32 v54, v60;
	s4 =	smul.f32 s13, s20  }
0x344: {  	v50 =	vadd.f32 v63, v62;
	s10 =	smul.f32 s1, s10  }
0x345: {  	v48 =	vadd.f32 v53, v48;
	v59 =	vadd.f32 v51, v49;
	v57, _, _ =	vpop (xrf2);
	v47 =	vmul.f32 s1, v47;
	s4 =	sadd.f32 $1.500000000e+00, s4  }
0x346: {  	v60 =	vadd.f32 v50, v52;
	(v2sf) =	vpush v57, $0xF;
	v56 =	vmov s10  }
0x347: {  	v46 =	vmul.f32 s1, v46;
	v45 =	vmul.f32 s1, v45;
	s17 =	smul.f32 s13, s4;
	v47 =	vsub.f32 v47, v56  }
0x348: {  	v48 =	vadd.f32 v60, v48;
	v62, _, _ =	vpop (xrf2);
	v44 =	vmul.f32 s1, v44;
	v58 =	vmul.f32 s1, v43  }
0x349: {  	(v2sf) =	vpush v62, $0xF;
	v61 =	vmul.f32 s1, v42;
	s4 =	smul.f32 s17, s12;
	v47 =	vmul.f32 v47, v7  }
0x34a: {  	(xrf2) =	vadd.scan.msk.f32 $0xffff, v59;
	v63 =	vmul.f32 s1, v41;
	v46 =	vsub.f32 v46, v56;
	v45 =	vsub.f32 v45, v56  }
0x34b: {  	v40 =	vmul.f32 s1, v40;
	v42 =	vsub.f32 v44, v56;
	s31 =	smul.f32 s4, s17;
	v47 =	vadd.f32 v47, v15  }
0x34c: {  	(xrf2) =	vadd.scan.msk.f32 $0xffff, v48;
	v44 =	vsub.f32 v58, v56;
	v41 =	vsub.f32 v61, v56;
	v43 =	vmul.f32 v46, v0  }
0x34d: {  	s16 =	simm.s32 $0x800;
	s15 =	simm.s32 $0x2;
	v40 =	vsub.f32 v40, v56;
	v46 =	vmul.f32 v45, v1;
	v45 =	vsub.f32 v63, v56;
	s4 =	sadd.f32 $1.500000000e+00, s31;
	[tilespmem:s3+$0xFEF0] =	vst v47  }
.LBB2_11:
0x34e: {  	s12 =	sshra.s32 s16, $0x2;
	v43 =	vadd.f32 v43, v8;
	v42 =	vmul.f32 v42, v2;
	v44 =	vmul.f32 v44, v3  }
0x34f: {  	v41 =	vmul.f32 v41, v4;
	v47 =	vld [tilespmem:s12+$0xFE80];
	s1 =	smul.f32 s4, s17;
	v46 =	vadd.f32 v46, v9;
	v45 =	vmul.f32 v45, v5  }
0x350: {  	v40 =	vmul.f32 v40, v6;
	v48 =	vld [tilespmem:s12+$0x16280];
	[tilespmem:s3+$0xFE80] =	vst v43;
	v42 =	vadd.f32 v42, v10;
	v43 =	vadd.f32 v44, v11  }
0x351: {  	v41 =	vadd.f32 v41, v12;
	v44 =	vld [tilespmem:s12+$0xFE90];
	s4 =	smul.f32 s1, s9;
	v49 =	vmul.f32 s1, v20;
	v50 =	vmul.f32 s1, v21;
	[tilespmem:s3+$0xFE90] =	vst v46;
	v20 =	vmovc v32;
	v21 =	vmovc v33  }
0x352: {  	v33 =	vmul.f32 s1, v18;
	v46 =	vmul.f32 s1, v19;
	v18 =	vmovc v34;
	v19 =	vmovc v35;
	v32 =	vld [tilespmem:s12+$0x16290];
	[tilespmem:s3+$0xFEA0] =	vst v42;
	v42 =	vadd.f32 v45, v13  }
0x353: {  	v51 =	vmul.f32 s1, v16;
	v16 =	vmovc v37;
	v45 =	vmul.f32 s1, v17;
	v17 =	vmovc v36;
	v34 =	vld [tilespmem:s12+$0xFEA0];
	v35 =	vmov s4;
	[tilespmem:s3+$0xFEB0] =	vst v43  }
0x354: {  	v52 =	vmul.f32 s1, v22;
	v36 =	vld [tilespmem:s12+$0x162A0];
	v37, _, _ =	vpop (xrf2);
	v53 =	vsub.f32 v49, v35;
	v49 =	vmul.f32 s1, v23;
	[tilespmem:s3+$0xFEC0] =	vst v41  }
0x355: {  	v22 =	vmovc v39;
	v23 =	vmov v38;
	v41 =	vld [tilespmem:s12+$0xFEB0];
	(v2sf) =	vpush v37, $0xF;
	v37 =	vsub.f32 v50, v35;
	[tilespmem:s3+$0xFED0] =	vst v42  }
0x356: {  	v33 =	vsub.f32 v33, v35;
	v42 =	vsub.f32 v46, v35;
	v38 =	vld [tilespmem:s12+$0x162B0];
	v39 =	vmul.f32 v53, v0  }
0x357: {  	v45 =	vsub.f32 v45, v35;
	v50 =	vsub.f32 v51, v35;
	v46 =	vld [tilespmem:s12+$0xFEC0];
	v43, _, _ =	vpop (xrf2);
	v37 =	vmul.f32 v37, v1  }
0x358: {  	v33 =	vmul.f32 v33, v2;
	v51 =	vld [tilespmem:s12+$0x162C0];
	(v2sf) =	vpush v43, $0xF;
	s1 =	spop (v2sf);
	v43 =	vsub.f32 v49, v35  }
0x359: {  	v45 =	vmul.f32 v45, v4;
	v42 =	vmul.f32 v42, v3;
	v35 =	vsub.f32 v52, v35;
	v49 =	vld [tilespmem:s12+$0xFED0];
	s10 =	smul.f32 $7.812500000e-03, s1;
	s1 =	spop (v2sf)  }
0x35a: {  	v50 =	vmul.f32 v50, v5;
	v39 =	vadd.f32 v39, v8;
	v52 =	vld [tilespmem:s12+$0x162D0];
	s1 =	smul.f32 $7.812500000e-03, s1;
	v43 =	vmul.f32 v43, v6  }
0x35b: {  	v33 =	vadd.f32 v33, v10;
	v37 =	vadd.f32 v37, v9;
	v35 =	vmul.f32 v35, v7;
	v53 =	vld [tilespmem:s12+$0xFEE0];
	s4 =	smul.f32 s10, s10  }
0x35c: {  	v54 =	vld [tilespmem:s12+$0x162E0];
	[tilespmem:s3+$0xFE00] =	vst v39;
	v39 =	vadd.f32 v42, v11;
	v42 =	vadd.f32 v45, v12  }
0x35d: {  	v55 =	vld [tilespmem:s12+$0xFEF0];
	s1 =	ssub.f32 s1, s4;
	[tilespmem:s3+$0xFE10] =	vst v37;
	v37 =	vadd.f32 v50, v13;
	v50 =	vadd.f32 v43, v14  }
0x35e: {  	v56 =	vld [tilespmem:s12+$0x162F0];
	[tilespmem:s3+$0xFE20] =	vst v33;
	v33 =	vadd.f32 v35, v15;
	v35 =	vadd.f32 v40, v14  }
0x35f: {  	v57 =	vld [tilespmem:s12+$0xFE00];
	s1 =	sadd.f32 $9.999999960e-13, s1;
	[tilespmem:s3+$0xFE30] =	vst v39  }
0x360: {  	v47 =	vadd.f32 v48, v47;
	v45 =	vadd.f32 v32, v44;
	v39 =	vld [tilespmem:s12+$0x16200];
	[tilespmem:s3+$0xFE40] =	vst v42  }
0x361: {  	s15 =	sadd.s32 $0x2, s15;
	v43 =	vadd.f32 v38, v41;
	v42 =	vadd.f32 v36, v34;
	v48 =	vld [tilespmem:s12+$0xFE10];
	s4 =	sshra.s32 s1, $0x1;
	s17 =	smul.f32 $-5.000000000e-01, s1;
	[tilespmem:s3+$0xFE50] =	vst v37  }
0x362: {  	p0 =	slt.u32 s15, $0x62;
	v44 =	vadd.f32 v51, v46;
	v41 =	vadd.f32 v52, v49;
	v34 =	vld [tilespmem:s12+$0x16210];
	s1 =	ssub.s32 $0x5F3759DF, s4;
	[tilespmem:s3+$0xFE60] =	vst v50  }
0x363: {  	v40 =	vadd.f32 v54, v53;
	v36 =	vld [tilespmem:s12+$0xFE20];
	v46 =	vadd.f32 v56, v55;
	s4 =	smul.f32 s1, s17;
	[tilespmem:s3+$0xFE70] =	vst v33  }
0x364: {  	v49 =	vmul.f32 v47, v47;
	v38 =	vadd.f32 v43, v42;
	v33 =	vadd.f32 v45, v47;
	v37 =	vld [tilespmem:s12+$0x16220];
	s9 =	spop (v2sf);
	[tilespmem:s3+$0xFEE0] =	vst v35;
	s3 =	smov.u32 s14;
	s14 =	smov.u32 s12  }
0x365: {  	v51 =	vmul.f32 v45, v45;
	v50 =	vadd.f32 v41, v44;
	v52 =	vmul.f32 v42, v42;
	v35 =	vld [tilespmem:s14+$0xFE30];
	s4 =	smul.f32 s1, s4  }
0x366: {  	v55 =	vmul.f32 v43, v43;
	v56 =	vmul.f32 v44, v44;
	v54 =	vadd.f32 v46, v40;
	s9 =	smul.f32 $7.812500000e-03, s9;
	v53 =	vld [tilespmem:s14+$0x16230]  }
0x367: {  	s4 =	sadd.f32 $1.500000000e+00, s4;
	s12 =	spop (v2sf)  }
0x368: {  	v58 =	vmul.f32 v40, v40;
	v32 =	vadd.f32 v39, v57;
	v57 =	vmul.f32 v41, v41;
	v39 =	vld [tilespmem:s14+$0xFE40];
	s12 =	smul.f32 $7.812500000e-03, s12  }
0x369: {  	v38 =	vadd.f32 v38, v33;
	v33 =	vmul.f32 v46, v46;
	v50 =	vadd.f32 v54, v50;
	v59 =	vld [tilespmem:s14+$0x16240];
	s1 =	smul.f32 s1, s4  }
0x36a: {  	v49 =	vadd.f32 v51, v49;
	v51 =	vadd.f32 v55, v52;
	v60 =	vmul.f32 v32, v32;
	v54 =	vld [tilespmem:s14+$0xFE50];
	s4 =	smul.f32 s9, s9  }
0x36b: {  	v55 =	vadd.f32 v57, v56;
	v56 =	vadd.f32 v33, v58;
	v52 =	vld [tilespmem:s14+$0x16250];
	s13 =	smul.f32 s1, s17  }
0x36c: {  	v33 =	vadd.f32 v34, v48;
	v38 =	vadd.f32 v50, v38;
	v48 =	vld [tilespmem:s14+$0xFE60];
	s4 =	ssub.f32 s12, s4  }
0x36d: {  	v49 =	vadd.f32 v51, v49;
	v51 =	vadd.f32 v56, v55;
	v50 =	vld [tilespmem:s14+$0x16260];
	s12 =	smul.f32 s13, s1  }
0x36e: {  	v34 =	vadd.f32 v37, v36;
	v55 =	vmul.f32 v33, v33;
	v35 =	vadd.f32 v53, v35;
	v53 =	vld [tilespmem:s14+$0xFE70];
	(xrf2) =	vadd.scan.msk.f32 $0xffff, v38;
	s4 =	sadd.f32 $9.999999960e-13, s4  }
0x36f: {  	v36 =	vadd.f32 v59, v39;
	v38 =	vadd.f32 v51, v49;
	v39 =	vld [tilespmem:s14+$0x16270];
	s12 =	sadd.f32 $1.500000000e+00, s12  }
0x370: {  	v49 =	vadd.f32 v33, v32;
	v51 =	vmul.f32 v34, v34;
	v37 =	vadd.f32 v52, v54;
	s13 =	sshra.s32 s4, $0x1;
	s4 =	smul.f32 $-5.000000000e-01, s4  }
0x371: {  	v52 =	vadd.f32 v35, v34;
	v54 =	vmul.f32 v35, v35;
	v56 =	vmul.f32 v36, v36;
	(xrf2) =	vadd.scan.msk.f32 $0xffff, v38;
	s13 =	ssub.s32 $0x5F3759DF, s13;
	s1 =	smul.f32 s12, s1  }
0x372: {  	v38 =	vadd.f32 v50, v48;
	v48 =	vadd.f32 v37, v36;
	v50 =	vmul.f32 v37, v37;
	s12 =	smul.f32 s13, s4  }
0x373: {  	v49 =	vadd.f32 v52, v49;
	v52 =	vadd.f32 v55, v60;
	s10 =	smul.f32 s1, s10  }
0x374: {  	v51 =	vadd.f32 v54, v51;
	v39 =	vadd.f32 v39, v53;
	v53 =	vmul.f32 v38, v38;
	s12 =	smul.f32 s13, s12  }
0x375: {  	v50 =	vadd.f32 v50, v56;
	v54 =	vmul.f32 s1, v27;
	v55 =	vmul.f32 s1, v31;
	v27 =	vmovc v47;
	v31 =	vmovc v46  }
0x376: {  	v46 =	vadd.f32 v39, v38;
	v57 =	vmul.f32 v39, v39;
	v56 =	vmov s10;
	s10 =	sadd.f32 $1.500000000e+00, s12  }
0x377: {  	v51 =	vadd.f32 v51, v52;
	v52 =	vmul.f32 s1, v25;
	v25 =	vmovc v45;
	v55 =	vsub.f32 v55, v56  }
0x378: {  	v45 =	vadd.f32 v46, v48;
	v46 =	vadd.f32 v57, v53;
	v47, _, _ =	vpop (xrf2);
	v48 =	vmul.f32 s1, v29;
	s17 =	smul.f32 s13, s10  }
0x379: {  	v53 =	vsub.f32 v54, v56;
	v54 =	vmul.f32 s1, v26;
	v29 =	vmovc v42;
	v26 =	vmovc v43;
	v55 =	vmul.f32 v55, v7  }
0x37a: {  	v42 =	vadd.f32 v45, v49;
	v43 =	vadd.f32 v46, v50;
	v45 =	vmul.f32 s1, v24;
	v24 =	vmovc v44;
	s4 =	smul.f32 s17, s4  }
.Ltmp4:
0x37b: {  	(v2sf) =	vpush v47, $0xF;
	v44, _, _ =	vpop (xrf2);
	v47 =	vmul.f32 s1, v28;
	v46 =	vadd.f32 v55, v15;
	(pc) =	sbr.rel @p0 .LBB2_11-.Ltmp4, $4  }
0x37c: {  	v50 =	vmul.f32 s1, v30;
	v28 =	vmovc v41;
	v49 =	vadd.f32 v43, v51;
	(xrf2) =	vadd.scan.msk.f32 $0xffff, v42;
	(v2sf) =	vpush v44, $0xF  }
0x37d: {  	s1 =	smul.f32 s4, s17;
	v43 =	vmul.f32 v53, v0;
	v51 =	vsub.f32 v52, v56;
	v42 =	vsub.f32 v48, v56;
	[tilespmem:s3+$0xFEF0] =	vst v46  }
0x37e: {  	v30 =	vmov v40;
	v44 =	vsub.f32 v54, v56;
	v41 =	vsub.f32 v45, v56  }
0x37f: {  	s16 =	sadd.s32 $0x400, s16;
	v40 =	vsub.f32 v50, v56;
	v45 =	vsub.f32 v47, v56;
	s4 =	sadd.f32 $1.500000000e+00, s1;
	v46 =	vmul.f32 v51, v1;
	(xrf2) =	vadd.scan.msk.f32 $0xffff, v49  }
0x380: {  	_ =	sdelay $0x6  }
0x381: {  	v47, _, _ =	vpop (xrf2)  }
0x382: {  	(v2sf) =	vpush v47, $0xF;
	_ =	sdelay $0x1  }
0x383: {  	v58, _, _ =	vpop (xrf2);
	s1 =	spop (v2sf)  }
0x384: {  	(v2sf) =	vpush v58, $0xF;
	s12 =	smul.f32 $7.812500000e-03, s1;
	s19 =	spop (v2sf)  }
0x385: {  	s1 =	smul.f32 $7.812500000e-03, s19  }
0x386: {  	s10 =	smul.f32 s12, s12;
	_ =	sdelay $0x1  }
0x387: {  	s1 =	ssub.f32 s1, s10;
	_ =	sdelay $0x1  }
0x388: {  	s1 =	sadd.f32 $9.999999960e-13, s1;
	_ =	sdelay $0x1  }
0x389: {  	s20 =	sshra.s32 s1, $0x1;
	s1 =	smul.f32 $-5.000000000e-01, s1  }
0x38a: {  	s13 =	ssub.s32 $0x5F3759DF, s20  }
0x38b: {  	s10 =	smul.f32 s13, s1;
	_ =	sdelay $0x1  }
0x38c: {  	s15 =	spop (v2sf);
	s16 =	smul.f32 s13, s10  }
0x38d: {  	s10 =	smul.f32 $7.812500000e-03, s15;
	_ =	sdelay $0x1  }
0x38e: {  	s31 =	spop (v2sf);
	s19 =	smul.f32 s10, s10  }
0x38f: {  	s15 =	smul.f32 $7.812500000e-03, s31  }
0x390: {  	v43 =	vadd.f32 v43, v8;
	v42 =	vmul.f32 v42, v2;
	v44 =	vmul.f32 v44, v3  }
0x391: {  	v41 =	vmul.f32 v41, v4;
	s4 =	smul.f32 s4, s17;
	v46 =	vadd.f32 v46, v9;
	v45 =	vmul.f32 v45, v5;
	s15 =	ssub.f32 s15, s19  }
0x392: {  	v40 =	vmul.f32 v40, v6;
	v42 =	vadd.f32 v42, v10;
	v44 =	vadd.f32 v44, v11;
	s16 =	sadd.f32 $1.500000000e+00, s16  }
0x393: {  	v41 =	vadd.f32 v41, v12;
	s9 =	smul.f32 s4, s9;
	v20 =	vmul.f32 s4, v20;
	v21 =	vmul.f32 s4, v21;
	s15 =	sadd.f32 $9.999999960e-13, s15  }
0x394: {  	v18 =	vmul.f32 s4, v18;
	v19 =	vmul.f32 s4, v19;
	v45 =	vadd.f32 v45, v13;
	s13 =	smul.f32 s13, s16  }
0x395: {  	v17 =	vmul.f32 s4, v17;
	v60 =	vadd.f32 v40, v14;
	v59 =	vmov s9;
	s17 =	sshra.s32 s15, $0x1;
	s15 =	smul.f32 $-5.000000000e-01, s15  }
0x396: {  	v16 =	vmul.f32 s4, v16;
	v20 =	vsub.f32 v20, v59;
	v21 =	vsub.f32 v21, v59;
	s1 =	smul.f32 s13, s1;
	s9 =	ssub.s32 $0x5F3759DF, s17  }
0x397: {  	v23 =	vmul.f32 s4, v23;
	v18 =	vsub.f32 v18, v59;
	v19 =	vsub.f32 v19, v59;
	s19 =	smul.f32 s9, s15  }
0x398: {  	v22 =	vmul.f32 s4, v22;
	v17 =	vsub.f32 v17, v59;
	v16 =	vsub.f32 v16, v59;
	s1 =	smul.f32 s1, s13  }
0x399: {  	v23 =	vsub.f32 v23, v59;
	v20 =	vmul.f32 v20, v0;
	v21 =	vmul.f32 v21, v1;
	s4 =	smul.f32 s9, s19  }
0x39a: {  	[tilespmem:s3+$0xFE80] =	vst v43;
	v22 =	vsub.f32 v22, v59;
	v18 =	vmul.f32 v18, v2;
	v19 =	vmul.f32 v19, v3;
	s1 =	sadd.f32 $1.500000000e+00, s1  }
0x39b: {  	[tilespmem:s3+$0xFE90] =	vst v46;
	v17 =	vmul.f32 v17, v4;
	v16 =	vmul.f32 v16, v5;
	v20 =	vadd.f32 v20, v8;
	s4 =	sadd.f32 $1.500000000e+00, s4  }
0x39c: {  	[tilespmem:s3+$0xFEA0] =	vst v42;
	v23 =	vmul.f32 v23, v6;
	v21 =	vadd.f32 v21, v9;
	v18 =	vadd.f32 v18, v10;
	s1 =	smul.f32 s1, s13  }
0x39d: {  	[tilespmem:s3+$0xFEB0] =	vst v44;
	v22 =	vmul.f32 v22, v7;
	v19 =	vadd.f32 v19, v11;
	v17 =	vadd.f32 v17, v12;
	s4 =	smul.f32 s9, s4  }
0x39e: {  	[tilespmem:s3+$0xFEC0] =	vst v41;
	v16 =	vadd.f32 v16, v13;
	v23 =	vadd.f32 v23, v14;
	s12 =	smul.f32 s1, s12;
	v31 =	vmul.f32 s1, v31  }
0x39f: {  	[tilespmem:s3+$0xFED0] =	vst v45;
	v22 =	vadd.f32 v22, v15;
	v27 =	vmul.f32 s1, v27;
	v25 =	vmul.f32 s1, v25;
	s9 =	smul.f32 s4, s15  }
0x3a0: {  	[tilespmem:s3+$0xFEE0] =	vst v60;
	v29 =	vmul.f32 s1, v29;
	v26 =	vmul.f32 s1, v26;
	v41 =	vmov s12  }
0x3a1: {  	[tilespmem:s3+$0xFE00] =	vst v20;
	v63 =	vmul.f32 s1, v24;
	v40 =	vmul.f32 s1, v28;
	v31 =	vsub.f32 v31, v41;
	s9 =	smul.f32 s9, s4  }
0x3a2: {  	[tilespmem:s3+$0xFE10] =	vst v21;
	v43 =	vmul.f32 s1, v30;
	v61 =	vsub.f32 v27, v41;
	v25 =	vsub.f32 v25, v41  }
0x3a3: {  	[tilespmem:s3+$0xFE40] =	vst v17;
	v44 =	vsub.f32 v29, v41;
	v45 =	vsub.f32 v26, v41;
	v62 =	vmul.f32 v31, v7;
	s20 =	sadd.f32 $1.500000000e+00, s9  }
0x3a4: {  	[tilespmem:s3+$0xFE50] =	vst v16;
	v16 =	vsub.f32 v63, v41;
	v17 =	vmul.f32 v61, v0;
	v25 =	vmul.f32 v25, v1  }
0x3a5: {  	[tilespmem:s3+$0xFE20] =	vst v18;
	v46 =	vsub.f32 v40, v41;
	v47 =	vmul.f32 v44, v2;
	v21 =	vmul.f32 v45, v3;
	s1 =	smul.f32 s20, s4  }
0x3a6: {  	[tilespmem:s3+$0xFE30] =	vst v19;
	v16 =	vmul.f32 v16, v4;
	v42 =	vadd.f32 v62, v15;
	v17 =	vadd.f32 v17, v8  }
0x3a7: {  	[tilespmem:s3+$0xFE60] =	vst v23;
	v18 =	vmul.f32 v46, v5;
	v48 =	vadd.f32 v25, v9;
	v49 =	vadd.f32 v47, v10;
	s4 =	smul.f32 s1, s10  }
0x3a8: {  	[tilespmem:s3+$0xFE70] =	vst v22;
	v50 =	vadd.f32 v21, v11;
	v16 =	vadd.f32 v16, v12;
	v51 =	vmul.f32 s1, v32  }
0x3a9: {  	v18 =	vadd.f32 v18, v13;
	[tilespmem:s14+$0xFEF0] =	vst v42;
	v52 =	vmul.f32 s1, v33;
	v54 =	vmov s4  }
0x3aa: {  	[tilespmem:s14+$0xFE80] =	vst v17;
	v53 =	vmul.f32 s1, v34;
	v17 =	vmul.f32 s1, v35;
	v21 =	vsub.f32 v51, v54  }
0x3ab: {  	[tilespmem:s14+$0xFE90] =	vst v48;
	v55 =	vmul.f32 s1, v36;
	v56 =	vmul.f32 s1, v37;
	v24 =	vsub.f32 v52, v54  }
0x3ac: {  	[tilespmem:s14+$0xFEA0] =	vst v49;
	v57 =	vmul.f32 s1, v38;
	v19 =	vsub.f32 v53, v54;
	v21 =	vmul.f32 v21, v0  }
0x3ad: {  	[tilespmem:s14+$0xFEB0] =	vst v50;
	v58 =	vmul.f32 s1, v39;
	v17 =	vsub.f32 v17, v54;
	v24 =	vmul.f32 v24, v1  }
0x3ae: {  	[tilespmem:s14+$0xFEC0] =	vst v16;
	v16 =	vsub.f32 v55, v54;
	v19 =	vmul.f32 v19, v2;
	v21 =	vadd.f32 v21, v8  }
0x3af: {  	[tilespmem:s14+$0xFED0] =	vst v18;
	v59 =	vsub.f32 v56, v54;
	v17 =	vmul.f32 v17, v3;
	v60 =	vadd.f32 v24, v9  }
0x3b0: {  	v22 =	vsub.f32 v57, v54;
	v16 =	vmul.f32 v16, v4;
	v19 =	vadd.f32 v19, v10;
	[tilespmem:s14+$0xFE00] =	vst v21  }
0x3b1: {  	v20 =	vsub.f32 v58, v54;
	v18 =	vmul.f32 v59, v5;
	v17 =	vadd.f32 v17, v11;
	[tilespmem:s14+$0xFE10] =	vst v60  }
0x3b2: {  	v61 =	vsub.f32 v43, v41;
	v22 =	vmul.f32 v22, v6;
	v16 =	vadd.f32 v16, v12;
	[tilespmem:s14+$0xFE20] =	vst v19  }
0x3b3: {  	s2 =	sadd.s32 $0x1, s2;
	v62 =	vmul.f32 v20, v7;
	v18 =	vadd.f32 v18, v13;
	[tilespmem:s14+$0xFE30] =	vst v17  }
0x3b4: {  	p0 =	sne.s32 s2, $0x40;
	s31 =	smul.u32 $0x3200, s5;
	v63 =	vadd.f32 v22, v14;
	v17 =	vmul.f32 v61, v6;
	[tilespmem:s14+$0xFE40] =	vst v16  }
.Ltmp5:
0x3b5: {  	v16 =	vadd.f32 v62, v15;
	[tilespmem:s14+$0xFE50] =	vst v18;
	(pc) =	sbr.rel @p0 .LBB2_4-.Ltmp5, $4  }
0x3b6: {  	s1 =	sadd.s32 s8, s31;
	[tilespmem:s14+$0xFE60] =	vst v63;
	v17 =	vadd.f32 v17, v14  }
0x3b7: {  	s1 =	sshrl.u32 s1, $0x3;
	[tilespmem:s14+$0xFE70] =	vst v16  }
0x3b8: {  	s1 =	sadd.s32 s6, s1;
	[tilespmem:s14+$0xFEE0] =	vst v17  }
0x3b9: {  	[hbm4b:s1+s7] =	stream.linear.scatter [tilespmem:s24], [sflag:$0x8], $0x3200, $0x38;
	[tilespmem:$0x19580] =	vst v63  }
0x3ba: {  	s1 =	simm.s32 $0x7  }
0x3bb: {  	_ =	swait.ge [sflag:s1], $0x3200  }
0x3bc: {  	[sflag:s1] =	ssyncset.done $0x0  }
0x3bd: {  	s2 =	simm.s32 $0x8;
	[sflag:s1] =	ssyncadd.s32 $0xFFFFCE00  }
0x3be: {  	_ =	swait.ge [sflag:s2], $0x3200  }
0x3bf: {  	s3 =	rddreg [dreg:$0xa]  }
0x3c0: {  	s31 =	rddreg [dreg:$0x9];
	s3 =	sadd.s32 $0x1, s3  }
0x3c1: {  	p0 =	sne.s32 s3, s31  }
.Ltmp6:
0x3c2: {  	_ = 	snop;
	(pc) =	sbr.rel @p0 .LBB2_1-.Ltmp6, $3  }
0x3c3: {  	_ =	sdelay $0x1  }
0x3c4: {  	[sflag:s2] =	ssyncset.done $0x0  }
0x3c5: {  	[sflag:s2] =	ssyncadd.s32 $0xFFFFCE00  }
0x3c6: {  	_ =	sfence.sel $0x180000  }
0x3c7: {  	[bflag:$0x0] =	sbarrier.arrive $0xFFFF  }
0x3c8: {  	_ =	strace $0x90000047  }
0x3c9: {  	s0 =	stileid.u32;
	[bflag:$0x2] =	sbarrier.arrive $0xFFFF  }
0x3ca: {  	p0 =	sne.s32 s0, $0x0;
	s0 =	rddreg [dreg:$0x6]  }
0x3cb: {  	s0 =	sadd.s32 @!p0 $0x100000, s0  }
0x3cc: {  	[sflag:s0] =	ssyncadd.tile.s32 @!p0 $0x1;
	_ =	shalt  }
.Lfunc_end2:
_tile_overlayer_lowered:
.L_overlay_start_2:
0x3cd: {  	(tag) =	ssettag $0x2  }
0x3ce: {  	s0 =	rddreg [dreg:$0x0];
	s2 =	stileid.u32  }
0x3cf: {  	s1 =	rddreg [dreg:$0x1];
	p0 =	sne.s32 s2, $0x0  }
0x3d0: {  	s3 =	rddreg [dreg:$0x2];
	[bflag:$0x3] =	sbarrier.arrive $0xFFFF;
	s2 =	simm.s32 @!p0 $0x1C09  }
0x3d1: {  	[timem:s3], [sflag:s2] =	dma.local @!p0 [hbm:s0], s1  }
0x3d2: {  	s0 =	simm.s32 @!p0 $0x9  }
0x3d3: {  	_ =	swait.ge @!p0 [sflag:s0], s1  }
0x3d4: {  	s1 =	ssub.s32 @!p0 $0x0, s1;
	[sflag:s0] =	ssyncset.done @!p0 $0x0  }
0x3d5: {  	[sflag:s0] =	ssyncadd.s32 @!p0 s1  }
0x3d6: {  	[bflag:$0x3] =	sbarrier.arrive $0xFFFF  }
0x3d7: {  	_ =	shalt  }

</sc_bundles>
